<compile_context>
chip_gen: v7x
topology: tpu7x:2x2x1
jax: 0.10.2.dev20260603
libtpu: 0.0.44.dev20260713+nightly
codegen_flags: <defaults>
</compile_context>

<pallas_src>
import functools

import jax
import jax.numpy as jnp
from jax import lax
from jax.experimental import pallas as pl
from jax.experimental.pallas import tpu as pltpu
from jax.experimental.pallas import tpu_sc as plsc

N = 10000
D = 128
E = 320000
NW = 32
CK = 125
P = 2
CPP = E // NW // P // CK
RPT = 624
TAIL = N - 16 * RPT

ROWS_BLK = 2000
GRID = N // ROWS_BLK


def _make_sc_scatter():
    mesh = plsc.VectorSubcoreMesh(core_axis_name="c", subcore_axis_name="s")

    @functools.partial(
        pl.kernel,
        out_type=jax.ShapeDtypeStruct((2 * N, D), jnp.float32),
        mesh=mesh,
        scratch_types=[
            pltpu.VMEM((2 * CPP, CK), jnp.int32),
            pltpu.VMEM((2 * CK, D), jnp.float32),
            pltpu.VMEM_SHARED((N, D), jnp.float32),
            pltpu.SemaphoreType.DMA,
            pltpu.SemaphoreType.DMA,
            pltpu.SemaphoreType.DMA,
            pltpu.SemaphoreType.DMA,
        ],
    )
    def k(m_hbm, ei_hbm, out_hbm,
          idx_v, rows2, acc, sem_ga, sem_gb, sem_sa, sem_sb):
        c = lax.axis_index("c")
        s = lax.axis_index("s")
        wid = s * 2 + c
        row0 = s * RPT

        rows_a = rows2.at[pl.ds(0, CK)]
        rows_b = rows2.at[pl.ds(CK, CK)]

        pltpu.sync_copy(ei_hbm.at[wid * P], idx_v.at[pl.ds(0, CPP)])
        pltpu.sync_copy(ei_hbm.at[NW * P + wid * P], idx_v.at[pl.ds(CPP, CPP)])
        pltpu.async_copy(m_hbm.at[idx_v.at[0]], rows_a, sem_ga)

        ZR = 104

        def zrow(i, _):
            for g in range(D // 16):
                rows_b[i, pl.ds(16 * g, 16)] = jnp.zeros((16,), jnp.float32)
            return 0

        lax.fori_loop(0, ZR, zrow, 0)
        for t in range(RPT // ZR):
            pltpu.sync_copy(rows_b.at[pl.ds(0, ZR)],
                            acc.at[pl.ds(row0 + t * ZR, ZR)])

        @pl.when(s == 15)
        def _():
            pltpu.sync_copy(rows_b.at[pl.ds(0, TAIL)],
                            acc.at[pl.ds(16 * RPT, TAIL)])

        plsc.subcore_barrier()

        for p in range(P):
            if p > 0:
                pltpu.sync_copy(ei_hbm.at[wid * P + p], idx_v.at[pl.ds(0, CPP)])
                pltpu.sync_copy(ei_hbm.at[NW * P + wid * P + p],
                                idx_v.at[pl.ds(CPP, CPP)])
                pltpu.async_copy(m_hbm.at[idx_v.at[0]], rows_a, sem_ga)

            def body(j, _):
                @pl.when(j % 2 == 0)
                def _():
                    @pl.when(j >= 1)
                    def _():
                        pltpu.make_async_copy(
                            rows_b, acc.at[idx_v.at[CPP + j - 1]], sem_sb).wait()

                    @pl.when(j + 1 < CPP)
                    def _():
                        pltpu.async_copy(m_hbm.at[idx_v.at[j + 1]], rows_b, sem_gb)
                    pltpu.make_async_copy(m_hbm.at[idx_v.at[j]], rows_a, sem_ga).wait()
                    pltpu.async_copy(rows_a, acc.at[idx_v.at[CPP + j]], sem_sa,
                                     add=True)

                @pl.when(j % 2 == 1)
                def _():
                    pltpu.make_async_copy(
                        rows_a, acc.at[idx_v.at[CPP + j - 1]], sem_sa).wait()

                    @pl.when(j + 1 < CPP)
                    def _():
                        pltpu.async_copy(m_hbm.at[idx_v.at[j + 1]], rows_a, sem_ga)
                    pltpu.make_async_copy(m_hbm.at[idx_v.at[j]], rows_b, sem_gb).wait()
                    pltpu.async_copy(rows_b, acc.at[idx_v.at[CPP + j]], sem_sb,
                                     add=True)
                return 0

            lax.fori_loop(0, CPP, body, 0)
            pltpu.make_async_copy(
                rows_b, acc.at[idx_v.at[2 * CPP - 1]], sem_sb).wait()
        plsc.subcore_barrier()
        pltpu.sync_copy(acc.at[pl.ds(row0, RPT)],
                        out_hbm.at[pl.ds(c * N + row0, RPT)])

        @pl.when(s == 15)
        def _():
            pltpu.sync_copy(acc.at[pl.ds(16 * RPT, TAIL)],
                            out_hbm.at[pl.ds(c * N + 16 * RPT, TAIL)])

    return k


_sc_scatter = _make_sc_scatter()


def _dense_xw(x, Wn):
    def body(x_ref, wn_ref, m_ref):
        m_ref[...] = jnp.dot(x_ref[...], wn_ref[...],
                             preferred_element_type=jnp.float32)

    return pl.pallas_call(
        body,
        grid=(GRID,),
        in_specs=[
            pl.BlockSpec((ROWS_BLK, D), lambda i: (i, 0)),
            pl.BlockSpec((D, D), lambda i: (0, 0)),
        ],
        out_specs=pl.BlockSpec((ROWS_BLK, D), lambda i: (i, 0)),
        out_shape=jax.ShapeDtypeStruct((N, D), jnp.float32),
    )(x, Wn)


def _dense_self(x, Ws, b):
    def body(x_ref, ws_ref, b_ref, u_ref):
        u_ref[...] = jnp.dot(x_ref[...], ws_ref[...],
                             preferred_element_type=jnp.float32) + b_ref[...]

    return pl.pallas_call(
        body,
        grid=(GRID,),
        in_specs=[
            pl.BlockSpec((ROWS_BLK, D), lambda i: (i, 0)),
            pl.BlockSpec((D, D), lambda i: (0, 0)),
            pl.BlockSpec((1, D), lambda i: (0, 0)),
        ],
        out_specs=pl.BlockSpec((ROWS_BLK, D), lambda i: (i, 0)),
        out_shape=jax.ShapeDtypeStruct((N, D), jnp.float32),
    )(x, Ws, b.reshape(1, D))


def _dense_mid(parts, u, Wn, Ws, b):
    def body(p0_ref, p1_ref, u_ref, wn_ref, m_ref, h_ref):
        h = jnp.maximum(p0_ref[...] + p1_ref[...] + u_ref[...], 0.0)
        h_ref[...] = h
        m_ref[...] = jnp.dot(h, wn_ref[...], preferred_element_type=jnp.float32)

    return pl.pallas_call(
        body,
        grid=(GRID,),
        in_specs=[
            pl.BlockSpec((ROWS_BLK, D), lambda i: (i, 0)),
            pl.BlockSpec((ROWS_BLK, D), lambda i: (i + GRID, 0)),
            pl.BlockSpec((ROWS_BLK, D), lambda i: (i, 0)),
            pl.BlockSpec((D, D), lambda i: (0, 0)),
        ],
        out_specs=[
            pl.BlockSpec((ROWS_BLK, D), lambda i: (i, 0)),
            pl.BlockSpec((ROWS_BLK, D), lambda i: (i, 0)),
        ],
        out_shape=[
            jax.ShapeDtypeStruct((N, D), jnp.float32),
            jax.ShapeDtypeStruct((N, D), jnp.float32),
        ],
    )(parts, parts, u, Wn)


def _dense_final(parts, u, Wfc, bfc):
    C = Wfc.shape[1]

    def body(p0_ref, p1_ref, u_ref, wfc_ref, bfc_ref, o_ref, acc_ref):
        i = pl.program_id(0)

        @pl.when(i == 0)
        def _():
            acc_ref[...] = jnp.zeros_like(acc_ref)

        h = jnp.maximum(p0_ref[...] + p1_ref[...] + u_ref[...], 0.0)
        acc_ref[...] += jnp.sum(h, axis=0, keepdims=True)

        @pl.when(i == GRID - 1)
        def _():
            logits = jnp.dot(acc_ref[...], wfc_ref[...],
                             preferred_element_type=jnp.float32) + bfc_ref[...]
            m = jnp.max(logits, axis=1, keepdims=True)
            e = jnp.exp(logits - m)
            o_ref[...] = e / jnp.sum(e, axis=1, keepdims=True)

    return pl.pallas_call(
        body,
        grid=(GRID,),
        in_specs=[
            pl.BlockSpec((ROWS_BLK, D), lambda i: (i, 0)),
            pl.BlockSpec((ROWS_BLK, D), lambda i: (i + GRID, 0)),
            pl.BlockSpec((ROWS_BLK, D), lambda i: (i, 0)),
            pl.BlockSpec((D, C), lambda i: (0, 0)),
            pl.BlockSpec((1, C), lambda i: (0, 0)),
        ],
        out_specs=pl.BlockSpec((1, C), lambda i: (0, 0)),
        out_shape=jax.ShapeDtypeStruct((1, C), jnp.float32),
        scratch_shapes=[pltpu.VMEM((1, D), jnp.float32)],
        compiler_params=pltpu.CompilerParams(
            dimension_semantics=("arbitrary",)),
    )(parts, parts, u, Wfc, bfc.reshape(1, C))


def kernel(x, edge_index, W1n, b1, W1s, W2n, b2, W2s, Wfc, bfc):
    ei = edge_index.reshape(2 * NW * P, CPP, CK)

    m1 = _dense_xw(x, W1n)
    parts1 = _sc_scatter(m1, ei)
    u1 = _dense_self(x, W1s, b1)
    m2, h1 = _dense_mid(parts1, u1, W2n, W2s, b2)
    parts2 = _sc_scatter(m2, ei)
    u2 = _dense_self(h1, W2s, b2)
    return _dense_final(parts2, u2, Wfc, bfc)

# --- scband reference (transcript-rebuilt; emitter-appended) ---
"""Pipeline reference for scband-fixed-net2-26560077758775 (READ-ONLY COPY).

The authoritative reference and input builder live on the scoring server;
editing this copy changes nothing except your own understanding.
"""

import jax, jax.numpy as jnp
import numpy as np

N = 10000
E = 320000
D = 128
C = 10


def setup_inputs(seed: int = 0) -> dict:
    key = jax.random.key(seed)
    ks = jax.random.split(key, 12)
    x = jax.random.normal(ks[0], (N, D), dtype=jnp.float32)
    edge_index = jax.random.randint(ks[1], (2, E), 0, N, dtype=jnp.int32)
    s = 0.05
    W1n = jax.random.normal(ks[2], (D, D), dtype=jnp.float32) * s
    b1 = jax.random.normal(ks[3], (D,), dtype=jnp.float32) * s
    W1s = jax.random.normal(ks[4], (D, D), dtype=jnp.float32) * s
    W2n = jax.random.normal(ks[5], (D, D), dtype=jnp.float32) * s
    b2 = jax.random.normal(ks[6], (D,), dtype=jnp.float32) * s
    W2s = jax.random.normal(ks[7], (D, D), dtype=jnp.float32) * s
    Wfc = jax.random.normal(ks[8], (D, C), dtype=jnp.float32) * s
    bfc = jax.random.normal(ks[9], (C,), dtype=jnp.float32) * s
    return {"x": x, "edge_index": edge_index, "W1n": W1n, "b1": b1, "W1s": W1s,
            "W2n": W2n, "b2": b2, "W2s": W2s, "Wfc": Wfc, "bfc": bfc}


def reference(x, edge_index, W1n, b1, W1s, W2n, b2, W2s, Wfc, bfc):
    # FixedNet2 with GraphConvWL layers (DGL GraphConv norm='none' => sum aggregation)
    src = edge_index[0]
    dst = edge_index[1]
    h = x
    for Wn, bn, Ws in ((W1n, b1, W1s), (W2n, b2, W2s)):
        # conv_from_neigh: sum_{j in N(i)} h_j, then linear + bias
        msgs = jnp.take(h, src, axis=0)            # gather (SparseCore)
        agg = jax.ops.segment_sum(msgs, dst, num_segments=N)  # scatter-add
        neigh = agg @ Wn + bn
        # conv_from_self: linear without bias
        self_f = h @ Ws
        h = jax.nn.relu(neigh + self_f)
    # dgl.sum_nodes over single graph -> [1, dim]
    hg = jnp.sum(h, axis=0, keepdims=True)
    out = hg @ Wfc + bfc
    return jax.nn.softmax(out, axis=1)

if __name__ == "__main__":
    import jax
    _d = setup_inputs()
    print(jax.jit(kernel)(*tuple(_d.values())))

</pallas_src>

<mosaic_0001>
#map = affine_map<(d0, d1) -> (0, 0)>
#map1 = affine_map<(d0, d1) -> (0, 0, 0)>
module attributes {stable_mosaic.version = 14 : i64} {
  func.func @k(%arg0: i32, %arg1: i32, %arg2: memref<10000x128xf32, #tpu.memory_space<hbm>>, %arg3: memref<128x40x125xi32, #tpu.memory_space<hbm>>, %arg4: memref<20000x128xf32, #tpu.memory_space<hbm>>, %arg5: memref<80x125xi32, #tpu.memory_space<vmem>>, %arg6: memref<250x128xf32, #tpu.memory_space<vmem>>, %arg7: memref<10000x128xf32, #tpu.memory_space<vmem_shared>>, %arg8: memref<!tpu.dma_semaphore, #tpu.memory_space<semaphore_mem>>, %arg9: memref<!tpu.dma_semaphore, #tpu.memory_space<semaphore_mem>>, %arg10: memref<!tpu.dma_semaphore, #tpu.memory_space<semaphore_mem>>, %arg11: memref<!tpu.dma_semaphore, #tpu.memory_space<semaphore_mem>>) attributes {dimension_semantics = [#tpu.dimension_semantics<core_parallel>, #tpu.dimension_semantics<subcore_parallel>], iteration_bounds = array<i64: 2, 16>, scalar_prefetch = 0 : i64, scratch_operands = 7 : i64, tpu.core_type = #tpu.core_type<sc_vector_subcore>, window_params = [{transform_indices = #map}, {transform_indices = #map1}, {transform_indices = #map}]} {
    %mul3A = arith.constant 2 : i32
    %mul3A_0 = arith.muli %arg1, %mul3A : i32
    %add3A = arith.addi %mul3A_0, %arg0 : i32
    %mul3A_1 = arith.constant 624 : i32
    %mul3A_2 = arith.muli %arg1, %mul3A_1 : i32
    %mul3A_3 = arith.constant 2 : i32
    %mul3A_4 = arith.muli %add3A, %mul3A_3 : i32
    "tpu.region"() ({
      %run_scoped3A = tpu.sem_alloc : memref<!tpu.dma_semaphore, #tpu.memory_space<semaphore_mem>>
      %dma_start3A_100 = arith.constant 0 : i32
      %dma_start3A_101 = arith.constant 0 : i32
      %dma_start3A_102 = tpu.memref_slice %arg5[%dma_start3A_100, %dma_start3A_101] : memref<80x125xi32, #tpu.memory_space<vmem>> -> memref<40x125xi32, #tpu.memory_space<vmem>>
      %dma_start3A_103 = arith.constant 0 : i32
      %dma_start3A_104 = arith.constant 0 : i32
      %dma_start3A_105 = tpu.memref_slice %arg3[%mul3A_4, %dma_start3A_103, %dma_start3A_104] : memref<128x40x125xi32, #tpu.memory_space<hbm>> -> memref<1x40x125xi32, #tpu.memory_space<hbm>>
      %dma_start3A_106 = tpu.memref_squeeze %dma_start3A_105 : memref<1x40x125xi32, #tpu.memory_space<hbm>> -> memref<40x125xi32, #tpu.memory_space<hbm>>
      %dma_start3A_107 = arith.constant 0 : i32
      %dma_start3A_108 = arith.constant 0 : i32
      %dma_start3A_109 = tpu.memref_slice %arg5[%dma_start3A_107, %dma_start3A_108] : memref<80x125xi32, #tpu.memory_space<vmem>> -> memref<40x125xi32, #tpu.memory_space<vmem>>
      %dma_start3A_110 = arith.constant 0 : i32
      %dma_start3A_111 = arith.constant 0 : i32
      %dma_start3A_112 = tpu.memref_slice %arg3[%mul3A_4, %dma_start3A_110, %dma_start3A_111] : memref<128x40x125xi32, #tpu.memory_space<hbm>> -> memref<1x40x125xi32, #tpu.memory_space<hbm>>
      %dma_start3A_113 = tpu.memref_squeeze %dma_start3A_112 : memref<1x40x125xi32, #tpu.memory_space<hbm>> -> memref<40x125xi32, #tpu.memory_space<hbm>>
      tpu.enqueue_dma source(%dma_start3A_113 : memref<40x125xi32, #tpu.memory_space<hbm>>) target(%dma_start3A_109 : memref<40x125xi32, #tpu.memory_space<vmem>>) target_semaphore(%run_scoped3A : memref<!tpu.dma_semaphore, #tpu.memory_space<semaphore_mem>>)
      %dma_wait3A_114 = arith.constant 0 : i32
      %dma_wait3A_115 = arith.constant 0 : i32
      %dma_wait3A_116 = tpu.memref_slice %arg5[%dma_wait3A_114, %dma_wait3A_115] : memref<80x125xi32, #tpu.memory_space<vmem>> -> memref<40x125xi32, #tpu.memory_space<vmem>>
      %dma_wait3A_117 = arith.constant 0 : i32
      %dma_wait3A_118 = arith.constant 0 : i32
      %dma_wait3A_119 = tpu.memref_slice %arg3[%mul3A_4, %dma_wait3A_117, %dma_wait3A_118] : memref<128x40x125xi32, #tpu.memory_space<hbm>> -> memref<1x40x125xi32, #tpu.memory_space<hbm>>
      %dma_wait3A_120 = tpu.memref_squeeze %dma_wait3A_119 : memref<1x40x125xi32, #tpu.memory_space<hbm>> -> memref<40x125xi32, #tpu.memory_space<hbm>>
      %dma_wait3A_121 = arith.constant 0 : i32
      %dma_wait3A_122 = arith.constant 0 : i32
      %dma_wait3A_123 = tpu.memref_slice %arg5[%dma_wait3A_121, %dma_wait3A_122] : memref<80x125xi32, #tpu.memory_space<vmem>> -> memref<40x125xi32, #tpu.memory_space<vmem>>
      %dma_wait3A_124 = arith.constant 0 : i32
      %dma_wait3A_125 = arith.constant 0 : i32
      %dma_wait3A_126 = tpu.memref_slice %arg3[%mul3A_4, %dma_wait3A_124, %dma_wait3A_125] : memref<128x40x125xi32, #tpu.memory_space<hbm>> -> memref<1x40x125xi32, #tpu.memory_space<hbm>>
      %dma_wait3A_127 = tpu.memref_squeeze %dma_wait3A_126 : memref<1x40x125xi32, #tpu.memory_space<hbm>> -> memref<40x125xi32, #tpu.memory_space<hbm>>
      tpu.wait_dma2 semaphore(%run_scoped3A : memref<!tpu.dma_semaphore, #tpu.memory_space<semaphore_mem>>) src(%dma_wait3A_127 : memref<40x125xi32, #tpu.memory_space<hbm>>) dst(%dma_wait3A_123 : memref<40x125xi32, #tpu.memory_space<vmem>>)
      tpu.yield
    }) : () -> ()
    %mul3A_5 = arith.constant 2 : i32
    %mul3A_6 = arith.muli %add3A, %mul3A_5 : i32
    %add3A_7 = arith.constant 64 : i32
    %add3A_8 = arith.addi %add3A_7, %mul3A_6 : i32
    "tpu.region"() ({
      %run_scoped3A = tpu.sem_alloc : memref<!tpu.dma_semaphore, #tpu.memory_space<semaphore_mem>>
      %dma_start3A_100 = arith.constant 40 : i32
      %dma_start3A_101 = arith.constant 0 : i32
      %dma_start3A_102 = tpu.memref_slice %arg5[%dma_start3A_100, %dma_start3A_101] : memref<80x125xi32, #tpu.memory_space<vmem>> -> memref<40x125xi32, #tpu.memory_space<vmem>>
      %dma_start3A_103 = arith.constant 0 : i32
      %dma_start3A_104 = arith.constant 0 : i32
      %dma_start3A_105 = tpu.memref_slice %arg3[%add3A_8, %dma_start3A_103, %dma_start3A_104] : memref<128x40x125xi32, #tpu.memory_space<hbm>> -> memref<1x40x125xi32, #tpu.memory_space<hbm>>
      %dma_start3A_106 = tpu.memref_squeeze %dma_start3A_105 : memref<1x40x125xi32, #tpu.memory_space<hbm>> -> memref<40x125xi32, #tpu.memory_space<hbm>>
      %dma_start3A_107 = arith.constant 40 : i32
      %dma_start3A_108 = arith.constant 0 : i32
      %dma_start3A_109 = tpu.memref_slice %arg5[%dma_start3A_107, %dma_start3A_108] : memref<80x125xi32, #tpu.memory_space<vmem>> -> memref<40x125xi32, #tpu.memory_space<vmem>>
      %dma_start3A_110 = arith.constant 0 : i32
      %dma_start3A_111 = arith.constant 0 : i32
      %dma_start3A_112 = tpu.memref_slice %arg3[%add3A_8, %dma_start3A_110, %dma_start3A_111] : memref<128x40x125xi32, #tpu.memory_space<hbm>> -> memref<1x40x125xi32, #tpu.memory_space<hbm>>
      %dma_start3A_113 = tpu.memref_squeeze %dma_start3A_112 : memref<1x40x125xi32, #tpu.memory_space<hbm>> -> memref<40x125xi32, #tpu.memory_space<hbm>>
      tpu.enqueue_dma source(%dma_start3A_113 : memref<40x125xi32, #tpu.memory_space<hbm>>) target(%dma_start3A_109 : memref<40x125xi32, #tpu.memory_space<vmem>>) target_semaphore(%run_scoped3A : memref<!tpu.dma_semaphore, #tpu.memory_space<semaphore_mem>>)
      %dma_wait3A_114 = arith.constant 40 : i32
      %dma_wait3A_115 = arith.constant 0 : i32
      %dma_wait3A_116 = tpu.memref_slice %arg5[%dma_wait3A_114, %dma_wait3A_115] : memref<80x125xi32, #tpu.memory_space<vmem>> -> memref<40x125xi32, #tpu.memory_space<vmem>>
      %dma_wait3A_117 = arith.constant 0 : i32
      %dma_wait3A_118 = arith.constant 0 : i32
      %dma_wait3A_119 = tpu.memref_slice %arg3[%add3A_8, %dma_wait3A_117, %dma_wait3A_118] : memref<128x40x125xi32, #tpu.memory_space<hbm>> -> memref<1x40x125xi32, #tpu.memory_space<hbm>>
      %dma_wait3A_120 = tpu.memref_squeeze %dma_wait3A_119 : memref<1x40x125xi32, #tpu.memory_space<hbm>> -> memref<40x125xi32, #tpu.memory_space<hbm>>
      %dma_wait3A_121 = arith.constant 40 : i32
      %dma_wait3A_122 = arith.constant 0 : i32
      %dma_wait3A_123 = tpu.memref_slice %arg5[%dma_wait3A_121, %dma_wait3A_122] : memref<80x125xi32, #tpu.memory_space<vmem>> -> memref<40x125xi32, #tpu.memory_space<vmem>>
      %dma_wait3A_124 = arith.constant 0 : i32
      %dma_wait3A_125 = arith.constant 0 : i32
      %dma_wait3A_126 = tpu.memref_slice %arg3[%add3A_8, %dma_wait3A_124, %dma_wait3A_125] : memref<128x40x125xi32, #tpu.memory_space<hbm>> -> memref<1x40x125xi32, #tpu.memory_space<hbm>>
      %dma_wait3A_127 = tpu.memref_squeeze %dma_wait3A_126 : memref<1x40x125xi32, #tpu.memory_space<hbm>> -> memref<40x125xi32, #tpu.memory_space<hbm>>
      tpu.wait_dma2 semaphore(%run_scoped3A : memref<!tpu.dma_semaphore, #tpu.memory_space<semaphore_mem>>) src(%dma_wait3A_127 : memref<40x125xi32, #tpu.memory_space<hbm>>) dst(%dma_wait3A_123 : memref<40x125xi32, #tpu.memory_space<vmem>>)
      tpu.yield
    }) : () -> ()
    %dma_start3A = arith.constant 0 : i32
    %dma_start3A_9 = arith.constant 0 : i32
    %dma_start3A_10 = arith.constant 0 : i32
    %dma_start3A_11 = tpu.memref_slice %arg6[%dma_start3A_9, %dma_start3A_10] : memref<250x128xf32, #tpu.memory_space<vmem>> -> memref<125x128xf32, #tpu.memory_space<vmem>>
    %dma_start3A_12 = arith.constant 0 : i32
    %dma_start3A_13 = tpu.memref_slice %arg5[%dma_start3A, %dma_start3A_12] : memref<80x125xi32, #tpu.memory_space<vmem>> -> memref<1x125xi32, #tpu.memory_space<vmem>>
    %dma_start3A_14 = tpu.memref_squeeze %dma_start3A_13 : memref<1x125xi32, #tpu.memory_space<vmem>> -> memref<125xi32, #tpu.memory_space<vmem>>
    %dma_start3A_15 = arith.constant 0 : i32
    %dma_start3A_16 = arith.constant 0 : i32
    %dma_start3A_17 = tpu.memref_slice %arg2[%dma_start3A_15, %dma_start3A_16] : memref<10000x128xf32, #tpu.memory_space<hbm>> -> memref<10000x128xf32, #tpu.memory_space<hbm>>
    tpu.enqueue_indirect_dma source(%dma_start3A_17 : memref<10000x128xf32, #tpu.memory_space<hbm>>) target(%dma_start3A_11 : memref<125x128xf32, #tpu.memory_space<vmem>>) offsets(%dma_start3A_14 : memref<125xi32, #tpu.memory_space<vmem>>) semaphore(%arg8 : memref<!tpu.dma_semaphore, #tpu.memory_space<semaphore_mem>>)
    %scan3A = arith.constant 0 : i32
    %scan3A_18 = arith.constant 0 : i32
    %scan3A_19 = arith.constant 104 : i32
    %scan3A_20 = arith.addi %scan3A_18, %scan3A_19 : i32
    %scan3A_21 = arith.constant 1 : i32
    %scan3A_22 = scf.for %scan3A_100 = %scan3A_18 to %scan3A_20 step %scan3A_21 iter_args(%scan3A_101 = %scan3A) -> (i32)  : i32 {
      %broadcast_in_dim3A = arith.constant 0.000000e+00 : f32
      %broadcast_in_dim3A_102 = vector.broadcast %broadcast_in_dim3A : f32 to vector<16xf32>
      %swap3A = arith.constant 125 : i32
      %swap3A_103 = arith.constant 0 : i32
      %swap3A_104 = tpu.memref_slice %arg6[%swap3A, %swap3A_103] : memref<250x128xf32, #tpu.memory_space<vmem>> -> memref<125x128xf32, #tpu.memory_space<vmem>>
      %swap3A_105 = arith.index_cast %scan3A_100 : i32 to index
      %swap3A_106 = arith.constant 0 : index
      %swap3A_107 = tpu.vector_load %swap3A_104[%swap3A_105, %swap3A_106] {strides = array<i32>} : memref<125x128xf32, #tpu.memory_space<vmem>>, vector<1x16xf32>,
      %swap3A_108 = vector.shape_cast %swap3A_107 : vector<1x16xf32> to vector<16xf32>
      %swap3A_109 = vector.shape_cast %broadcast_in_dim3A_102 : vector<16xf32> to vector<1x16xf32>
      tpu.vector_store %swap3A_104[%swap3A_105, %swap3A_106], %swap3A_109 {strides = array<i32>} : memref<125x128xf32, #tpu.memory_space<vmem>>, vector<1x16xf32>,
      %broadcast_in_dim3A_110 = arith.constant 0.000000e+00 : f32
      %broadcast_in_dim3A_111 = vector.broadcast %broadcast_in_dim3A_110 : f32 to vector<16xf32>
      %swap3A_112 = arith.constant 125 : i32
      %swap3A_113 = arith.constant 0 : i32
      %swap3A_114 = tpu.memref_slice %arg6[%swap3A_112, %swap3A_113] : memref<250x128xf32, #tpu.memory_space<vmem>> -> memref<125x128xf32, #tpu.memory_space<vmem>>
      %swap3A_115 = arith.index_cast %scan3A_100 : i32 to index
      %swap3A_116 = arith.constant 16 : index
      %swap3A_117 = tpu.vector_load %swap3A_114[%swap3A_115, %swap3A_116] {strides = array<i32>} : memref<125x128xf32, #tpu.memory_space<vmem>>, vector<1x16xf32>,
      %swap3A_118 = vector.shape_cast %swap3A_117 : vector<1x16xf32> to vector<16xf32>
      %swap3A_119 = vector.shape_cast %broadcast_in_dim3A_111 : vector<16xf32> to vector<1x16xf32>
      tpu.vector_store %swap3A_114[%swap3A_115, %swap3A_116], %swap3A_119 {strides = array<i32>} : memref<125x128xf32, #tpu.memory_space<vmem>>, vector<1x16xf32>,
      %broadcast_in_dim3A_120 = arith.constant 0.000000e+00 : f32
      %broadcast_in_dim3A_121 = vector.broadcast %broadcast_in_dim3A_120 : f32 to vector<16xf32>
      %swap3A_122 = arith.constant 125 : i32
      %swap3A_123 = arith.constant 0 : i32
      %swap3A_124 = tpu.memref_slice %arg6[%swap3A_122, %swap3A_123] : memref<250x128xf32, #tpu.memory_space<vmem>> -> memref<125x128xf32, #tpu.memory_space<vmem>>
      %swap3A_125 = arith.index_cast %scan3A_100 : i32 to index
      %swap3A_126 = arith.constant 32 : index
      %swap3A_127 = tpu.vector_load %swap3A_124[%swap3A_125, %swap3A_126] {strides = array<i32>} : memref<125x128xf32, #tpu.memory_space<vmem>>, vector<1x16xf32>,
      %swap3A_128 = vector.shape_cast %swap3A_127 : vector<1x16xf32> to vector<16xf32>
      %swap3A_129 = vector.shape_cast %broadcast_in_dim3A_121 : vector<16xf32> to vector<1x16xf32>
      tpu.vector_store %swap3A_124[%swap3A_125, %swap3A_126], %swap3A_129 {strides = array<i32>} : memref<125x128xf32, #tpu.memory_space<vmem>>, vector<1x16xf32>,
      %broadcast_in_dim3A_130 = arith.constant 0.000000e+00 : f32
      %broadcast_in_dim3A_131 = vector.broadcast %broadcast_in_dim3A_130 : f32 to vector<16xf32>
      %swap3A_132 = arith.constant 125 : i32
      %swap3A_133 = arith.constant 0 : i32
      %swap3A_134 = tpu.memref_slice %arg6[%swap3A_132, %swap3A_133] : memref<250x128xf32, #tpu.memory_space<vmem>> -> memref<125x128xf32, #tpu.memory_space<vmem>>
      %swap3A_135 = arith.index_cast %scan3A_100 : i32 to index
      %swap3A_136 = arith.constant 48 : index
      %swap3A_137 = tpu.vector_load %swap3A_134[%swap3A_135, %swap3A_136] {strides = array<i32>} : memref<125x128xf32, #tpu.memory_space<vmem>>, vector<1x16xf32>,
      %swap3A_138 = vector.shape_cast %swap3A_137 : vector<1x16xf32> to vector<16xf32>
      %swap3A_139 = vector.shape_cast %broadcast_in_dim3A_131 : vector<16xf32> to vector<1x16xf32>
      tpu.vector_store %swap3A_134[%swap3A_135, %swap3A_136], %swap3A_139 {strides = array<i32>} : memref<125x128xf32, #tpu.memory_space<vmem>>, vector<1x16xf32>,
      %broadcast_in_dim3A_140 = arith.constant 0.000000e+00 : f32
      %broadcast_in_dim3A_141 = vector.broadcast %broadcast_in_dim3A_140 : f32 to vector<16xf32>
      %swap3A_142 = arith.constant 125 : i32
      %swap3A_143 = arith.constant 0 : i32
      %swap3A_144 = tpu.memref_slice %arg6[%swap3A_142, %swap3A_143] : memref<250x128xf32, #tpu.memory_space<vmem>> -> memref<125x128xf32, #tpu.memory_space<vmem>>
      %swap3A_145 = arith.index_cast %scan3A_100 : i32 to index
      %swap3A_146 = arith.constant 64 : index
      %swap3A_147 = tpu.vector_load %swap3A_144[%swap3A_145, %swap3A_146] {strides = array<i32>} : memref<125x128xf32, #tpu.memory_space<vmem>>, vector<1x16xf32>,
      %swap3A_148 = vector.shape_cast %swap3A_147 : vector<1x16xf32> to vector<16xf32>
      %swap3A_149 = vector.shape_cast %broadcast_in_dim3A_141 : vector<16xf32> to vector<1x16xf32>
      tpu.vector_store %swap3A_144[%swap3A_145, %swap3A_146], %swap3A_149 {strides = array<i32>} : memref<125x128xf32, #tpu.memory_space<vmem>>, vector<1x16xf32>,
      %broadcast_in_dim3A_150 = arith.constant 0.000000e+00 : f32
      %broadcast_in_dim3A_151 = vector.broadcast %broadcast_in_dim3A_150 : f32 to vector<16xf32>
      %swap3A_152 = arith.constant 125 : i32
      %swap3A_153 = arith.constant 0 : i32
      %swap3A_154 = tpu.memref_slice %arg6[%swap3A_152, %swap3A_153] : memref<250x128xf32, #tpu.memory_space<vmem>> -> memref<125x128xf32, #tpu.memory_space<vmem>>
      %swap3A_155 = arith.index_cast %scan3A_100 : i32 to index
      %swap3A_156 = arith.constant 80 : index
      %swap3A_157 = tpu.vector_load %swap3A_154[%swap3A_155, %swap3A_156] {strides = array<i32>} : memref<125x128xf32, #tpu.memory_space<vmem>>, vector<1x16xf32>,
      %swap3A_158 = vector.shape_cast %swap3A_157 : vector<1x16xf32> to vector<16xf32>
      %swap3A_159 = vector.shape_cast %broadcast_in_dim3A_151 : vector<16xf32> to vector<1x16xf32>
      tpu.vector_store %swap3A_154[%swap3A_155, %swap3A_156], %swap3A_159 {strides = array<i32>} : memref<125x128xf32, #tpu.memory_space<vmem>>, vector<1x16xf32>,
      %broadcast_in_dim3A_160 = arith.constant 0.000000e+00 : f32
      %broadcast_in_dim3A_161 = vector.broadcast %broadcast_in_dim3A_160 : f32 to vector<16xf32>
      %swap3A_162 = arith.constant 125 : i32
      %swap3A_163 = arith.constant 0 : i32
      %swap3A_164 = tpu.memref_slice %arg6[%swap3A_162, %swap3A_163] : memref<250x128xf32, #tpu.memory_space<vmem>> -> memref<125x128xf32, #tpu.memory_space<vmem>>
      %swap3A_165 = arith.index_cast %scan3A_100 : i32 to index
      %swap3A_166 = arith.constant 96 : index
      %swap3A_167 = tpu.vector_load %swap3A_164[%swap3A_165, %swap3A_166] {strides = array<i32>} : memref<125x128xf32, #tpu.memory_space<vmem>>, vector<1x16xf32>,
      %swap3A_168 = vector.shape_cast %swap3A_167 : vector<1x16xf32> to vector<16xf32>
      %swap3A_169 = vector.shape_cast %broadcast_in_dim3A_161 : vector<16xf32> to vector<1x16xf32>
      tpu.vector_store %swap3A_164[%swap3A_165, %swap3A_166], %swap3A_169 {strides = array<i32>} : memref<125x128xf32, #tpu.memory_space<vmem>>, vector<1x16xf32>,
      %broadcast_in_dim3A_170 = arith.constant 0.000000e+00 : f32
      %broadcast_in_dim3A_171 = vector.broadcast %broadcast_in_dim3A_170 : f32 to vector<16xf32>
      %swap3A_172 = arith.constant 125 : i32
      %swap3A_173 = arith.constant 0 : i32
      %swap3A_174 = tpu.memref_slice %arg6[%swap3A_172, %swap3A_173] : memref<250x128xf32, #tpu.memory_space<vmem>> -> memref<125x128xf32, #tpu.memory_space<vmem>>
      %swap3A_175 = arith.index_cast %scan3A_100 : i32 to index
      %swap3A_176 = arith.constant 112 : index
      %swap3A_177 = tpu.vector_load %swap3A_174[%swap3A_175, %swap3A_176] {strides = array<i32>} : memref<125x128xf32, #tpu.memory_space<vmem>>, vector<1x16xf32>,
      %swap3A_178 = vector.shape_cast %swap3A_177 : vector<1x16xf32> to vector<16xf32>
      %swap3A_179 = vector.shape_cast %broadcast_in_dim3A_171 : vector<16xf32> to vector<1x16xf32>
      tpu.vector_store %swap3A_174[%swap3A_175, %swap3A_176], %swap3A_179 {strides = array<i32>} : memref<125x128xf32, #tpu.memory_space<vmem>>, vector<1x16xf32>,
      %scan3A_180 = arith.constant 0 : i32
      scf.yield %scan3A_180 : i32
    }
    %scan3A_23 = arith.constant 104 : i32
    %add3A_24 = arith.constant 0 : i32
    %add3A_25 = arith.addi %mul3A_2, %add3A_24 : i32
    "tpu.region"() ({
      %run_scoped3A = tpu.sem_alloc : memref<!tpu.dma_semaphore, #tpu.memory_space<semaphore_mem>>
      %dma_start3A_100 = arith.constant 125 : i32
      %dma_start3A_101 = arith.constant 0 : i32
      %dma_start3A_102 = tpu.memref_slice %arg6[%dma_start3A_100, %dma_start3A_101] : memref<250x128xf32, #tpu.memory_space<vmem>> -> memref<125x128xf32, #tpu.memory_space<vmem>>
      %dma_start3A_103 = arith.constant 0 : i32
      %dma_start3A_104 = arith.constant 0 : i32
      %dma_start3A_105 = tpu.memref_slice %dma_start3A_102[%dma_start3A_103, %dma_start3A_104] : memref<125x128xf32, #tpu.memory_space<vmem>> -> memref<104x128xf32, #tpu.memory_space<vmem>>
      %dma_start3A_106 = arith.constant 0 : i32
      %dma_start3A_107 = tpu.memref_slice %arg7[%add3A_25, %dma_start3A_106] : memref<10000x128xf32, #tpu.memory_space<vmem_shared>> -> memref<104x128xf32, #tpu.memory_space<vmem_shared>>
      %dma_start3A_108 = arith.constant 0 : i32
      %dma_start3A_109 = tpu.memref_slice %arg7[%add3A_25, %dma_start3A_108] : memref<10000x128xf32, #tpu.memory_space<vmem_shared>> -> memref<104x128xf32, #tpu.memory_space<vmem_shared>>
      %dma_start3A_110 = arith.constant 125 : i32
      %dma_start3A_111 = arith.constant 0 : i32
      %dma_start3A_112 = tpu.memref_slice %arg6[%dma_start3A_110, %dma_start3A_111] : memref<250x128xf32, #tpu.memory_space<vmem>> -> memref<125x128xf32, #tpu.memory_space<vmem>>
      %dma_start3A_113 = arith.constant 0 : i32
      %dma_start3A_114 = arith.constant 0 : i32
      %dma_start3A_115 = tpu.memref_slice %dma_start3A_112[%dma_start3A_113, %dma_start3A_114] : memref<125x128xf32, #tpu.memory_space<vmem>> -> memref<104x128xf32, #tpu.memory_space<vmem>>
      tpu.enqueue_dma source(%dma_start3A_115 : memref<104x128xf32, #tpu.memory_space<vmem>>) target(%dma_start3A_109 : memref<104x128xf32, #tpu.memory_space<vmem_shared>>) target_semaphore(%run_scoped3A : memref<!tpu.dma_semaphore, #tpu.memory_space<semaphore_mem>>)
      %dma_wait3A_116 = arith.constant 125 : i32
      %dma_wait3A_117 = arith.constant 0 : i32
      %dma_wait3A_118 = tpu.memref_slice %arg6[%dma_wait3A_116, %dma_wait3A_117] : memref<250x128xf32, #tpu.memory_space<vmem>> -> memref<125x128xf32, #tpu.memory_space<vmem>>
      %dma_wait3A_119 = arith.constant 0 : i32
      %dma_wait3A_120 = arith.constant 0 : i32
      %dma_wait3A_121 = tpu.memref_slice %dma_wait3A_118[%dma_wait3A_119, %dma_wait3A_120] : memref<125x128xf32, #tpu.memory_space<vmem>> -> memref<104x128xf32, #tpu.memory_space<vmem>>
      %dma_wait3A_122 = arith.constant 0 : i32
      %dma_wait3A_123 = tpu.memref_slice %arg7[%add3A_25, %dma_wait3A_122] : memref<10000x128xf32, #tpu.memory_space<vmem_shared>> -> memref<104x128xf32, #tpu.memory_space<vmem_shared>>
      %dma_wait3A_124 = arith.constant 0 : i32
      %dma_wait3A_125 = tpu.memref_slice %arg7[%add3A_25, %dma_wait3A_124] : memref<10000x128xf32, #tpu.memory_space<vmem_shared>> -> memref<104x128xf32, #tpu.memory_space<vmem_shared>>
      %dma_wait3A_126 = arith.constant 125 : i32
      %dma_wait3A_127 = arith.constant 0 : i32
      %dma_wait3A_128 = tpu.memref_slice %arg6[%dma_wait3A_126, %dma_wait3A_127] : memref<250x128xf32, #tpu.memory_space<vmem>> -> memref<125x128xf32, #tpu.memory_space<vmem>>
      %dma_wait3A_129 = arith.constant 0 : i32
      %dma_wait3A_130 = arith.constant 0 : i32
      %dma_wait3A_131 = tpu.memref_slice %dma_wait3A_128[%dma_wait3A_129, %dma_wait3A_130] : memref<125x128xf32, #tpu.memory_space<vmem>> -> memref<104x128xf32, #tpu.memory_space<vmem>>
      tpu.wait_dma2 semaphore(%run_scoped3A : memref<!tpu.dma_semaphore, #tpu.memory_space<semaphore_mem>>) src(%dma_wait3A_131 : memref<104x128xf32, #tpu.memory_space<vmem>>) dst(%dma_wait3A_125 : memref<104x128xf32, #tpu.memory_space<vmem_shared>>)
      tpu.yield
    }) : () -> ()
    %add3A_26 = arith.constant 104 : i32
    %add3A_27 = arith.addi %mul3A_2, %add3A_26 : i32
    "tpu.region"() ({
      %run_scoped3A = tpu.sem_alloc : memref<!tpu.dma_semaphore, #tpu.memory_space<semaphore_mem>>
      %dma_start3A_100 = arith.constant 125 : i32
      %dma_start3A_101 = arith.constant 0 : i32
      %dma_start3A_102 = tpu.memref_slice %arg6[%dma_start3A_100, %dma_start3A_101] : memref<250x128xf32, #tpu.memory_space<vmem>> -> memref<125x128xf32, #tpu.memory_space<vmem>>
      %dma_start3A_103 = arith.constant 0 : i32
      %dma_start3A_104 = arith.constant 0 : i32
      %dma_start3A_105 = tpu.memref_slice %dma_start3A_102[%dma_start3A_103, %dma_start3A_104] : memref<125x128xf32, #tpu.memory_space<vmem>> -> memref<104x128xf32, #tpu.memory_space<vmem>>
      %dma_start3A_106 = arith.constant 0 : i32
      %dma_start3A_107 = tpu.memref_slice %arg7[%add3A_27, %dma_start3A_106] : memref<10000x128xf32, #tpu.memory_space<vmem_shared>> -> memref<104x128xf32, #tpu.memory_space<vmem_shared>>
      %dma_start3A_108 = arith.constant 0 : i32
      %dma_start3A_109 = tpu.memref_slice %arg7[%add3A_27, %dma_start3A_108] : memref<10000x128xf32, #tpu.memory_space<vmem_shared>> -> memref<104x128xf32, #tpu.memory_space<vmem_shared>>
      %dma_start3A_110 = arith.constant 125 : i32
      %dma_start3A_111 = arith.constant 0 : i32
      %dma_start3A_112 = tpu.memref_slice %arg6[%dma_start3A_110, %dma_start3A_111] : memref<250x128xf32, #tpu.memory_space<vmem>> -> memref<125x128xf32, #tpu.memory_space<vmem>>
      %dma_start3A_113 = arith.constant 0 : i32
      %dma_start3A_114 = arith.constant 0 : i32
      %dma_start3A_115 = tpu.memref_slice %dma_start3A_112[%dma_start3A_113, %dma_start3A_114] : memref<125x128xf32, #tpu.memory_space<vmem>> -> memref<104x128xf32, #tpu.memory_space<vmem>>
      tpu.enqueue_dma source(%dma_start3A_115 : memref<104x128xf32, #tpu.memory_space<vmem>>) target(%dma_start3A_109 : memref<104x128xf32, #tpu.memory_space<vmem_shared>>) target_semaphore(%run_scoped3A : memref<!tpu.dma_semaphore, #tpu.memory_space<semaphore_mem>>)
      %dma_wait3A_116 = arith.constant 125 : i32
      %dma_wait3A_117 = arith.constant 0 : i32
      %dma_wait3A_118 = tpu.memref_slice %arg6[%dma_wait3A_116, %dma_wait3A_117] : memref<250x128xf32, #tpu.memory_space<vmem>> -> memref<125x128xf32, #tpu.memory_space<vmem>>
      %dma_wait3A_119 = arith.constant 0 : i32
      %dma_wait3A_120 = arith.constant 0 : i32
      %dma_wait3A_121 = tpu.memref_slice %dma_wait3A_118[%dma_wait3A_119, %dma_wait3A_120] : memref<125x128xf32, #tpu.memory_space<vmem>> -> memref<104x128xf32, #tpu.memory_space<vmem>>
      %dma_wait3A_122 = arith.constant 0 : i32
      %dma_wait3A_123 = tpu.memref_slice %arg7[%add3A_27, %dma_wait3A_122] : memref<10000x128xf32, #tpu.memory_space<vmem_shared>> -> memref<104x128xf32, #tpu.memory_space<vmem_shared>>
      %dma_wait3A_124 = arith.constant 0 : i32
      %dma_wait3A_125 = tpu.memref_slice %arg7[%add3A_27, %dma_wait3A_124] : memref<10000x128xf32, #tpu.memory_space<vmem_shared>> -> memref<104x128xf32, #tpu.memory_space<vmem_shared>>
      %dma_wait3A_126 = arith.constant 125 : i32
      %dma_wait3A_127 = arith.constant 0 : i32
      %dma_wait3A_128 = tpu.memref_slice %arg6[%dma_wait3A_126, %dma_wait3A_127] : memref<250x128xf32, #tpu.memory_space<vmem>> -> memref<125x128xf32, #tpu.memory_space<vmem>>
      %dma_wait3A_129 = arith.constant 0 : i32
      %dma_wait3A_130 = arith.constant 0 : i32
      %dma_wait3A_131 = tpu.memref_slice %dma_wait3A_128[%dma_wait3A_129, %dma_wait3A_130] : memref<125x128xf32, #tpu.memory_space<vmem>> -> memref<104x128xf32, #tpu.memory_space<vmem>>
      tpu.wait_dma2 semaphore(%run_scoped3A : memref<!tpu.dma_semaphore, #tpu.memory_space<semaphore_mem>>) src(%dma_wait3A_131 : memref<104x128xf32, #tpu.memory_space<vmem>>) dst(%dma_wait3A_125 : memref<104x128xf32, #tpu.memory_space<vmem_shared>>)
      tpu.yield
    }) : () -> ()
    %add3A_28 = arith.constant 208 : i32
    %add3A_29 = arith.addi %mul3A_2, %add3A_28 : i32
    "tpu.region"() ({
      %run_scoped3A = tpu.sem_alloc : memref<!tpu.dma_semaphore, #tpu.memory_space<semaphore_mem>>
      %dma_start3A_100 = arith.constant 125 : i32
      %dma_start3A_101 = arith.constant 0 : i32
      %dma_start3A_102 = tpu.memref_slice %arg6[%dma_start3A_100, %dma_start3A_101] : memref<250x128xf32, #tpu.memory_space<vmem>> -> memref<125x128xf32, #tpu.memory_space<vmem>>
      %dma_start3A_103 = arith.constant 0 : i32
      %dma_start3A_104 = arith.constant 0 : i32
      %dma_start3A_105 = tpu.memref_slice %dma_start3A_102[%dma_start3A_103, %dma_start3A_104] : memref<125x128xf32, #tpu.memory_space<vmem>> -> memref<104x128xf32, #tpu.memory_space<vmem>>
      %dma_start3A_106 = arith.constant 0 : i32
      %dma_start3A_107 = tpu.memref_slice %arg7[%add3A_29, %dma_start3A_106] : memref<10000x128xf32, #tpu.memory_space<vmem_shared>> -> memref<104x128xf32, #tpu.memory_space<vmem_shared>>
      %dma_start3A_108 = arith.constant 0 : i32
      %dma_start3A_109 = tpu.memref_slice %arg7[%add3A_29, %dma_start3A_108] : memref<10000x128xf32, #tpu.memory_space<vmem_shared>> -> memref<104x128xf32, #tpu.memory_space<vmem_shared>>
      %dma_start3A_110 = arith.constant 125 : i32
      %dma_start3A_111 = arith.constant 0 : i32
      %dma_start3A_112 = tpu.memref_slice %arg6[%dma_start3A_110, %dma_start3A_111] : memref<250x128xf32, #tpu.memory_space<vmem>> -> memref<125x128xf32, #tpu.memory_space<vmem>>
      %dma_start3A_113 = arith.constant 0 : i32
      %dma_start3A_114 = arith.constant 0 : i32
      %dma_start3A_115 = tpu.memref_slice %dma_start3A_112[%dma_start3A_113, %dma_start3A_114] : memref<125x128xf32, #tpu.memory_space<vmem>> -> memref<104x128xf32, #tpu.memory_space<vmem>>
      tpu.enqueue_dma source(%dma_start3A_115 : memref<104x128xf32, #tpu.memory_space<vmem>>) target(%dma_start3A_109 : memref<104x128xf32, #tpu.memory_space<vmem_shared>>) target_semaphore(%run_scoped3A : memref<!tpu.dma_semaphore, #tpu.memory_space<semaphore_mem>>)
      %dma_wait3A_116 = arith.constant 125 : i32
      %dma_wait3A_117 = arith.constant 0 : i32
      %dma_wait3A_118 = tpu.memref_slice %arg6[%dma_wait3A_116, %dma_wait3A_117] : memref<250x128xf32, #tpu.memory_space<vmem>> -> memref<125x128xf32, #tpu.memory_space<vmem>>
      %dma_wait3A_119 = arith.constant 0 : i32
      %dma_wait3A_120 = arith.constant 0 : i32
      %dma_wait3A_121 = tpu.memref_slice %dma_wait3A_118[%dma_wait3A_119, %dma_wait3A_120] : memref<125x128xf32, #tpu.memory_space<vmem>> -> memref<104x128xf32, #tpu.memory_space<vmem>>
      %dma_wait3A_122 = arith.constant 0 : i32
      %dma_wait3A_123 = tpu.memref_slice %arg7[%add3A_29, %dma_wait3A_122] : memref<10000x128xf32, #tpu.memory_space<vmem_shared>> -> memref<104x128xf32, #tpu.memory_space<vmem_shared>>
      %dma_wait3A_124 = arith.constant 0 : i32
      %dma_wait3A_125 = tpu.memref_slice %arg7[%add3A_29, %dma_wait3A_124] : memref<10000x128xf32, #tpu.memory_space<vmem_shared>> -> memref<104x128xf32, #tpu.memory_space<vmem_shared>>
      %dma_wait3A_126 = arith.constant 125 : i32
      %dma_wait3A_127 = arith.constant 0 : i32
      %dma_wait3A_128 = tpu.memref_slice %arg6[%dma_wait3A_126, %dma_wait3A_127] : memref<250x128xf32, #tpu.memory_space<vmem>> -> memref<125x128xf32, #tpu.memory_space<vmem>>
      %dma_wait3A_129 = arith.constant 0 : i32
      %dma_wait3A_130 = arith.constant 0 : i32
      %dma_wait3A_131 = tpu.memref_slice %dma_wait3A_128[%dma_wait3A_129, %dma_wait3A_130] : memref<125x128xf32, #tpu.memory_space<vmem>> -> memref<104x128xf32, #tpu.memory_space<vmem>>
      tpu.wait_dma2 semaphore(%run_scoped3A : memref<!tpu.dma_semaphore, #tpu.memory_space<semaphore_mem>>) src(%dma_wait3A_131 : memref<104x128xf32, #tpu.memory_space<vmem>>) dst(%dma_wait3A_125 : memref<104x128xf32, #tpu.memory_space<vmem_shared>>)
      tpu.yield
    }) : () -> ()
    %add3A_30 = arith.constant 312 : i32
    %add3A_31 = arith.addi %mul3A_2, %add3A_30 : i32
    "tpu.region"() ({
      %run_scoped3A = tpu.sem_alloc : memref<!tpu.dma_semaphore, #tpu.memory_space<semaphore_mem>>
      %dma_start3A_100 = arith.constant 125 : i32
      %dma_start3A_101 = arith.constant 0 : i32
      %dma_start3A_102 = tpu.memref_slice %arg6[%dma_start3A_100, %dma_start3A_101] : memref<250x128xf32, #tpu.memory_space<vmem>> -> memref<125x128xf32, #tpu.memory_space<vmem>>
      %dma_start3A_103 = arith.constant 0 : i32
      %dma_start3A_104 = arith.constant 0 : i32
      %dma_start3A_105 = tpu.memref_slice %dma_start3A_102[%dma_start3A_103, %dma_start3A_104] : memref<125x128xf32, #tpu.memory_space<vmem>> -> memref<104x128xf32, #tpu.memory_space<vmem>>
      %dma_start3A_106 = arith.constant 0 : i32
      %dma_start3A_107 = tpu.memref_slice %arg7[%add3A_31, %dma_start3A_106] : memref<10000x128xf32, #tpu.memory_space<vmem_shared>> -> memref<104x128xf32, #tpu.memory_space<vmem_shared>>
      %dma_start3A_108 = arith.constant 0 : i32
      %dma_start3A_109 = tpu.memref_slice %arg7[%add3A_31, %dma_start3A_108] : memref<10000x128xf32, #tpu.memory_space<vmem_shared>> -> memref<104x128xf32, #tpu.memory_space<vmem_shared>>
      %dma_start3A_110 = arith.constant 125 : i32
      %dma_start3A_111 = arith.constant 0 : i32
      %dma_start3A_112 = tpu.memref_slice %arg6[%dma_start3A_110, %dma_start3A_111] : memref<250x128xf32, #tpu.memory_space<vmem>> -> memref<125x128xf32, #tpu.memory_space<vmem>>
      %dma_start3A_113 = arith.constant 0 : i32
      %dma_start3A_114 = arith.constant 0 : i32
      %dma_start3A_115 = tpu.memref_slice %dma_start3A_112[%dma_start3A_113, %dma_start3A_114] : memref<125x128xf32, #tpu.memory_space<vmem>> -> memref<104x128xf32, #tpu.memory_space<vmem>>
      tpu.enqueue_dma source(%dma_start3A_115 : memref<104x128xf32, #tpu.memory_space<vmem>>) target(%dma_start3A_109 : memref<104x128xf32, #tpu.memory_space<vmem_shared>>) target_semaphore(%run_scoped3A : memref<!tpu.dma_semaphore, #tpu.memory_space<semaphore_mem>>)
      %dma_wait3A_116 = arith.constant 125 : i32
      %dma_wait3A_117 = arith.constant 0 : i32
      %dma_wait3A_118 = tpu.memref_slice %arg6[%dma_wait3A_116, %dma_wait3A_117] : memref<250x128xf32, #tpu.memory_space<vmem>> -> memref<125x128xf32, #tpu.memory_space<vmem>>
      %dma_wait3A_119 = arith.constant 0 : i32
      %dma_wait3A_120 = arith.constant 0 : i32
      %dma_wait3A_121 = tpu.memref_slice %dma_wait3A_118[%dma_wait3A_119, %dma_wait3A_120] : memref<125x128xf32, #tpu.memory_space<vmem>> -> memref<104x128xf32, #tpu.memory_space<vmem>>
      %dma_wait3A_122 = arith.constant 0 : i32
      %dma_wait3A_123 = tpu.memref_slice %arg7[%add3A_31, %dma_wait3A_122] : memref<10000x128xf32, #tpu.memory_space<vmem_shared>> -> memref<104x128xf32, #tpu.memory_space<vmem_shared>>
      %dma_wait3A_124 = arith.constant 0 : i32
      %dma_wait3A_125 = tpu.memref_slice %arg7[%add3A_31, %dma_wait3A_124] : memref<10000x128xf32, #tpu.memory_space<vmem_shared>> -> memref<104x128xf32, #tpu.memory_space<vmem_shared>>
      %dma_wait3A_126 = arith.constant 125 : i32
      %dma_wait3A_127 = arith.constant 0 : i32
      %dma_wait3A_128 = tpu.memref_slice %arg6[%dma_wait3A_126, %dma_wait3A_127] : memref<250x128xf32, #tpu.memory_space<vmem>> -> memref<125x128xf32, #tpu.memory_space<vmem>>
      %dma_wait3A_129 = arith.constant 0 : i32
      %dma_wait3A_130 = arith.constant 0 : i32
      %dma_wait3A_131 = tpu.memref_slice %dma_wait3A_128[%dma_wait3A_129, %dma_wait3A_130] : memref<125x128xf32, #tpu.memory_space<vmem>> -> memref<104x128xf32, #tpu.memory_space<vmem>>
      tpu.wait_dma2 semaphore(%run_scoped3A : memref<!tpu.dma_semaphore, #tpu.memory_space<semaphore_mem>>) src(%dma_wait3A_131 : memref<104x128xf32, #tpu.memory_space<vmem>>) dst(%dma_wait3A_125 : memref<104x128xf32, #tpu.memory_space<vmem_shared>>)
      tpu.yield
    }) : () -> ()
    %add3A_32 = arith.constant 416 : i32
    %add3A_33 = arith.addi %mul3A_2, %add3A_32 : i32
    "tpu.region"() ({
      %run_scoped3A = tpu.sem_alloc : memref<!tpu.dma_semaphore, #tpu.memory_space<semaphore_mem>>
      %dma_start3A_100 = arith.constant 125 : i32
      %dma_start3A_101 = arith.constant 0 : i32
      %dma_start3A_102 = tpu.memref_slice %arg6[%dma_start3A_100, %dma_start3A_101] : memref<250x128xf32, #tpu.memory_space<vmem>> -> memref<125x128xf32, #tpu.memory_space<vmem>>
      %dma_start3A_103 = arith.constant 0 : i32
      %dma_start3A_104 = arith.constant 0 : i32
      %dma_start3A_105 = tpu.memref_slice %dma_start3A_102[%dma_start3A_103, %dma_start3A_104] : memref<125x128xf32, #tpu.memory_space<vmem>> -> memref<104x128xf32, #tpu.memory_space<vmem>>
      %dma_start3A_106 = arith.constant 0 : i32
      %dma_start3A_107 = tpu.memref_slice %arg7[%add3A_33, %dma_start3A_106] : memref<10000x128xf32, #tpu.memory_space<vmem_shared>> -> memref<104x128xf32, #tpu.memory_space<vmem_shared>>
      %dma_start3A_108 = arith.constant 0 : i32
      %dma_start3A_109 = tpu.memref_slice %arg7[%add3A_33, %dma_start3A_108] : memref<10000x128xf32, #tpu.memory_space<vmem_shared>> -> memref<104x128xf32, #tpu.memory_space<vmem_shared>>
      %dma_start3A_110 = arith.constant 125 : i32
      %dma_start3A_111 = arith.constant 0 : i32
      %dma_start3A_112 = tpu.memref_slice %arg6[%dma_start3A_110, %dma_start3A_111] : memref<250x128xf32, #tpu.memory_space<vmem>> -> memref<125x128xf32, #tpu.memory_space<vmem>>
      %dma_start3A_113 = arith.constant 0 : i32
      %dma_start3A_114 = arith.constant 0 : i32
      %dma_start3A_115 = tpu.memref_slice %dma_start3A_112[%dma_start3A_113, %dma_start3A_114] : memref<125x128xf32, #tpu.memory_space<vmem>> -> memref<104x128xf32, #tpu.memory_space<vmem>>
      tpu.enqueue_dma source(%dma_start3A_115 : memref<104x128xf32, #tpu.memory_space<vmem>>) target(%dma_start3A_109 : memref<104x128xf32, #tpu.memory_space<vmem_shared>>) target_semaphore(%run_scoped3A : memref<!tpu.dma_semaphore, #tpu.memory_space<semaphore_mem>>)
      %dma_wait3A_116 = arith.constant 125 : i32
      %dma_wait3A_117 = arith.constant 0 : i32
      %dma_wait3A_118 = tpu.memref_slice %arg6[%dma_wait3A_116, %dma_wait3A_117] : memref<250x128xf32, #tpu.memory_space<vmem>> -> memref<125x128xf32, #tpu.memory_space<vmem>>
      %dma_wait3A_119 = arith.constant 0 : i32
      %dma_wait3A_120 = arith.constant 0 : i32
      %dma_wait3A_121 = tpu.memref_slice %dma_wait3A_118[%dma_wait3A_119, %dma_wait3A_120] : memref<125x128xf32, #tpu.memory_space<vmem>> -> memref<104x128xf32, #tpu.memory_space<vmem>>
      %dma_wait3A_122 = arith.constant 0 : i32
      %dma_wait3A_123 = tpu.memref_slice %arg7[%add3A_33, %dma_wait3A_122] : memref<10000x128xf32, #tpu.memory_space<vmem_shared>> -> memref<104x128xf32, #tpu.memory_space<vmem_shared>>
      %dma_wait3A_124 = arith.constant 0 : i32
      %dma_wait3A_125 = tpu.memref_slice %arg7[%add3A_33, %dma_wait3A_124] : memref<10000x128xf32, #tpu.memory_space<vmem_shared>> -> memref<104x128xf32, #tpu.memory_space<vmem_shared>>
      %dma_wait3A_126 = arith.constant 125 : i32
      %dma_wait3A_127 = arith.constant 0 : i32
      %dma_wait3A_128 = tpu.memref_slice %arg6[%dma_wait3A_126, %dma_wait3A_127] : memref<250x128xf32, #tpu.memory_space<vmem>> -> memref<125x128xf32, #tpu.memory_space<vmem>>
      %dma_wait3A_129 = arith.constant 0 : i32
      %dma_wait3A_130 = arith.constant 0 : i32
      %dma_wait3A_131 = tpu.memref_slice %dma_wait3A_128[%dma_wait3A_129, %dma_wait3A_130] : memref<125x128xf32, #tpu.memory_space<vmem>> -> memref<104x128xf32, #tpu.memory_space<vmem>>
      tpu.wait_dma2 semaphore(%run_scoped3A : memref<!tpu.dma_semaphore, #tpu.memory_space<semaphore_mem>>) src(%dma_wait3A_131 : memref<104x128xf32, #tpu.memory_space<vmem>>) dst(%dma_wait3A_125 : memref<104x128xf32, #tpu.memory_space<vmem_shared>>)
      tpu.yield
    }) : () -> ()
    %add3A_34 = arith.constant 520 : i32
    %add3A_35 = arith.addi %mul3A_2, %add3A_34 : i32
    "tpu.region"() ({
      %run_scoped3A = tpu.sem_alloc : memref<!tpu.dma_semaphore, #tpu.memory_space<semaphore_mem>>
      %dma_start3A_100 = arith.constant 125 : i32
      %dma_start3A_101 = arith.constant 0 : i32
      %dma_start3A_102 = tpu.memref_slice %arg6[%dma_start3A_100, %dma_start3A_101] : memref<250x128xf32, #tpu.memory_space<vmem>> -> memref<125x128xf32, #tpu.memory_space<vmem>>
      %dma_start3A_103 = arith.constant 0 : i32
      %dma_start3A_104 = arith.constant 0 : i32
      %dma_start3A_105 = tpu.memref_slice %dma_start3A_102[%dma_start3A_103, %dma_start3A_104] : memref<125x128xf32, #tpu.memory_space<vmem>> -> memref<104x128xf32, #tpu.memory_space<vmem>>
      %dma_start3A_106 = arith.constant 0 : i32
      %dma_start3A_107 = tpu.memref_slice %arg7[%add3A_35, %dma_start3A_106] : memref<10000x128xf32, #tpu.memory_space<vmem_shared>> -> memref<104x128xf32, #tpu.memory_space<vmem_shared>>
      %dma_start3A_108 = arith.constant 0 : i32
      %dma_start3A_109 = tpu.memref_slice %arg7[%add3A_35, %dma_start3A_108] : memref<10000x128xf32, #tpu.memory_space<vmem_shared>> -> memref<104x128xf32, #tpu.memory_space<vmem_shared>>
      %dma_start3A_110 = arith.constant 125 : i32
      %dma_start3A_111 = arith.constant 0 : i32
      %dma_start3A_112 = tpu.memref_slice %arg6[%dma_start3A_110, %dma_start3A_111] : memref<250x128xf32, #tpu.memory_space<vmem>> -> memref<125x128xf32, #tpu.memory_space<vmem>>
      %dma_start3A_113 = arith.constant 0 : i32
      %dma_start3A_114 = arith.constant 0 : i32
      %dma_start3A_115 = tpu.memref_slice %dma_start3A_112[%dma_start3A_113, %dma_start3A_114] : memref<125x128xf32, #tpu.memory_space<vmem>> -> memref<104x128xf32, #tpu.memory_space<vmem>>
      tpu.enqueue_dma source(%dma_start3A_115 : memref<104x128xf32, #tpu.memory_space<vmem>>) target(%dma_start3A_109 : memref<104x128xf32, #tpu.memory_space<vmem_shared>>) target_semaphore(%run_scoped3A : memref<!tpu.dma_semaphore, #tpu.memory_space<semaphore_mem>>)
      %dma_wait3A_116 = arith.constant 125 : i32
      %dma_wait3A_117 = arith.constant 0 : i32
      %dma_wait3A_118 = tpu.memref_slice %arg6[%dma_wait3A_116, %dma_wait3A_117] : memref<250x128xf32, #tpu.memory_space<vmem>> -> memref<125x128xf32, #tpu.memory_space<vmem>>
      %dma_wait3A_119 = arith.constant 0 : i32
      %dma_wait3A_120 = arith.constant 0 : i32
      %dma_wait3A_121 = tpu.memref_slice %dma_wait3A_118[%dma_wait3A_119, %dma_wait3A_120] : memref<125x128xf32, #tpu.memory_space<vmem>> -> memref<104x128xf32, #tpu.memory_space<vmem>>
      %dma_wait3A_122 = arith.constant 0 : i32
      %dma_wait3A_123 = tpu.memref_slice %arg7[%add3A_35, %dma_wait3A_122] : memref<10000x128xf32, #tpu.memory_space<vmem_shared>> -> memref<104x128xf32, #tpu.memory_space<vmem_shared>>
      %dma_wait3A_124 = arith.constant 0 : i32
      %dma_wait3A_125 = tpu.memref_slice %arg7[%add3A_35, %dma_wait3A_124] : memref<10000x128xf32, #tpu.memory_space<vmem_shared>> -> memref<104x128xf32, #tpu.memory_space<vmem_shared>>
      %dma_wait3A_126 = arith.constant 125 : i32
      %dma_wait3A_127 = arith.constant 0 : i32
      %dma_wait3A_128 = tpu.memref_slice %arg6[%dma_wait3A_126, %dma_wait3A_127] : memref<250x128xf32, #tpu.memory_space<vmem>> -> memref<125x128xf32, #tpu.memory_space<vmem>>
      %dma_wait3A_129 = arith.constant 0 : i32
      %dma_wait3A_130 = arith.constant 0 : i32
      %dma_wait3A_131 = tpu.memref_slice %dma_wait3A_128[%dma_wait3A_129, %dma_wait3A_130] : memref<125x128xf32, #tpu.memory_space<vmem>> -> memref<104x128xf32, #tpu.memory_space<vmem>>
      tpu.wait_dma2 semaphore(%run_scoped3A : memref<!tpu.dma_semaphore, #tpu.memory_space<semaphore_mem>>) src(%dma_wait3A_131 : memref<104x128xf32, #tpu.memory_space<vmem>>) dst(%dma_wait3A_125 : memref<104x128xf32, #tpu.memory_space<vmem_shared>>)
      tpu.yield
    }) : () -> ()
    %eq3A = arith.constant 15 : i32
    %eq3A_36 = arith.cmpi eq, %arg1, %eq3A : i32
    %convert_element_type3A = arith.extui %eq3A_36 : i1 to i32
    %cond3A = arith.constant 0 : i32
    %cond3A_37 = arith.cmpi ne, %convert_element_type3A, %cond3A : i32
    scf.if %cond3A_37 {
      "tpu.region"() ({
        %run_scoped3A = tpu.sem_alloc : memref<!tpu.dma_semaphore, #tpu.memory_space<semaphore_mem>>
        %dma_start3A_100 = arith.constant 125 : i32
        %dma_start3A_101 = arith.constant 0 : i32
        %dma_start3A_102 = tpu.memref_slice %arg6[%dma_start3A_100, %dma_start3A_101] : memref<250x128xf32, #tpu.memory_space<vmem>> -> memref<125x128xf32, #tpu.memory_space<vmem>>
        %dma_start3A_103 = arith.constant 0 : i32
        %dma_start3A_104 = arith.constant 0 : i32
        %dma_start3A_105 = tpu.memref_slice %dma_start3A_102[%dma_start3A_103, %dma_start3A_104] : memref<125x128xf32, #tpu.memory_space<vmem>> -> memref<16x128xf32, #tpu.memory_space<vmem>>
        %dma_start3A_106 = arith.constant 9984 : i32
        %dma_start3A_107 = arith.constant 0 : i32
        %dma_start3A_108 = tpu.memref_slice %arg7[%dma_start3A_106, %dma_start3A_107] : memref<10000x128xf32, #tpu.memory_space<vmem_shared>> -> memref<16x128xf32, #tpu.memory_space<vmem_shared>>
        %dma_start3A_109 = arith.constant 9984 : i32
        %dma_start3A_110 = arith.constant 0 : i32
        %dma_start3A_111 = tpu.memref_slice %arg7[%dma_start3A_109, %dma_start3A_110] : memref<10000x128xf32, #tpu.memory_space<vmem_shared>> -> memref<16x128xf32, #tpu.memory_space<vmem_shared>>
        %dma_start3A_112 = arith.constant 125 : i32
        %dma_start3A_113 = arith.constant 0 : i32
        %dma_start3A_114 = tpu.memref_slice %arg6[%dma_start3A_112, %dma_start3A_113] : memref<250x128xf32, #tpu.memory_space<vmem>> -> memref<125x128xf32, #tpu.memory_space<vmem>>
        %dma_start3A_115 = arith.constant 0 : i32
        %dma_start3A_116 = arith.constant 0 : i32
        %dma_start3A_117 = tpu.memref_slice %dma_start3A_114[%dma_start3A_115, %dma_start3A_116] : memref<125x128xf32, #tpu.memory_space<vmem>> -> memref<16x128xf32, #tpu.memory_space<vmem>>
        tpu.enqueue_dma source(%dma_start3A_117 : memref<16x128xf32, #tpu.memory_space<vmem>>) target(%dma_start3A_111 : memref<16x128xf32, #tpu.memory_space<vmem_shared>>) target_semaphore(%run_scoped3A : memref<!tpu.dma_semaphore, #tpu.memory_space<semaphore_mem>>)
        %dma_wait3A_118 = arith.constant 125 : i32
        %dma_wait3A_119 = arith.constant 0 : i32
        %dma_wait3A_120 = tpu.memref_slice %arg6[%dma_wait3A_118, %dma_wait3A_119] : memref<250x128xf32, #tpu.memory_space<vmem>> -> memref<125x128xf32, #tpu.memory_space<vmem>>
        %dma_wait3A_121 = arith.constant 0 : i32
        %dma_wait3A_122 = arith.constant 0 : i32
        %dma_wait3A_123 = tpu.memref_slice %dma_wait3A_120[%dma_wait3A_121, %dma_wait3A_122] : memref<125x128xf32, #tpu.memory_space<vmem>> -> memref<16x128xf32, #tpu.memory_space<vmem>>
        %dma_wait3A_124 = arith.constant 9984 : i32
        %dma_wait3A_125 = arith.constant 0 : i32
        %dma_wait3A_126 = tpu.memref_slice %arg7[%dma_wait3A_124, %dma_wait3A_125] : memref<10000x128xf32, #tpu.memory_space<vmem_shared>> -> memref<16x128xf32, #tpu.memory_space<vmem_shared>>
        %dma_wait3A_127 = arith.constant 9984 : i32
        %dma_wait3A_128 = arith.constant 0 : i32
        %dma_wait3A_129 = tpu.memref_slice %arg7[%dma_wait3A_127, %dma_wait3A_128] : memref<10000x128xf32, #tpu.memory_space<vmem_shared>> -> memref<16x128xf32, #tpu.memory_space<vmem_shared>>
        %dma_wait3A_130 = arith.constant 125 : i32
        %dma_wait3A_131 = arith.constant 0 : i32
        %dma_wait3A_132 = tpu.memref_slice %arg6[%dma_wait3A_130, %dma_wait3A_131] : memref<250x128xf32, #tpu.memory_space<vmem>> -> memref<125x128xf32, #tpu.memory_space<vmem>>
        %dma_wait3A_133 = arith.constant 0 : i32
        %dma_wait3A_134 = arith.constant 0 : i32
        %dma_wait3A_135 = tpu.memref_slice %dma_wait3A_132[%dma_wait3A_133, %dma_wait3A_134] : memref<125x128xf32, #tpu.memory_space<vmem>> -> memref<16x128xf32, #tpu.memory_space<vmem>>
        tpu.wait_dma2 semaphore(%run_scoped3A : memref<!tpu.dma_semaphore, #tpu.memory_space<semaphore_mem>>) src(%dma_wait3A_135 : memref<16x128xf32, #tpu.memory_space<vmem>>) dst(%dma_wait3A_129 : memref<16x128xf32, #tpu.memory_space<vmem_shared>>)
        tpu.yield
      }) : () -> ()
    } else {
    }
    %barrier3A = arith.constant 0 : index
    tpu.barrier barrier_id(%barrier3A)
    %scan3A_38 = arith.constant 0 : i32
    %scan3A_39 = arith.constant 0 : i32
    %scan3A_40 = arith.constant 40 : i32
    %scan3A_41 = arith.addi %scan3A_39, %scan3A_40 : i32
    %scan3A_42 = arith.constant 1 : i32
    %scan3A_43 = scf.for %scan3A_100 = %scan3A_39 to %scan3A_41 step %scan3A_42 iter_args(%scan3A_101 = %scan3A_38) -> (i32)  : i32 {
      %jit3A = arith.constant 2 : i32
      %eq3A_102 = arith.constant 0 : i32
      %eq3A_103 = arith.cmpi eq, %jit3A, %eq3A_102 : i32
      %jit3A_104 = arith.constant 1 : i32
      %select_n3A = arith.select %eq3A_103, %jit3A_104, %jit3A : i32
      %rem3A = arith.remsi %scan3A_100, %select_n3A : i32
      %ne3A = arith.constant 0 : i32
      %ne3A_105 = arith.cmpi ne, %rem3A, %ne3A : i32
      %lt3A = arith.constant 0 : i32
      %lt3A_106 = arith.cmpi slt, %rem3A, %lt3A : i32
      %lt3A_107 = arith.constant 0 : i32
      %lt3A_108 = arith.cmpi slt, %select_n3A, %lt3A_107 : i32
      %ne3A_109 = arith.xori %lt3A_106, %lt3A_108 : i1
      %and3A = arith.andi %ne3A_109, %ne3A_105 : i1
      %add3A_110 = arith.addi %rem3A, %select_n3A : i32
      %select_n3A_111 = arith.select %and3A, %add3A_110, %rem3A : i32
      %eq3A_112 = arith.constant 0 : i32
      %eq3A_113 = arith.cmpi eq, %select_n3A_111, %eq3A_112 : i32
      %convert_element_type3A_114 = arith.extui %eq3A_113 : i1 to i32
      %cond3A_115 = arith.constant 0 : i32
      %cond3A_116 = arith.cmpi ne, %convert_element_type3A_114, %cond3A_115 : i32
      scf.if %cond3A_116 {
        %ge3A = arith.constant 1 : i32
        %ge3A_139 = arith.cmpi sge, %scan3A_100, %ge3A : i32
        %convert_element_type3A_140 = arith.extui %ge3A_139 : i1 to i32
        %cond3A_141 = arith.constant 0 : i32
        %cond3A_142 = arith.cmpi ne, %convert_element_type3A_140, %cond3A_141 : i32
        scf.if %cond3A_142 {
          %add3A_170 = arith.constant 40 : i32
          %add3A_171 = arith.addi %add3A_170, %scan3A_100 : i32
          %sub3A = arith.constant 1 : i32
          %sub3A_172 = arith.subi %add3A_171, %sub3A : i32
          %dma_wait3A_173 = arith.constant 125 : i32
          %dma_wait3A_174 = arith.constant 0 : i32
          %dma_wait3A_175 = tpu.memref_slice %arg6[%dma_wait3A_173, %dma_wait3A_174] : memref<250x128xf32, #tpu.memory_space<vmem>> -> memref<125x128xf32, #tpu.memory_space<vmem>>
          %dma_wait3A_176 = arith.constant 0 : i32
          %dma_wait3A_177 = tpu.memref_slice %arg5[%sub3A_172, %dma_wait3A_176] : memref<80x125xi32, #tpu.memory_space<vmem>> -> memref<1x125xi32, #tpu.memory_space<vmem>>
          %dma_wait3A_178 = tpu.memref_squeeze %dma_wait3A_177 : memref<1x125xi32, #tpu.memory_space<vmem>> -> memref<125xi32, #tpu.memory_space<vmem>>
          %dma_wait3A_179 = arith.constant 0 : i32
          %dma_wait3A_180 = arith.constant 0 : i32
          %dma_wait3A_181 = tpu.memref_slice %arg7[%dma_wait3A_179, %dma_wait3A_180] : memref<10000x128xf32, #tpu.memory_space<vmem_shared>> -> memref<10000x128xf32, #tpu.memory_space<vmem_shared>>
          tpu.wait_indirect_dma semaphore(%arg11 : memref<!tpu.dma_semaphore, #tpu.memory_space<semaphore_mem>>) src(%dma_wait3A_175 : memref<125x128xf32, #tpu.memory_space<vmem>>) dst(%dma_wait3A_181 : memref<10000x128xf32, #tpu.memory_space<vmem_shared>>)
        } else {
        }
        %add3A_143 = arith.constant 1 : i32
        %add3A_144 = arith.addi %scan3A_100, %add3A_143 : i32
        %lt3A_145 = arith.constant 40 : i32
        %lt3A_146 = arith.cmpi slt, %add3A_144, %lt3A_145 : i32
        %convert_element_type3A_147 = arith.extui %lt3A_146 : i1 to i32
        %cond3A_148 = arith.constant 0 : i32
        %cond3A_149 = arith.cmpi ne, %convert_element_type3A_147, %cond3A_148 : i32
        scf.if %cond3A_149 {
          %add3A_170 = arith.constant 1 : i32
          %add3A_171 = arith.addi %scan3A_100, %add3A_170 : i32
          %dma_start3A_172 = arith.constant 125 : i32
          %dma_start3A_173 = arith.constant 0 : i32
          %dma_start3A_174 = tpu.memref_slice %arg6[%dma_start3A_172, %dma_start3A_173] : memref<250x128xf32, #tpu.memory_space<vmem>> -> memref<125x128xf32, #tpu.memory_space<vmem>>
          %dma_start3A_175 = arith.constant 0 : i32
          %dma_start3A_176 = tpu.memref_slice %arg5[%add3A_171, %dma_start3A_175] : memref<80x125xi32, #tpu.memory_space<vmem>> -> memref<1x125xi32, #tpu.memory_space<vmem>>
          %dma_start3A_177 = tpu.memref_squeeze %dma_start3A_176 : memref<1x125xi32, #tpu.memory_space<vmem>> -> memref<125xi32, #tpu.memory_space<vmem>>
          %dma_start3A_178 = arith.constant 0 : i32
          %dma_start3A_179 = arith.constant 0 : i32
          %dma_start3A_180 = tpu.memref_slice %arg2[%dma_start3A_178, %dma_start3A_179] : memref<10000x128xf32, #tpu.memory_space<hbm>> -> memref<10000x128xf32, #tpu.memory_space<hbm>>
          tpu.enqueue_indirect_dma source(%dma_start3A_180 : memref<10000x128xf32, #tpu.memory_space<hbm>>) target(%dma_start3A_174 : memref<125x128xf32, #tpu.memory_space<vmem>>) offsets(%dma_start3A_177 : memref<125xi32, #tpu.memory_space<vmem>>) semaphore(%arg9 : memref<!tpu.dma_semaphore, #tpu.memory_space<semaphore_mem>>)
        } else {
        }
        %dma_wait3A_150 = arith.constant 0 : i32
        %dma_wait3A_151 = arith.constant 0 : i32
        %dma_wait3A_152 = tpu.memref_slice %arg6[%dma_wait3A_150, %dma_wait3A_151] : memref<250x128xf32, #tpu.memory_space<vmem>> -> memref<125x128xf32, #tpu.memory_space<vmem>>
        %dma_wait3A_153 = arith.constant 0 : i32
        %dma_wait3A_154 = tpu.memref_slice %arg5[%scan3A_100, %dma_wait3A_153] : memref<80x125xi32, #tpu.memory_space<vmem>> -> memref<1x125xi32, #tpu.memory_space<vmem>>
        %dma_wait3A_155 = tpu.memref_squeeze %dma_wait3A_154 : memref<1x125xi32, #tpu.memory_space<vmem>> -> memref<125xi32, #tpu.memory_space<vmem>>
        %dma_wait3A_156 = arith.constant 0 : i32
        %dma_wait3A_157 = arith.constant 0 : i32
        %dma_wait3A_158 = tpu.memref_slice %arg2[%dma_wait3A_156, %dma_wait3A_157] : memref<10000x128xf32, #tpu.memory_space<hbm>> -> memref<10000x128xf32, #tpu.memory_space<hbm>>
        tpu.wait_indirect_dma semaphore(%arg8 : memref<!tpu.dma_semaphore, #tpu.memory_space<semaphore_mem>>) src(%dma_wait3A_158 : memref<10000x128xf32, #tpu.memory_space<hbm>>) dst(%dma_wait3A_152 : memref<125x128xf32, #tpu.memory_space<vmem>>)
        %add3A_159 = arith.constant 40 : i32
        %add3A_160 = arith.addi %add3A_159, %scan3A_100 : i32
        %dma_start3A_161 = arith.constant 0 : i32
        %dma_start3A_162 = arith.constant 0 : i32
        %dma_start3A_163 = tpu.memref_slice %arg6[%dma_start3A_161, %dma_start3A_162] : memref<250x128xf32, #tpu.memory_space<vmem>> -> memref<125x128xf32, #tpu.memory_space<vmem>>
        %dma_start3A_164 = arith.constant 0 : i32
        %dma_start3A_165 = tpu.memref_slice %arg5[%add3A_160, %dma_start3A_164] : memref<80x125xi32, #tpu.memory_space<vmem>> -> memref<1x125xi32, #tpu.memory_space<vmem>>
        %dma_start3A_166 = tpu.memref_squeeze %dma_start3A_165 : memref<1x125xi32, #tpu.memory_space<vmem>> -> memref<125xi32, #tpu.memory_space<vmem>>
        %dma_start3A_167 = arith.constant 0 : i32
        %dma_start3A_168 = arith.constant 0 : i32
        %dma_start3A_169 = tpu.memref_slice %arg7[%dma_start3A_167, %dma_start3A_168] : memref<10000x128xf32, #tpu.memory_space<vmem_shared>> -> memref<10000x128xf32, #tpu.memory_space<vmem_shared>>
        tpu.enqueue_indirect_dma source(%dma_start3A_163 : memref<125x128xf32, #tpu.memory_space<vmem>>) target(%dma_start3A_169 : memref<10000x128xf32, #tpu.memory_space<vmem_shared>>) offsets(%dma_start3A_166 : memref<125xi32, #tpu.memory_space<vmem>>) semaphore(%arg10 : memref<!tpu.dma_semaphore, #tpu.memory_space<semaphore_mem>>) {add = true}
      } else {
      }
      %jit3A_117 = arith.constant 2 : i32
      %eq3A_118 = arith.constant 0 : i32
      %eq3A_119 = arith.cmpi eq, %jit3A_117, %eq3A_118 : i32
      %jit3A_120 = arith.constant 1 : i32
      %select_n3A_121 = arith.select %eq3A_119, %jit3A_120, %jit3A_117 : i32
      %rem3A_122 = arith.remsi %scan3A_100, %select_n3A_121 : i32
      %ne3A_123 = arith.constant 0 : i32
      %ne3A_124 = arith.cmpi ne, %rem3A_122, %ne3A_123 : i32
      %lt3A_125 = arith.constant 0 : i32
      %lt3A_126 = arith.cmpi slt, %rem3A_122, %lt3A_125 : i32
      %lt3A_127 = arith.constant 0 : i32
      %lt3A_128 = arith.cmpi slt, %select_n3A_121, %lt3A_127 : i32
      %ne3A_129 = arith.xori %lt3A_126, %lt3A_128 : i1
      %and3A_130 = arith.andi %ne3A_129, %ne3A_124 : i1
      %add3A_131 = arith.addi %rem3A_122, %select_n3A_121 : i32
      %select_n3A_132 = arith.select %and3A_130, %add3A_131, %rem3A_122 : i32
      %eq3A_133 = arith.constant 1 : i32
      %eq3A_134 = arith.cmpi eq, %select_n3A_132, %eq3A_133 : i32
      %convert_element_type3A_135 = arith.extui %eq3A_134 : i1 to i32
      %cond3A_136 = arith.constant 0 : i32
      %cond3A_137 = arith.cmpi ne, %convert_element_type3A_135, %cond3A_136 : i32
      scf.if %cond3A_137 {
        %add3A_139 = arith.constant 40 : i32
        %add3A_140 = arith.addi %add3A_139, %scan3A_100 : i32
        %sub3A = arith.constant 1 : i32
        %sub3A_141 = arith.subi %add3A_140, %sub3A : i32
        %dma_wait3A_142 = arith.constant 0 : i32
        %dma_wait3A_143 = arith.constant 0 : i32
        %dma_wait3A_144 = tpu.memref_slice %arg6[%dma_wait3A_142, %dma_wait3A_143] : memref<250x128xf32, #tpu.memory_space<vmem>> -> memref<125x128xf32, #tpu.memory_space<vmem>>
        %dma_wait3A_145 = arith.constant 0 : i32
        %dma_wait3A_146 = tpu.memref_slice %arg5[%sub3A_141, %dma_wait3A_145] : memref<80x125xi32, #tpu.memory_space<vmem>> -> memref<1x125xi32, #tpu.memory_space<vmem>>
        %dma_wait3A_147 = tpu.memref_squeeze %dma_wait3A_146 : memref<1x125xi32, #tpu.memory_space<vmem>> -> memref<125xi32, #tpu.memory_space<vmem>>
        %dma_wait3A_148 = arith.constant 0 : i32
        %dma_wait3A_149 = arith.constant 0 : i32
        %dma_wait3A_150 = tpu.memref_slice %arg7[%dma_wait3A_148, %dma_wait3A_149] : memref<10000x128xf32, #tpu.memory_space<vmem_shared>> -> memref<10000x128xf32, #tpu.memory_space<vmem_shared>>
        tpu.wait_indirect_dma semaphore(%arg10 : memref<!tpu.dma_semaphore, #tpu.memory_space<semaphore_mem>>) src(%dma_wait3A_144 : memref<125x128xf32, #tpu.memory_space<vmem>>) dst(%dma_wait3A_150 : memref<10000x128xf32, #tpu.memory_space<vmem_shared>>)
        %add3A_151 = arith.constant 1 : i32
        %add3A_152 = arith.addi %scan3A_100, %add3A_151 : i32
        %lt3A_153 = arith.constant 40 : i32
        %lt3A_154 = arith.cmpi slt, %add3A_152, %lt3A_153 : i32
        %convert_element_type3A_155 = arith.extui %lt3A_154 : i1 to i32
        %cond3A_156 = arith.constant 0 : i32
        %cond3A_157 = arith.cmpi ne, %convert_element_type3A_155, %cond3A_156 : i32
        scf.if %cond3A_157 {
          %add3A_178 = arith.constant 1 : i32
          %add3A_179 = arith.addi %scan3A_100, %add3A_178 : i32
          %dma_start3A_180 = arith.constant 0 : i32
          %dma_start3A_181 = arith.constant 0 : i32
          %dma_start3A_182 = tpu.memref_slice %arg6[%dma_start3A_180, %dma_start3A_181] : memref<250x128xf32, #tpu.memory_space<vmem>> -> memref<125x128xf32, #tpu.memory_space<vmem>>
          %dma_start3A_183 = arith.constant 0 : i32
          %dma_start3A_184 = tpu.memref_slice %arg5[%add3A_179, %dma_start3A_183] : memref<80x125xi32, #tpu.memory_space<vmem>> -> memref<1x125xi32, #tpu.memory_space<vmem>>
          %dma_start3A_185 = tpu.memref_squeeze %dma_start3A_184 : memref<1x125xi32, #tpu.memory_space<vmem>> -> memref<125xi32, #tpu.memory_space<vmem>>
          %dma_start3A_186 = arith.constant 0 : i32
          %dma_start3A_187 = arith.constant 0 : i32
          %dma_start3A_188 = tpu.memref_slice %arg2[%dma_start3A_186, %dma_start3A_187] : memref<10000x128xf32, #tpu.memory_space<hbm>> -> memref<10000x128xf32, #tpu.memory_space<hbm>>
          tpu.enqueue_indirect_dma source(%dma_start3A_188 : memref<10000x128xf32, #tpu.memory_space<hbm>>) target(%dma_start3A_182 : memref<125x128xf32, #tpu.memory_space<vmem>>) offsets(%dma_start3A_185 : memref<125xi32, #tpu.memory_space<vmem>>) semaphore(%arg8 : memref<!tpu.dma_semaphore, #tpu.memory_space<semaphore_mem>>)
        } else {
        }
        %dma_wait3A_158 = arith.constant 125 : i32
        %dma_wait3A_159 = arith.constant 0 : i32
        %dma_wait3A_160 = tpu.memref_slice %arg6[%dma_wait3A_158, %dma_wait3A_159] : memref<250x128xf32, #tpu.memory_space<vmem>> -> memref<125x128xf32, #tpu.memory_space<vmem>>
        %dma_wait3A_161 = arith.constant 0 : i32
        %dma_wait3A_162 = tpu.memref_slice %arg5[%scan3A_100, %dma_wait3A_161] : memref<80x125xi32, #tpu.memory_space<vmem>> -> memref<1x125xi32, #tpu.memory_space<vmem>>
        %dma_wait3A_163 = tpu.memref_squeeze %dma_wait3A_162 : memref<1x125xi32, #tpu.memory_space<vmem>> -> memref<125xi32, #tpu.memory_space<vmem>>
        %dma_wait3A_164 = arith.constant 0 : i32
        %dma_wait3A_165 = arith.constant 0 : i32
        %dma_wait3A_166 = tpu.memref_slice %arg2[%dma_wait3A_164, %dma_wait3A_165] : memref<10000x128xf32, #tpu.memory_space<hbm>> -> memref<10000x128xf32, #tpu.memory_space<hbm>>
        tpu.wait_indirect_dma semaphore(%arg9 : memref<!tpu.dma_semaphore, #tpu.memory_space<semaphore_mem>>) src(%dma_wait3A_166 : memref<10000x128xf32, #tpu.memory_space<hbm>>) dst(%dma_wait3A_160 : memref<125x128xf32, #tpu.memory_space<vmem>>)
        %add3A_167 = arith.constant 40 : i32
        %add3A_168 = arith.addi %add3A_167, %scan3A_100 : i32
        %dma_start3A_169 = arith.constant 125 : i32
        %dma_start3A_170 = arith.constant 0 : i32
        %dma_start3A_171 = tpu.memref_slice %arg6[%dma_start3A_169, %dma_start3A_170] : memref<250x128xf32, #tpu.memory_space<vmem>> -> memref<125x128xf32, #tpu.memory_space<vmem>>
        %dma_start3A_172 = arith.constant 0 : i32
        %dma_start3A_173 = tpu.memref_slice %arg5[%add3A_168, %dma_start3A_172] : memref<80x125xi32, #tpu.memory_space<vmem>> -> memref<1x125xi32, #tpu.memory_space<vmem>>
        %dma_start3A_174 = tpu.memref_squeeze %dma_start3A_173 : memref<1x125xi32, #tpu.memory_space<vmem>> -> memref<125xi32, #tpu.memory_space<vmem>>
        %dma_start3A_175 = arith.constant 0 : i32
        %dma_start3A_176 = arith.constant 0 : i32
        %dma_start3A_177 = tpu.memref_slice %arg7[%dma_start3A_175, %dma_start3A_176] : memref<10000x128xf32, #tpu.memory_space<vmem_shared>> -> memref<10000x128xf32, #tpu.memory_space<vmem_shared>>
        tpu.enqueue_indirect_dma source(%dma_start3A_171 : memref<125x128xf32, #tpu.memory_space<vmem>>) target(%dma_start3A_177 : memref<10000x128xf32, #tpu.memory_space<vmem_shared>>) offsets(%dma_start3A_174 : memref<125xi32, #tpu.memory_space<vmem>>) semaphore(%arg11 : memref<!tpu.dma_semaphore, #tpu.memory_space<semaphore_mem>>) {add = true}
      } else {
      }
      %scan3A_138 = arith.constant 0 : i32
      scf.yield %scan3A_138 : i32
    }
    %scan3A_44 = arith.constant 40 : i32
    %dma_wait3A = arith.constant 79 : i32
    %dma_wait3A_45 = arith.constant 125 : i32
    %dma_wait3A_46 = arith.constant 0 : i32
    %dma_wait3A_47 = tpu.memref_slice %arg6[%dma_wait3A_45, %dma_wait3A_46] : memref<250x128xf32, #tpu.memory_space<vmem>> -> memref<125x128xf32, #tpu.memory_space<vmem>>
    %dma_wait3A_48 = arith.constant 0 : i32
    %dma_wait3A_49 = tpu.memref_slice %arg5[%dma_wait3A, %dma_wait3A_48] : memref<80x125xi32, #tpu.memory_space<vmem>> -> memref<1x125xi32, #tpu.memory_space<vmem>>
    %dma_wait3A_50 = tpu.memref_squeeze %dma_wait3A_49 : memref<1x125xi32, #tpu.memory_space<vmem>> -> memref<125xi32, #tpu.memory_space<vmem>>
    %dma_wait3A_51 = arith.constant 0 : i32
    %dma_wait3A_52 = arith.constant 0 : i32
    %dma_wait3A_53 = tpu.memref_slice %arg7[%dma_wait3A_51, %dma_wait3A_52] : memref<10000x128xf32, #tpu.memory_space<vmem_shared>> -> memref<10000x128xf32, #tpu.memory_space<vmem_shared>>
    tpu.wait_indirect_dma semaphore(%arg11 : memref<!tpu.dma_semaphore, #tpu.memory_space<semaphore_mem>>) src(%dma_wait3A_47 : memref<125x128xf32, #tpu.memory_space<vmem>>) dst(%dma_wait3A_53 : memref<10000x128xf32, #tpu.memory_space<vmem_shared>>)
    %mul3A_54 = arith.constant 2 : i32
    %mul3A_55 = arith.muli %add3A, %mul3A_54 : i32
    %add3A_56 = arith.constant 1 : i32
    %add3A_57 = arith.addi %mul3A_55, %add3A_56 : i32
    "tpu.region"() ({
      %run_scoped3A = tpu.sem_alloc : memref<!tpu.dma_semaphore, #tpu.memory_space<semaphore_mem>>
      %dma_start3A_100 = arith.constant 0 : i32
      %dma_start3A_101 = arith.constant 0 : i32
      %dma_start3A_102 = tpu.memref_slice %arg5[%dma_start3A_100, %dma_start3A_101] : memref<80x125xi32, #tpu.memory_space<vmem>> -> memref<40x125xi32, #tpu.memory_space<vmem>>
      %dma_start3A_103 = arith.constant 0 : i32
      %dma_start3A_104 = arith.constant 0 : i32
      %dma_start3A_105 = tpu.memref_slice %arg3[%add3A_57, %dma_start3A_103, %dma_start3A_104] : memref<128x40x125xi32, #tpu.memory_space<hbm>> -> memref<1x40x125xi32, #tpu.memory_space<hbm>>
      %dma_start3A_106 = tpu.memref_squeeze %dma_start3A_105 : memref<1x40x125xi32, #tpu.memory_space<hbm>> -> memref<40x125xi32, #tpu.memory_space<hbm>>
      %dma_start3A_107 = arith.constant 0 : i32
      %dma_start3A_108 = arith.constant 0 : i32
      %dma_start3A_109 = tpu.memref_slice %arg5[%dma_start3A_107, %dma_start3A_108] : memref<80x125xi32, #tpu.memory_space<vmem>> -> memref<40x125xi32, #tpu.memory_space<vmem>>
      %dma_start3A_110 = arith.constant 0 : i32
      %dma_start3A_111 = arith.constant 0 : i32
      %dma_start3A_112 = tpu.memref_slice %arg3[%add3A_57, %dma_start3A_110, %dma_start3A_111] : memref<128x40x125xi32, #tpu.memory_space<hbm>> -> memref<1x40x125xi32, #tpu.memory_space<hbm>>
      %dma_start3A_113 = tpu.memref_squeeze %dma_start3A_112 : memref<1x40x125xi32, #tpu.memory_space<hbm>> -> memref<40x125xi32, #tpu.memory_space<hbm>>
      tpu.enqueue_dma source(%dma_start3A_113 : memref<40x125xi32, #tpu.memory_space<hbm>>) target(%dma_start3A_109 : memref<40x125xi32, #tpu.memory_space<vmem>>) target_semaphore(%run_scoped3A : memref<!tpu.dma_semaphore, #tpu.memory_space<semaphore_mem>>)
      %dma_wait3A_114 = arith.constant 0 : i32
      %dma_wait3A_115 = arith.constant 0 : i32
      %dma_wait3A_116 = tpu.memref_slice %arg5[%dma_wait3A_114, %dma_wait3A_115] : memref<80x125xi32, #tpu.memory_space<vmem>> -> memref<40x125xi32, #tpu.memory_space<vmem>>
      %dma_wait3A_117 = arith.constant 0 : i32
      %dma_wait3A_118 = arith.constant 0 : i32
      %dma_wait3A_119 = tpu.memref_slice %arg3[%add3A_57, %dma_wait3A_117, %dma_wait3A_118] : memref<128x40x125xi32, #tpu.memory_space<hbm>> -> memref<1x40x125xi32, #tpu.memory_space<hbm>>
      %dma_wait3A_120 = tpu.memref_squeeze %dma_wait3A_119 : memref<1x40x125xi32, #tpu.memory_space<hbm>> -> memref<40x125xi32, #tpu.memory_space<hbm>>
      %dma_wait3A_121 = arith.constant 0 : i32
      %dma_wait3A_122 = arith.constant 0 : i32
      %dma_wait3A_123 = tpu.memref_slice %arg5[%dma_wait3A_121, %dma_wait3A_122] : memref<80x125xi32, #tpu.memory_space<vmem>> -> memref<40x125xi32, #tpu.memory_space<vmem>>
      %dma_wait3A_124 = arith.constant 0 : i32
      %dma_wait3A_125 = arith.constant 0 : i32
      %dma_wait3A_126 = tpu.memref_slice %arg3[%add3A_57, %dma_wait3A_124, %dma_wait3A_125] : memref<128x40x125xi32, #tpu.memory_space<hbm>> -> memref<1x40x125xi32, #tpu.memory_space<hbm>>
      %dma_wait3A_127 = tpu.memref_squeeze %dma_wait3A_126 : memref<1x40x125xi32, #tpu.memory_space<hbm>> -> memref<40x125xi32, #tpu.memory_space<hbm>>
      tpu.wait_dma2 semaphore(%run_scoped3A : memref<!tpu.dma_semaphore, #tpu.memory_space<semaphore_mem>>) src(%dma_wait3A_127 : memref<40x125xi32, #tpu.memory_space<hbm>>) dst(%dma_wait3A_123 : memref<40x125xi32, #tpu.memory_space<vmem>>)
      tpu.yield
    }) : () -> ()
    %mul3A_58 = arith.constant 2 : i32
    %mul3A_59 = arith.muli %add3A, %mul3A_58 : i32
    %add3A_60 = arith.constant 64 : i32
    %add3A_61 = arith.addi %add3A_60, %mul3A_59 : i32
    %add3A_62 = arith.constant 1 : i32
    %add3A_63 = arith.addi %add3A_61, %add3A_62 : i32
    "tpu.region"() ({
      %run_scoped3A = tpu.sem_alloc : memref<!tpu.dma_semaphore, #tpu.memory_space<semaphore_mem>>
      %dma_start3A_100 = arith.constant 40 : i32
      %dma_start3A_101 = arith.constant 0 : i32
      %dma_start3A_102 = tpu.memref_slice %arg5[%dma_start3A_100, %dma_start3A_101] : memref<80x125xi32, #tpu.memory_space<vmem>> -> memref<40x125xi32, #tpu.memory_space<vmem>>
      %dma_start3A_103 = arith.constant 0 : i32
      %dma_start3A_104 = arith.constant 0 : i32
      %dma_start3A_105 = tpu.memref_slice %arg3[%add3A_63, %dma_start3A_103, %dma_start3A_104] : memref<128x40x125xi32, #tpu.memory_space<hbm>> -> memref<1x40x125xi32, #tpu.memory_space<hbm>>
      %dma_start3A_106 = tpu.memref_squeeze %dma_start3A_105 : memref<1x40x125xi32, #tpu.memory_space<hbm>> -> memref<40x125xi32, #tpu.memory_space<hbm>>
      %dma_start3A_107 = arith.constant 40 : i32
      %dma_start3A_108 = arith.constant 0 : i32
      %dma_start3A_109 = tpu.memref_slice %arg5[%dma_start3A_107, %dma_start3A_108] : memref<80x125xi32, #tpu.memory_space<vmem>> -> memref<40x125xi32, #tpu.memory_space<vmem>>
      %dma_start3A_110 = arith.constant 0 : i32
      %dma_start3A_111 = arith.constant 0 : i32
      %dma_start3A_112 = tpu.memref_slice %arg3[%add3A_63, %dma_start3A_110, %dma_start3A_111] : memref<128x40x125xi32, #tpu.memory_space<hbm>> -> memref<1x40x125xi32, #tpu.memory_space<hbm>>
      %dma_start3A_113 = tpu.memref_squeeze %dma_start3A_112 : memref<1x40x125xi32, #tpu.memory_space<hbm>> -> memref<40x125xi32, #tpu.memory_space<hbm>>
      tpu.enqueue_dma source(%dma_start3A_113 : memref<40x125xi32, #tpu.memory_space<hbm>>) target(%dma_start3A_109 : memref<40x125xi32, #tpu.memory_space<vmem>>) target_semaphore(%run_scoped3A : memref<!tpu.dma_semaphore, #tpu.memory_space<semaphore_mem>>)
      %dma_wait3A_114 = arith.constant 40 : i32
      %dma_wait3A_115 = arith.constant 0 : i32
      %dma_wait3A_116 = tpu.memref_slice %arg5[%dma_wait3A_114, %dma_wait3A_115] : memref<80x125xi32, #tpu.memory_space<vmem>> -> memref<40x125xi32, #tpu.memory_space<vmem>>
      %dma_wait3A_117 = arith.constant 0 : i32
      %dma_wait3A_118 = arith.constant 0 : i32
      %dma_wait3A_119 = tpu.memref_slice %arg3[%add3A_63, %dma_wait3A_117, %dma_wait3A_118] : memref<128x40x125xi32, #tpu.memory_space<hbm>> -> memref<1x40x125xi32, #tpu.memory_space<hbm>>
      %dma_wait3A_120 = tpu.memref_squeeze %dma_wait3A_119 : memref<1x40x125xi32, #tpu.memory_space<hbm>> -> memref<40x125xi32, #tpu.memory_space<hbm>>
      %dma_wait3A_121 = arith.constant 40 : i32
      %dma_wait3A_122 = arith.constant 0 : i32
      %dma_wait3A_123 = tpu.memref_slice %arg5[%dma_wait3A_121, %dma_wait3A_122] : memref<80x125xi32, #tpu.memory_space<vmem>> -> memref<40x125xi32, #tpu.memory_space<vmem>>
      %dma_wait3A_124 = arith.constant 0 : i32
      %dma_wait3A_125 = arith.constant 0 : i32
      %dma_wait3A_126 = tpu.memref_slice %arg3[%add3A_63, %dma_wait3A_124, %dma_wait3A_125] : memref<128x40x125xi32, #tpu.memory_space<hbm>> -> memref<1x40x125xi32, #tpu.memory_space<hbm>>
      %dma_wait3A_127 = tpu.memref_squeeze %dma_wait3A_126 : memref<1x40x125xi32, #tpu.memory_space<hbm>> -> memref<40x125xi32, #tpu.memory_space<hbm>>
      tpu.wait_dma2 semaphore(%run_scoped3A : memref<!tpu.dma_semaphore, #tpu.memory_space<semaphore_mem>>) src(%dma_wait3A_127 : memref<40x125xi32, #tpu.memory_space<hbm>>) dst(%dma_wait3A_123 : memref<40x125xi32, #tpu.memory_space<vmem>>)
      tpu.yield
    }) : () -> ()
    %dma_start3A_64 = arith.constant 0 : i32
    %dma_start3A_65 = arith.constant 0 : i32
    %dma_start3A_66 = arith.constant 0 : i32
    %dma_start3A_67 = tpu.memref_slice %arg6[%dma_start3A_65, %dma_start3A_66] : memref<250x128xf32, #tpu.memory_space<vmem>> -> memref<125x128xf32, #tpu.memory_space<vmem>>
    %dma_start3A_68 = arith.constant 0 : i32
    %dma_start3A_69 = tpu.memref_slice %arg5[%dma_start3A_64, %dma_start3A_68] : memref<80x125xi32, #tpu.memory_space<vmem>> -> memref<1x125xi32, #tpu.memory_space<vmem>>
    %dma_start3A_70 = tpu.memref_squeeze %dma_start3A_69 : memref<1x125xi32, #tpu.memory_space<vmem>> -> memref<125xi32, #tpu.memory_space<vmem>>
    %dma_start3A_71 = arith.constant 0 : i32
    %dma_start3A_72 = arith.constant 0 : i32
    %dma_start3A_73 = tpu.memref_slice %arg2[%dma_start3A_71, %dma_start3A_72] : memref<10000x128xf32, #tpu.memory_space<hbm>> -> memref<10000x128xf32, #tpu.memory_space<hbm>>
    tpu.enqueue_indirect_dma source(%dma_start3A_73 : memref<10000x128xf32, #tpu.memory_space<hbm>>) target(%dma_start3A_67 : memref<125x128xf32, #tpu.memory_space<vmem>>) offsets(%dma_start3A_70 : memref<125xi32, #tpu.memory_space<vmem>>) semaphore(%arg8 : memref<!tpu.dma_semaphore, #tpu.memory_space<semaphore_mem>>)
    %scan3A_74 = arith.constant 0 : i32
    %scan3A_75 = arith.constant 0 : i32
    %scan3A_76 = arith.constant 40 : i32
    %scan3A_77 = arith.addi %scan3A_75, %scan3A_76 : i32
    %scan3A_78 = arith.constant 1 : i32
    %scan3A_79 = scf.for %scan3A_100 = %scan3A_75 to %scan3A_77 step %scan3A_78 iter_args(%scan3A_101 = %scan3A_74) -> (i32)  : i32 {
      %jit3A = arith.constant 2 : i32
      %eq3A_102 = arith.constant 0 : i32
      %eq3A_103 = arith.cmpi eq, %jit3A, %eq3A_102 : i32
      %jit3A_104 = arith.constant 1 : i32
      %select_n3A = arith.select %eq3A_103, %jit3A_104, %jit3A : i32
      %rem3A = arith.remsi %scan3A_100, %select_n3A : i32
      %ne3A = arith.constant 0 : i32
      %ne3A_105 = arith.cmpi ne, %rem3A, %ne3A : i32
      %lt3A = arith.constant 0 : i32
      %lt3A_106 = arith.cmpi slt, %rem3A, %lt3A : i32
      %lt3A_107 = arith.constant 0 : i32
      %lt3A_108 = arith.cmpi slt, %select_n3A, %lt3A_107 : i32
      %ne3A_109 = arith.xori %lt3A_106, %lt3A_108 : i1
      %and3A = arith.andi %ne3A_109, %ne3A_105 : i1
      %add3A_110 = arith.addi %rem3A, %select_n3A : i32
      %select_n3A_111 = arith.select %and3A, %add3A_110, %rem3A : i32
      %eq3A_112 = arith.constant 0 : i32
      %eq3A_113 = arith.cmpi eq, %select_n3A_111, %eq3A_112 : i32
      %convert_element_type3A_114 = arith.extui %eq3A_113 : i1 to i32
      %cond3A_115 = arith.constant 0 : i32
      %cond3A_116 = arith.cmpi ne, %convert_element_type3A_114, %cond3A_115 : i32
      scf.if %cond3A_116 {
        %ge3A = arith.constant 1 : i32
        %ge3A_139 = arith.cmpi sge, %scan3A_100, %ge3A : i32
        %convert_element_type3A_140 = arith.extui %ge3A_139 : i1 to i32
        %cond3A_141 = arith.constant 0 : i32
        %cond3A_142 = arith.cmpi ne, %convert_element_type3A_140, %cond3A_141 : i32
        scf.if %cond3A_142 {
          %add3A_170 = arith.constant 40 : i32
          %add3A_171 = arith.addi %add3A_170, %scan3A_100 : i32
          %sub3A = arith.constant 1 : i32
          %sub3A_172 = arith.subi %add3A_171, %sub3A : i32
          %dma_wait3A_173 = arith.constant 125 : i32
          %dma_wait3A_174 = arith.constant 0 : i32
          %dma_wait3A_175 = tpu.memref_slice %arg6[%dma_wait3A_173, %dma_wait3A_174] : memref<250x128xf32, #tpu.memory_space<vmem>> -> memref<125x128xf32, #tpu.memory_space<vmem>>
          %dma_wait3A_176 = arith.constant 0 : i32
          %dma_wait3A_177 = tpu.memref_slice %arg5[%sub3A_172, %dma_wait3A_176] : memref<80x125xi32, #tpu.memory_space<vmem>> -> memref<1x125xi32, #tpu.memory_space<vmem>>
          %dma_wait3A_178 = tpu.memref_squeeze %dma_wait3A_177 : memref<1x125xi32, #tpu.memory_space<vmem>> -> memref<125xi32, #tpu.memory_space<vmem>>
          %dma_wait3A_179 = arith.constant 0 : i32
          %dma_wait3A_180 = arith.constant 0 : i32
          %dma_wait3A_181 = tpu.memref_slice %arg7[%dma_wait3A_179, %dma_wait3A_180] : memref<10000x128xf32, #tpu.memory_space<vmem_shared>> -> memref<10000x128xf32, #tpu.memory_space<vmem_shared>>
          tpu.wait_indirect_dma semaphore(%arg11 : memref<!tpu.dma_semaphore, #tpu.memory_space<semaphore_mem>>) src(%dma_wait3A_175 : memref<125x128xf32, #tpu.memory_space<vmem>>) dst(%dma_wait3A_181 : memref<10000x128xf32, #tpu.memory_space<vmem_shared>>)
        } else {
        }
        %add3A_143 = arith.constant 1 : i32
        %add3A_144 = arith.addi %scan3A_100, %add3A_143 : i32
        %lt3A_145 = arith.constant 40 : i32
        %lt3A_146 = arith.cmpi slt, %add3A_144, %lt3A_145 : i32
        %convert_element_type3A_147 = arith.extui %lt3A_146 : i1 to i32
        %cond3A_148 = arith.constant 0 : i32
        %cond3A_149 = arith.cmpi ne, %convert_element_type3A_147, %cond3A_148 : i32
        scf.if %cond3A_149 {
          %add3A_170 = arith.constant 1 : i32
          %add3A_171 = arith.addi %scan3A_100, %add3A_170 : i32
          %dma_start3A_172 = arith.constant 125 : i32
          %dma_start3A_173 = arith.constant 0 : i32
          %dma_start3A_174 = tpu.memref_slice %arg6[%dma_start3A_172, %dma_start3A_173] : memref<250x128xf32, #tpu.memory_space<vmem>> -> memref<125x128xf32, #tpu.memory_space<vmem>>
          %dma_start3A_175 = arith.constant 0 : i32
          %dma_start3A_176 = tpu.memref_slice %arg5[%add3A_171, %dma_start3A_175] : memref<80x125xi32, #tpu.memory_space<vmem>> -> memref<1x125xi32, #tpu.memory_space<vmem>>
          %dma_start3A_177 = tpu.memref_squeeze %dma_start3A_176 : memref<1x125xi32, #tpu.memory_space<vmem>> -> memref<125xi32, #tpu.memory_space<vmem>>
          %dma_start3A_178 = arith.constant 0 : i32
          %dma_start3A_179 = arith.constant 0 : i32
          %dma_start3A_180 = tpu.memref_slice %arg2[%dma_start3A_178, %dma_start3A_179] : memref<10000x128xf32, #tpu.memory_space<hbm>> -> memref<10000x128xf32, #tpu.memory_space<hbm>>
          tpu.enqueue_indirect_dma source(%dma_start3A_180 : memref<10000x128xf32, #tpu.memory_space<hbm>>) target(%dma_start3A_174 : memref<125x128xf32, #tpu.memory_space<vmem>>) offsets(%dma_start3A_177 : memref<125xi32, #tpu.memory_space<vmem>>) semaphore(%arg9 : memref<!tpu.dma_semaphore, #tpu.memory_space<semaphore_mem>>)
        } else {
        }
        %dma_wait3A_150 = arith.constant 0 : i32
        %dma_wait3A_151 = arith.constant 0 : i32
        %dma_wait3A_152 = tpu.memref_slice %arg6[%dma_wait3A_150, %dma_wait3A_151] : memref<250x128xf32, #tpu.memory_space<vmem>> -> memref<125x128xf32, #tpu.memory_space<vmem>>
        %dma_wait3A_153 = arith.constant 0 : i32
        %dma_wait3A_154 = tpu.memref_slice %arg5[%scan3A_100, %dma_wait3A_153] : memref<80x125xi32, #tpu.memory_space<vmem>> -> memref<1x125xi32, #tpu.memory_space<vmem>>
        %dma_wait3A_155 = tpu.memref_squeeze %dma_wait3A_154 : memref<1x125xi32, #tpu.memory_space<vmem>> -> memref<125xi32, #tpu.memory_space<vmem>>
        %dma_wait3A_156 = arith.constant 0 : i32
        %dma_wait3A_157 = arith.constant 0 : i32
        %dma_wait3A_158 = tpu.memref_slice %arg2[%dma_wait3A_156, %dma_wait3A_157] : memref<10000x128xf32, #tpu.memory_space<hbm>> -> memref<10000x128xf32, #tpu.memory_space<hbm>>
        tpu.wait_indirect_dma semaphore(%arg8 : memref<!tpu.dma_semaphore, #tpu.memory_space<semaphore_mem>>) src(%dma_wait3A_158 : memref<10000x128xf32, #tpu.memory_space<hbm>>) dst(%dma_wait3A_152 : memref<125x128xf32, #tpu.memory_space<vmem>>)
        %add3A_159 = arith.constant 40 : i32
        %add3A_160 = arith.addi %add3A_159, %scan3A_100 : i32
        %dma_start3A_161 = arith.constant 0 : i32
        %dma_start3A_162 = arith.constant 0 : i32
        %dma_start3A_163 = tpu.memref_slice %arg6[%dma_start3A_161, %dma_start3A_162] : memref<250x128xf32, #tpu.memory_space<vmem>> -> memref<125x128xf32, #tpu.memory_space<vmem>>
        %dma_start3A_164 = arith.constant 0 : i32
        %dma_start3A_165 = tpu.memref_slice %arg5[%add3A_160, %dma_start3A_164] : memref<80x125xi32, #tpu.memory_space<vmem>> -> memref<1x125xi32, #tpu.memory_space<vmem>>
        %dma_start3A_166 = tpu.memref_squeeze %dma_start3A_165 : memref<1x125xi32, #tpu.memory_space<vmem>> -> memref<125xi32, #tpu.memory_space<vmem>>
        %dma_start3A_167 = arith.constant 0 : i32
        %dma_start3A_168 = arith.constant 0 : i32
        %dma_start3A_169 = tpu.memref_slice %arg7[%dma_start3A_167, %dma_start3A_168] : memref<10000x128xf32, #tpu.memory_space<vmem_shared>> -> memref<10000x128xf32, #tpu.memory_space<vmem_shared>>
        tpu.enqueue_indirect_dma source(%dma_start3A_163 : memref<125x128xf32, #tpu.memory_space<vmem>>) target(%dma_start3A_169 : memref<10000x128xf32, #tpu.memory_space<vmem_shared>>) offsets(%dma_start3A_166 : memref<125xi32, #tpu.memory_space<vmem>>) semaphore(%arg10 : memref<!tpu.dma_semaphore, #tpu.memory_space<semaphore_mem>>) {add = true}
      } else {
      }
      %jit3A_117 = arith.constant 2 : i32
      %eq3A_118 = arith.constant 0 : i32
      %eq3A_119 = arith.cmpi eq, %jit3A_117, %eq3A_118 : i32
      %jit3A_120 = arith.constant 1 : i32
      %select_n3A_121 = arith.select %eq3A_119, %jit3A_120, %jit3A_117 : i32
      %rem3A_122 = arith.remsi %scan3A_100, %select_n3A_121 : i32
      %ne3A_123 = arith.constant 0 : i32
      %ne3A_124 = arith.cmpi ne, %rem3A_122, %ne3A_123 : i32
      %lt3A_125 = arith.constant 0 : i32
      %lt3A_126 = arith.cmpi slt, %rem3A_122, %lt3A_125 : i32
      %lt3A_127 = arith.constant 0 : i32
      %lt3A_128 = arith.cmpi slt, %select_n3A_121, %lt3A_127 : i32
      %ne3A_129 = arith.xori %lt3A_126, %lt3A_128 : i1
      %and3A_130 = arith.andi %ne3A_129, %ne3A_124 : i1
      %add3A_131 = arith.addi %rem3A_122, %select_n3A_121 : i32
      %select_n3A_132 = arith.select %and3A_130, %add3A_131, %rem3A_122 : i32
      %eq3A_133 = arith.constant 1 : i32
      %eq3A_134 = arith.cmpi eq, %select_n3A_132, %eq3A_133 : i32
      %convert_element_type3A_135 = arith.extui %eq3A_134 : i1 to i32
      %cond3A_136 = arith.constant 0 : i32
      %cond3A_137 = arith.cmpi ne, %convert_element_type3A_135, %cond3A_136 : i32
      scf.if %cond3A_137 {
        %add3A_139 = arith.constant 40 : i32
        %add3A_140 = arith.addi %add3A_139, %scan3A_100 : i32
        %sub3A = arith.constant 1 : i32
        %sub3A_141 = arith.subi %add3A_140, %sub3A : i32
        %dma_wait3A_142 = arith.constant 0 : i32
        %dma_wait3A_143 = arith.constant 0 : i32
        %dma_wait3A_144 = tpu.memref_slice %arg6[%dma_wait3A_142, %dma_wait3A_143] : memref<250x128xf32, #tpu.memory_space<vmem>> -> memref<125x128xf32, #tpu.memory_space<vmem>>
        %dma_wait3A_145 = arith.constant 0 : i32
        %dma_wait3A_146 = tpu.memref_slice %arg5[%sub3A_141, %dma_wait3A_145] : memref<80x125xi32, #tpu.memory_space<vmem>> -> memref<1x125xi32, #tpu.memory_space<vmem>>
        %dma_wait3A_147 = tpu.memref_squeeze %dma_wait3A_146 : memref<1x125xi32, #tpu.memory_space<vmem>> -> memref<125xi32, #tpu.memory_space<vmem>>
        %dma_wait3A_148 = arith.constant 0 : i32
        %dma_wait3A_149 = arith.constant 0 : i32
        %dma_wait3A_150 = tpu.memref_slice %arg7[%dma_wait3A_148, %dma_wait3A_149] : memref<10000x128xf32, #tpu.memory_space<vmem_shared>> -> memref<10000x128xf32, #tpu.memory_space<vmem_shared>>
        tpu.wait_indirect_dma semaphore(%arg10 : memref<!tpu.dma_semaphore, #tpu.memory_space<semaphore_mem>>) src(%dma_wait3A_144 : memref<125x128xf32, #tpu.memory_space<vmem>>) dst(%dma_wait3A_150 : memref<10000x128xf32, #tpu.memory_space<vmem_shared>>)
        %add3A_151 = arith.constant 1 : i32
        %add3A_152 = arith.addi %scan3A_100, %add3A_151 : i32
        %lt3A_153 = arith.constant 40 : i32
        %lt3A_154 = arith.cmpi slt, %add3A_152, %lt3A_153 : i32
        %convert_element_type3A_155 = arith.extui %lt3A_154 : i1 to i32
        %cond3A_156 = arith.constant 0 : i32
        %cond3A_157 = arith.cmpi ne, %convert_element_type3A_155, %cond3A_156 : i32
        scf.if %cond3A_157 {
          %add3A_178 = arith.constant 1 : i32
          %add3A_179 = arith.addi %scan3A_100, %add3A_178 : i32
          %dma_start3A_180 = arith.constant 0 : i32
          %dma_start3A_181 = arith.constant 0 : i32
          %dma_start3A_182 = tpu.memref_slice %arg6[%dma_start3A_180, %dma_start3A_181] : memref<250x128xf32, #tpu.memory_space<vmem>> -> memref<125x128xf32, #tpu.memory_space<vmem>>
          %dma_start3A_183 = arith.constant 0 : i32
          %dma_start3A_184 = tpu.memref_slice %arg5[%add3A_179, %dma_start3A_183] : memref<80x125xi32, #tpu.memory_space<vmem>> -> memref<1x125xi32, #tpu.memory_space<vmem>>
          %dma_start3A_185 = tpu.memref_squeeze %dma_start3A_184 : memref<1x125xi32, #tpu.memory_space<vmem>> -> memref<125xi32, #tpu.memory_space<vmem>>
          %dma_start3A_186 = arith.constant 0 : i32
          %dma_start3A_187 = arith.constant 0 : i32
          %dma_start3A_188 = tpu.memref_slice %arg2[%dma_start3A_186, %dma_start3A_187] : memref<10000x128xf32, #tpu.memory_space<hbm>> -> memref<10000x128xf32, #tpu.memory_space<hbm>>
          tpu.enqueue_indirect_dma source(%dma_start3A_188 : memref<10000x128xf32, #tpu.memory_space<hbm>>) target(%dma_start3A_182 : memref<125x128xf32, #tpu.memory_space<vmem>>) offsets(%dma_start3A_185 : memref<125xi32, #tpu.memory_space<vmem>>) semaphore(%arg8 : memref<!tpu.dma_semaphore, #tpu.memory_space<semaphore_mem>>)
        } else {
        }
        %dma_wait3A_158 = arith.constant 125 : i32
        %dma_wait3A_159 = arith.constant 0 : i32
        %dma_wait3A_160 = tpu.memref_slice %arg6[%dma_wait3A_158, %dma_wait3A_159] : memref<250x128xf32, #tpu.memory_space<vmem>> -> memref<125x128xf32, #tpu.memory_space<vmem>>
        %dma_wait3A_161 = arith.constant 0 : i32
        %dma_wait3A_162 = tpu.memref_slice %arg5[%scan3A_100, %dma_wait3A_161] : memref<80x125xi32, #tpu.memory_space<vmem>> -> memref<1x125xi32, #tpu.memory_space<vmem>>
        %dma_wait3A_163 = tpu.memref_squeeze %dma_wait3A_162 : memref<1x125xi32, #tpu.memory_space<vmem>> -> memref<125xi32, #tpu.memory_space<vmem>>
        %dma_wait3A_164 = arith.constant 0 : i32
        %dma_wait3A_165 = arith.constant 0 : i32
        %dma_wait3A_166 = tpu.memref_slice %arg2[%dma_wait3A_164, %dma_wait3A_165] : memref<10000x128xf32, #tpu.memory_space<hbm>> -> memref<10000x128xf32, #tpu.memory_space<hbm>>
        tpu.wait_indirect_dma semaphore(%arg9 : memref<!tpu.dma_semaphore, #tpu.memory_space<semaphore_mem>>) src(%dma_wait3A_166 : memref<10000x128xf32, #tpu.memory_space<hbm>>) dst(%dma_wait3A_160 : memref<125x128xf32, #tpu.memory_space<vmem>>)
        %add3A_167 = arith.constant 40 : i32
        %add3A_168 = arith.addi %add3A_167, %scan3A_100 : i32
        %dma_start3A_169 = arith.constant 125 : i32
        %dma_start3A_170 = arith.constant 0 : i32
        %dma_start3A_171 = tpu.memref_slice %arg6[%dma_start3A_169, %dma_start3A_170] : memref<250x128xf32, #tpu.memory_space<vmem>> -> memref<125x128xf32, #tpu.memory_space<vmem>>
        %dma_start3A_172 = arith.constant 0 : i32
        %dma_start3A_173 = tpu.memref_slice %arg5[%add3A_168, %dma_start3A_172] : memref<80x125xi32, #tpu.memory_space<vmem>> -> memref<1x125xi32, #tpu.memory_space<vmem>>
        %dma_start3A_174 = tpu.memref_squeeze %dma_start3A_173 : memref<1x125xi32, #tpu.memory_space<vmem>> -> memref<125xi32, #tpu.memory_space<vmem>>
        %dma_start3A_175 = arith.constant 0 : i32
        %dma_start3A_176 = arith.constant 0 : i32
        %dma_start3A_177 = tpu.memref_slice %arg7[%dma_start3A_175, %dma_start3A_176] : memref<10000x128xf32, #tpu.memory_space<vmem_shared>> -> memref<10000x128xf32, #tpu.memory_space<vmem_shared>>
        tpu.enqueue_indirect_dma source(%dma_start3A_171 : memref<125x128xf32, #tpu.memory_space<vmem>>) target(%dma_start3A_177 : memref<10000x128xf32, #tpu.memory_space<vmem_shared>>) offsets(%dma_start3A_174 : memref<125xi32, #tpu.memory_space<vmem>>) semaphore(%arg11 : memref<!tpu.dma_semaphore, #tpu.memory_space<semaphore_mem>>) {add = true}
      } else {
      }
      %scan3A_138 = arith.constant 0 : i32
      scf.yield %scan3A_138 : i32
    }
    %scan3A_80 = arith.constant 40 : i32
    %dma_wait3A_81 = arith.constant 79 : i32
    %dma_wait3A_82 = arith.constant 125 : i32
    %dma_wait3A_83 = arith.constant 0 : i32
    %dma_wait3A_84 = tpu.memref_slice %arg6[%dma_wait3A_82, %dma_wait3A_83] : memref<250x128xf32, #tpu.memory_space<vmem>> -> memref<125x128xf32, #tpu.memory_space<vmem>>
    %dma_wait3A_85 = arith.constant 0 : i32
    %dma_wait3A_86 = tpu.memref_slice %arg5[%dma_wait3A_81, %dma_wait3A_85] : memref<80x125xi32, #tpu.memory_space<vmem>> -> memref<1x125xi32, #tpu.memory_space<vmem>>
    %dma_wait3A_87 = tpu.memref_squeeze %dma_wait3A_86 : memref<1x125xi32, #tpu.memory_space<vmem>> -> memref<125xi32, #tpu.memory_space<vmem>>
    %dma_wait3A_88 = arith.constant 0 : i32
    %dma_wait3A_89 = arith.constant 0 : i32
    %dma_wait3A_90 = tpu.memref_slice %arg7[%dma_wait3A_88, %dma_wait3A_89] : memref<10000x128xf32, #tpu.memory_space<vmem_shared>> -> memref<10000x128xf32, #tpu.memory_space<vmem_shared>>
    tpu.wait_indirect_dma semaphore(%arg11 : memref<!tpu.dma_semaphore, #tpu.memory_space<semaphore_mem>>) src(%dma_wait3A_84 : memref<125x128xf32, #tpu.memory_space<vmem>>) dst(%dma_wait3A_90 : memref<10000x128xf32, #tpu.memory_space<vmem_shared>>)
    %barrier3A_91 = arith.constant 0 : index
    tpu.barrier barrier_id(%barrier3A_91)
    %mul3A_92 = arith.constant 10000 : i32
    %mul3A_93 = arith.muli %arg0, %mul3A_92 : i32
    %add3A_94 = arith.addi %mul3A_93, %mul3A_2 : i32
    "tpu.region"() ({
      %run_scoped3A = tpu.sem_alloc : memref<!tpu.dma_semaphore, #tpu.memory_space<semaphore_mem>>
      %dma_start3A_100 = arith.constant 0 : i32
      %dma_start3A_101 = tpu.memref_slice %arg4[%add3A_94, %dma_start3A_100] : memref<20000x128xf32, #tpu.memory_space<hbm>> -> memref<624x128xf32, #tpu.memory_space<hbm>>
      %dma_start3A_102 = arith.constant 0 : i32
      %dma_start3A_103 = tpu.memref_slice %arg7[%mul3A_2, %dma_start3A_102] : memref<10000x128xf32, #tpu.memory_space<vmem_shared>> -> memref<624x128xf32, #tpu.memory_space<vmem_shared>>
      tpu.enqueue_dma source(%dma_start3A_103 : memref<624x128xf32, #tpu.memory_space<vmem_shared>>) target(%dma_start3A_101 : memref<624x128xf32, #tpu.memory_space<hbm>>) target_semaphore(%run_scoped3A : memref<!tpu.dma_semaphore, #tpu.memory_space<semaphore_mem>>)
      %dma_wait3A_104 = arith.constant 0 : i32
      %dma_wait3A_105 = tpu.memref_slice %arg4[%add3A_94, %dma_wait3A_104] : memref<20000x128xf32, #tpu.memory_space<hbm>> -> memref<624x128xf32, #tpu.memory_space<hbm>>
      %dma_wait3A_106 = arith.constant 0 : i32
      %dma_wait3A_107 = tpu.memref_slice %arg7[%mul3A_2, %dma_wait3A_106] : memref<10000x128xf32, #tpu.memory_space<vmem_shared>> -> memref<624x128xf32, #tpu.memory_space<vmem_shared>>
      tpu.wait_dma2 semaphore(%run_scoped3A : memref<!tpu.dma_semaphore, #tpu.memory_space<semaphore_mem>>) src(%dma_wait3A_107 : memref<624x128xf32, #tpu.memory_space<vmem_shared>>) dst(%dma_wait3A_105 : memref<624x128xf32, #tpu.memory_space<hbm>>)
      tpu.yield
    }) : () -> ()
    %eq3A_95 = arith.constant 15 : i32
    %eq3A_96 = arith.cmpi eq, %arg1, %eq3A_95 : i32
    %convert_element_type3A_97 = arith.extui %eq3A_96 : i1 to i32
    %cond3A_98 = arith.constant 0 : i32
    %cond3A_99 = arith.cmpi ne, %convert_element_type3A_97, %cond3A_98 : i32
    scf.if %cond3A_99 {
      %mul3A_100 = arith.constant 10000 : i32
      %mul3A_101 = arith.muli %arg0, %mul3A_100 : i32
      %add3A_102 = arith.constant 9984 : i32
      %add3A_103 = arith.addi %mul3A_101, %add3A_102 : i32
      "tpu.region"() ({
        %run_scoped3A = tpu.sem_alloc : memref<!tpu.dma_semaphore, #tpu.memory_space<semaphore_mem>>
        %dma_start3A_104 = arith.constant 0 : i32
        %dma_start3A_105 = tpu.memref_slice %arg4[%add3A_103, %dma_start3A_104] : memref<20000x128xf32, #tpu.memory_space<hbm>> -> memref<16x128xf32, #tpu.memory_space<hbm>>
        %dma_start3A_106 = arith.constant 9984 : i32
        %dma_start3A_107 = arith.constant 0 : i32
        %dma_start3A_108 = tpu.memref_slice %arg7[%dma_start3A_106, %dma_start3A_107] : memref<10000x128xf32, #tpu.memory_space<vmem_shared>> -> memref<16x128xf32, #tpu.memory_space<vmem_shared>>
        tpu.enqueue_dma source(%dma_start3A_108 : memref<16x128xf32, #tpu.memory_space<vmem_shared>>) target(%dma_start3A_105 : memref<16x128xf32, #tpu.memory_space<hbm>>) target_semaphore(%run_scoped3A : memref<!tpu.dma_semaphore, #tpu.memory_space<semaphore_mem>>)
        %dma_wait3A_109 = arith.constant 0 : i32
        %dma_wait3A_110 = tpu.memref_slice %arg4[%add3A_103, %dma_wait3A_109] : memref<20000x128xf32, #tpu.memory_space<hbm>> -> memref<16x128xf32, #tpu.memory_space<hbm>>
        %dma_wait3A_111 = arith.constant 9984 : i32
        %dma_wait3A_112 = arith.constant 0 : i32
        %dma_wait3A_113 = tpu.memref_slice %arg7[%dma_wait3A_111, %dma_wait3A_112] : memref<10000x128xf32, #tpu.memory_space<vmem_shared>> -> memref<16x128xf32, #tpu.memory_space<vmem_shared>>
        tpu.wait_dma2 semaphore(%run_scoped3A : memref<!tpu.dma_semaphore, #tpu.memory_space<semaphore_mem>>) src(%dma_wait3A_113 : memref<16x128xf32, #tpu.memory_space<vmem_shared>>) dst(%dma_wait3A_110 : memref<16x128xf32, #tpu.memory_space<hbm>>)
        tpu.yield
      }) : () -> ()
    } else {
    }
    return
  }
}

#map = affine_map<(d0, d1) -> (0, 0)>
#map1 = affine_map<(d0, d1) -> (0, 0, 0)>
module attributes {stable_mosaic.version = 14 : i64} {
  func.func @k(%arg0: i32, %arg1: i32, %arg2: memref<10000x128xf32, #tpu.memory_space<hbm>>, %arg3: memref<128x40x125xi32, #tpu.memory_space<hbm>>, %arg4: memref<20000x128xf32, #tpu.memory_space<hbm>>, %arg5: memref<80x125xi32, #tpu.memory_space<vmem>>, %arg6: memref<250x128xf32, #tpu.memory_space<vmem>>, %arg7: memref<10000x128xf32, #tpu.memory_space<vmem_shared>>, %arg8: memref<!tpu.dma_semaphore, #tpu.memory_space<semaphore_mem>>, %arg9: memref<!tpu.dma_semaphore, #tpu.memory_space<semaphore_mem>>, %arg10: memref<!tpu.dma_semaphore, #tpu.memory_space<semaphore_mem>>, %arg11: memref<!tpu.dma_semaphore, #tpu.memory_space<semaphore_mem>>) attributes {dimension_semantics = [#tpu.dimension_semantics<core_parallel>, #tpu.dimension_semantics<subcore_parallel>], iteration_bounds = array<i64: 2, 16>, scalar_prefetch = 0 : i64, scratch_operands = 7 : i64, tpu.core_type = #tpu.core_type<sc_vector_subcore>, window_params = [{transform_indices = #map}, {transform_indices = #map1}, {transform_indices = #map}]} {
    %mul3A = arith.constant 2 : i32
    %mul3A_0 = arith.muli %arg1, %mul3A : i32
    %add3A = arith.addi %mul3A_0, %arg0 : i32
    %mul3A_1 = arith.constant 624 : i32
    %mul3A_2 = arith.muli %arg1, %mul3A_1 : i32
    %mul3A_3 = arith.constant 2 : i32
    %mul3A_4 = arith.muli %add3A, %mul3A_3 : i32
    "tpu.region"() ({
      %run_scoped3A = tpu.sem_alloc : memref<!tpu.dma_semaphore, #tpu.memory_space<semaphore_mem>>
      %dma_start3A_100 = arith.constant 0 : i32
      %dma_start3A_101 = arith.constant 0 : i32
      %dma_start3A_102 = tpu.memref_slice %arg5[%dma_start3A_100, %dma_start3A_101] : memref<80x125xi32, #tpu.memory_space<vmem>> -> memref<40x125xi32, #tpu.memory_space<vmem>>
      %dma_start3A_103 = arith.constant 0 : i32
      %dma_start3A_104 = arith.constant 0 : i32
      %dma_start3A_105 = tpu.memref_slice %arg3[%mul3A_4, %dma_start3A_103, %dma_start3A_104] : memref<128x40x125xi32, #tpu.memory_space<hbm>> -> memref<1x40x125xi32, #tpu.memory_space<hbm>>
      %dma_start3A_106 = tpu.memref_squeeze %dma_start3A_105 : memref<1x40x125xi32, #tpu.memory_space<hbm>> -> memref<40x125xi32, #tpu.memory_space<hbm>>
      %dma_start3A_107 = arith.constant 0 : i32
      %dma_start3A_108 = arith.constant 0 : i32
      %dma_start3A_109 = tpu.memref_slice %arg5[%dma_start3A_107, %dma_start3A_108] : memref<80x125xi32, #tpu.memory_space<vmem>> -> memref<40x125xi32, #tpu.memory_space<vmem>>
      %dma_start3A_110 = arith.constant 0 : i32
      %dma_start3A_111 = arith.constant 0 : i32
      %dma_start3A_112 = tpu.memref_slice %arg3[%mul3A_4, %dma_start3A_110, %dma_start3A_111] : memref<128x40x125xi32, #tpu.memory_space<hbm>> -> memref<1x40x125xi32, #tpu.memory_space<hbm>>
      %dma_start3A_113 = tpu.memref_squeeze %dma_start3A_112 : memref<1x40x125xi32, #tpu.memory_space<hbm>> -> memref<40x125xi32, #tpu.memory_space<hbm>>
      tpu.enqueue_dma source(%dma_start3A_113 : memref<40x125xi32, #tpu.memory_space<hbm>>) target(%dma_start3A_109 : memref<40x125xi32, #tpu.memory_space<vmem>>) target_semaphore(%run_scoped3A : memref<!tpu.dma_semaphore, #tpu.memory_space<semaphore_mem>>)
      %dma_wait3A_114 = arith.constant 0 : i32
      %dma_wait3A_115 = arith.constant 0 : i32
      %dma_wait3A_116 = tpu.memref_slice %arg5[%dma_wait3A_114, %dma_wait3A_115] : memref<80x125xi32, #tpu.memory_space<vmem>> -> memref<40x125xi32, #tpu.memory_space<vmem>>
      %dma_wait3A_117 = arith.constant 0 : i32
      %dma_wait3A_118 = arith.constant 0 : i32
      %dma_wait3A_119 = tpu.memref_slice %arg3[%mul3A_4, %dma_wait3A_117, %dma_wait3A_118] : memref<128x40x125xi32, #tpu.memory_space<hbm>> -> memref<1x40x125xi32, #tpu.memory_space<hbm>>
      %dma_wait3A_120 = tpu.memref_squeeze %dma_wait3A_119 : memref<1x40x125xi32, #tpu.memory_space<hbm>> -> memref<40x125xi32, #tpu.memory_space<hbm>>
      %dma_wait3A_121 = arith.constant 0 : i32
      %dma_wait3A_122 = arith.constant 0 : i32
      %dma_wait3A_123 = tpu.memref_slice %arg5[%dma_wait3A_121, %dma_wait3A_122] : memref<80x125xi32, #tpu.memory_space<vmem>> -> memref<40x125xi32, #tpu.memory_space<vmem>>
      %dma_wait3A_124 = arith.constant 0 : i32
      %dma_wait3A_125 = arith.constant 0 : i32
      %dma_wait3A_126 = tpu.memref_slice %arg3[%mul3A_4, %dma_wait3A_124, %dma_wait3A_125] : memref<128x40x125xi32, #tpu.memory_space<hbm>> -> memref<1x40x125xi32, #tpu.memory_space<hbm>>
      %dma_wait3A_127 = tpu.memref_squeeze %dma_wait3A_126 : memref<1x40x125xi32, #tpu.memory_space<hbm>> -> memref<40x125xi32, #tpu.memory_space<hbm>>
      tpu.wait_dma2 semaphore(%run_scoped3A : memref<!tpu.dma_semaphore, #tpu.memory_space<semaphore_mem>>) src(%dma_wait3A_127 : memref<40x125xi32, #tpu.memory_space<hbm>>) dst(%dma_wait3A_123 : memref<40x125xi32, #tpu.memory_space<vmem>>)
      tpu.yield
    }) : () -> ()
    %mul3A_5 = arith.constant 2 : i32
    %mul3A_6 = arith.muli %add3A, %mul3A_5 : i32
    %add3A_7 = arith.constant 64 : i32
    %add3A_8 = arith.addi %add3A_7, %mul3A_6 : i32
    "tpu.region"() ({
      %run_scoped3A = tpu.sem_alloc : memref<!tpu.dma_semaphore, #tpu.memory_space<semaphore_mem>>
      %dma_start3A_100 = arith.constant 40 : i32
      %dma_start3A_101 = arith.constant 0 : i32
      %dma_start3A_102 = tpu.memref_slice %arg5[%dma_start3A_100, %dma_start3A_101] : memref<80x125xi32, #tpu.memory_space<vmem>> -> memref<40x125xi32, #tpu.memory_space<vmem>>
      %dma_start3A_103 = arith.constant 0 : i32
      %dma_start3A_104 = arith.constant 0 : i32
      %dma_start3A_105 = tpu.memref_slice %arg3[%add3A_8, %dma_start3A_103, %dma_start3A_104] : memref<128x40x125xi32, #tpu.memory_space<hbm>> -> memref<1x40x125xi32, #tpu.memory_space<hbm>>
      %dma_start3A_106 = tpu.memref_squeeze %dma_start3A_105 : memref<1x40x125xi32, #tpu.memory_space<hbm>> -> memref<40x125xi32, #tpu.memory_space<hbm>>
      %dma_start3A_107 = arith.constant 40 : i32
      %dma_start3A_108 = arith.constant 0 : i32
      %dma_start3A_109 = tpu.memref_slice %arg5[%dma_start3A_107, %dma_start3A_108] : memref<80x125xi32, #tpu.memory_space<vmem>> -> memref<40x125xi32, #tpu.memory_space<vmem>>
      %dma_start3A_110 = arith.constant 0 : i32
      %dma_start3A_111 = arith.constant 0 : i32
      %dma_start3A_112 = tpu.memref_slice %arg3[%add3A_8, %dma_start3A_110, %dma_start3A_111] : memref<128x40x125xi32, #tpu.memory_space<hbm>> -> memref<1x40x125xi32, #tpu.memory_space<hbm>>
      %dma_start3A_113 = tpu.memref_squeeze %dma_start3A_112 : memref<1x40x125xi32, #tpu.memory_space<hbm>> -> memref<40x125xi32, #tpu.memory_space<hbm>>
      tpu.enqueue_dma source(%dma_start3A_113 : memref<40x125xi32, #tpu.memory_space<hbm>>) target(%dma_start3A_109 : memref<40x125xi32, #tpu.memory_space<vmem>>) target_semaphore(%run_scoped3A : memref<!tpu.dma_semaphore, #tpu.memory_space<semaphore_mem>>)
      %dma_wait3A_114 = arith.constant 40 : i32
      %dma_wait3A_115 = arith.constant 0 : i32
      %dma_wait3A_116 = tpu.memref_slice %arg5[%dma_wait3A_114, %dma_wait3A_115] : memref<80x125xi32, #tpu.memory_space<vmem>> -> memref<40x125xi32, #tpu.memory_space<vmem>>
      %dma_wait3A_117 = arith.constant 0 : i32
      %dma_wait3A_118 = arith.constant 0 : i32
      %dma_wait3A_119 = tpu.memref_slice %arg3[%add3A_8, %dma_wait3A_117, %dma_wait3A_118] : memref<128x40x125xi32, #tpu.memory_space<hbm>> -> memref<1x40x125xi32, #tpu.memory_space<hbm>>
      %dma_wait3A_120 = tpu.memref_squeeze %dma_wait3A_119 : memref<1x40x125xi32, #tpu.memory_space<hbm>> -> memref<40x125xi32, #tpu.memory_space<hbm>>
      %dma_wait3A_121 = arith.constant 40 : i32
      %dma_wait3A_122 = arith.constant 0 : i32
      %dma_wait3A_123 = tpu.memref_slice %arg5[%dma_wait3A_121, %dma_wait3A_122] : memref<80x125xi32, #tpu.memory_space<vmem>> -> memref<40x125xi32, #tpu.memory_space<vmem>>
      %dma_wait3A_124 = arith.constant 0 : i32
      %dma_wait3A_125 = arith.constant 0 : i32
      %dma_wait3A_126 = tpu.memref_slice %arg3[%add3A_8, %dma_wait3A_124, %dma_wait3A_125] : memref<128x40x125xi32, #tpu.memory_space<hbm>> -> memref<1x40x125xi32, #tpu.memory_space<hbm>>
      %dma_wait3A_127 = tpu.memref_squeeze %dma_wait3A_126 : memref<1x40x125xi32, #tpu.memory_space<hbm>> -> memref<40x125xi32, #tpu.memory_space<hbm>>
      tpu.wait_dma2 semaphore(%run_scoped3A : memref<!tpu.dma_semaphore, #tpu.memory_space<semaphore_mem>>) src(%dma_wait3A_127 : memref<40x125xi32, #tpu.memory_space<hbm>>) dst(%dma_wait3A_123 : memref<40x125xi32, #tpu.memory_space<vmem>>)
      tpu.yield
    }) : () -> ()
    %dma_start3A = arith.constant 0 : i32
    %dma_start3A_9 = arith.constant 0 : i32
    %dma_start3A_10 = arith.constant 0 : i32
    %dma_start3A_11 = tpu.memref_slice %arg6[%dma_start3A_9, %dma_start3A_10] : memref<250x128xf32, #tpu.memory_space<vmem>> -> memref<125x128xf32, #tpu.memory_space<vmem>>
    %dma_start3A_12 = arith.constant 0 : i32
    %dma_start3A_13 = tpu.memref_slice %arg5[%dma_start3A, %dma_start3A_12] : memref<80x125xi32, #tpu.memory_space<vmem>> -> memref<1x125xi32, #tpu.memory_space<vmem>>
    %dma_start3A_14 = tpu.memref_squeeze %dma_start3A_13 : memref<1x125xi32, #tpu.memory_space<vmem>> -> memref<125xi32, #tpu.memory_space<vmem>>
    %dma_start3A_15 = arith.constant 0 : i32
    %dma_start3A_16 = arith.constant 0 : i32
    %dma_start3A_17 = tpu.memref_slice %arg2[%dma_start3A_15, %dma_start3A_16] : memref<10000x128xf32, #tpu.memory_space<hbm>> -> memref<10000x128xf32, #tpu.memory_space<hbm>>
    tpu.enqueue_indirect_dma source(%dma_start3A_17 : memref<10000x128xf32, #tpu.memory_space<hbm>>) target(%dma_start3A_11 : memref<125x128xf32, #tpu.memory_space<vmem>>) offsets(%dma_start3A_14 : memref<125xi32, #tpu.memory_space<vmem>>) semaphore(%arg8 : memref<!tpu.dma_semaphore, #tpu.memory_space<semaphore_mem>>)
    %scan3A = arith.constant 0 : i32
    %scan3A_18 = arith.constant 0 : i32
    %scan3A_19 = arith.constant 104 : i32
    %scan3A_20 = arith.addi %scan3A_18, %scan3A_19 : i32
    %scan3A_21 = arith.constant 1 : i32
    %scan3A_22 = scf.for %scan3A_100 = %scan3A_18 to %scan3A_20 step %scan3A_21 iter_args(%scan3A_101 = %scan3A) -> (i32)  : i32 {
      %broadcast_in_dim3A = arith.constant 0.000000e+00 : f32
      %broadcast_in_dim3A_102 = vector.broadcast %broadcast_in_dim3A : f32 to vector<16xf32>
      %swap3A = arith.constant 125 : i32
      %swap3A_103 = arith.constant 0 : i32
      %swap3A_104 = tpu.memref_slice %arg6[%swap3A, %swap3A_103] : memref<250x128xf32, #tpu.memory_space<vmem>> -> memref<125x128xf32, #tpu.memory_space<vmem>>
      %swap3A_105 = arith.index_cast %scan3A_100 : i32 to index
      %swap3A_106 = arith.constant 0 : index
      %swap3A_107 = tpu.vector_load %swap3A_104[%swap3A_105, %swap3A_106] {strides = array<i32>} : memref<125x128xf32, #tpu.memory_space<vmem>>, vector<1x16xf32>,
      %swap3A_108 = vector.shape_cast %swap3A_107 : vector<1x16xf32> to vector<16xf32>
      %swap3A_109 = vector.shape_cast %broadcast_in_dim3A_102 : vector<16xf32> to vector<1x16xf32>
      tpu.vector_store %swap3A_104[%swap3A_105, %swap3A_106], %swap3A_109 {strides = array<i32>} : memref<125x128xf32, #tpu.memory_space<vmem>>, vector<1x16xf32>,
      %broadcast_in_dim3A_110 = arith.constant 0.000000e+00 : f32
      %broadcast_in_dim3A_111 = vector.broadcast %broadcast_in_dim3A_110 : f32 to vector<16xf32>
      %swap3A_112 = arith.constant 125 : i32
      %swap3A_113 = arith.constant 0 : i32
      %swap3A_114 = tpu.memref_slice %arg6[%swap3A_112, %swap3A_113] : memref<250x128xf32, #tpu.memory_space<vmem>> -> memref<125x128xf32, #tpu.memory_space<vmem>>
      %swap3A_115 = arith.index_cast %scan3A_100 : i32 to index
      %swap3A_116 = arith.constant 16 : index
      %swap3A_117 = tpu.vector_load %swap3A_114[%swap3A_115, %swap3A_116] {strides = array<i32>} : memref<125x128xf32, #tpu.memory_space<vmem>>, vector<1x16xf32>,
      %swap3A_118 = vector.shape_cast %swap3A_117 : vector<1x16xf32> to vector<16xf32>
      %swap3A_119 = vector.shape_cast %broadcast_in_dim3A_111 : vector<16xf32> to vector<1x16xf32>
      tpu.vector_store %swap3A_114[%swap3A_115, %swap3A_116], %swap3A_119 {strides = array<i32>} : memref<125x128xf32, #tpu.memory_space<vmem>>, vector<1x16xf32>,
      %broadcast_in_dim3A_120 = arith.constant 0.000000e+00 : f32
      %broadcast_in_dim3A_121 = vector.broadcast %broadcast_in_dim3A_120 : f32 to vector<16xf32>
      %swap3A_122 = arith.constant 125 : i32
      %swap3A_123 = arith.constant 0 : i32
      %swap3A_124 = tpu.memref_slice %arg6[%swap3A_122, %swap3A_123] : memref<250x128xf32, #tpu.memory_space<vmem>> -> memref<125x128xf32, #tpu.memory_space<vmem>>
      %swap3A_125 = arith.index_cast %scan3A_100 : i32 to index
      %swap3A_126 = arith.constant 32 : index
      %swap3A_127 = tpu.vector_load %swap3A_124[%swap3A_125, %swap3A_126] {strides = array<i32>} : memref<125x128xf32, #tpu.memory_space<vmem>>, vector<1x16xf32>,
      %swap3A_128 = vector.shape_cast %swap3A_127 : vector<1x16xf32> to vector<16xf32>
      %swap3A_129 = vector.shape_cast %broadcast_in_dim3A_121 : vector<16xf32> to vector<1x16xf32>
      tpu.vector_store %swap3A_124[%swap3A_125, %swap3A_126], %swap3A_129 {strides = array<i32>} : memref<125x128xf32, #tpu.memory_space<vmem>>, vector<1x16xf32>,
      %broadcast_in_dim3A_130 = arith.constant 0.000000e+00 : f32
      %broadcast_in_dim3A_131 = vector.broadcast %broadcast_in_dim3A_130 : f32 to vector<16xf32>
      %swap3A_132 = arith.constant 125 : i32
      %swap3A_133 = arith.constant 0 : i32
      %swap3A_134 = tpu.memref_slice %arg6[%swap3A_132, %swap3A_133] : memref<250x128xf32, #tpu.memory_space<vmem>> -> memref<125x128xf32, #tpu.memory_space<vmem>>
      %swap3A_135 = arith.index_cast %scan3A_100 : i32 to index
      %swap3A_136 = arith.constant 48 : index
      %swap3A_137 = tpu.vector_load %swap3A_134[%swap3A_135, %swap3A_136] {strides = array<i32>} : memref<125x128xf32, #tpu.memory_space<vmem>>, vector<1x16xf32>,
      %swap3A_138 = vector.shape_cast %swap3A_137 : vector<1x16xf32> to vector<16xf32>
      %swap3A_139 = vector.shape_cast %broadcast_in_dim3A_131 : vector<16xf32> to vector<1x16xf32>
      tpu.vector_store %swap3A_134[%swap3A_135, %swap3A_136], %swap3A_139 {strides = array<i32>} : memref<125x128xf32, #tpu.memory_space<vmem>>, vector<1x16xf32>,
      %broadcast_in_dim3A_140 = arith.constant 0.000000e+00 : f32
      %broadcast_in_dim3A_141 = vector.broadcast %broadcast_in_dim3A_140 : f32 to vector<16xf32>
      %swap3A_142 = arith.constant 125 : i32
      %swap3A_143 = arith.constant 0 : i32
      %swap3A_144 = tpu.memref_slice %arg6[%swap3A_142, %swap3A_143] : memref<250x128xf32, #tpu.memory_space<vmem>> -> memref<125x128xf32, #tpu.memory_space<vmem>>
      %swap3A_145 = arith.index_cast %scan3A_100 : i32 to index
      %swap3A_146 = arith.constant 64 : index
      %swap3A_147 = tpu.vector_load %swap3A_144[%swap3A_145, %swap3A_146] {strides = array<i32>} : memref<125x128xf32, #tpu.memory_space<vmem>>, vector<1x16xf32>,
      %swap3A_148 = vector.shape_cast %swap3A_147 : vector<1x16xf32> to vector<16xf32>
      %swap3A_149 = vector.shape_cast %broadcast_in_dim3A_141 : vector<16xf32> to vector<1x16xf32>
      tpu.vector_store %swap3A_144[%swap3A_145, %swap3A_146], %swap3A_149 {strides = array<i32>} : memref<125x128xf32, #tpu.memory_space<vmem>>, vector<1x16xf32>,
      %broadcast_in_dim3A_150 = arith.constant 0.000000e+00 : f32
      %broadcast_in_dim3A_151 = vector.broadcast %broadcast_in_dim3A_150 : f32 to vector<16xf32>
      %swap3A_152 = arith.constant 125 : i32
      %swap3A_153 = arith.constant 0 : i32
      %swap3A_154 = tpu.memref_slice %arg6[%swap3A_152, %swap3A_153] : memref<250x128xf32, #tpu.memory_space<vmem>> -> memref<125x128xf32, #tpu.memory_space<vmem>>
      %swap3A_155 = arith.index_cast %scan3A_100 : i32 to index
      %swap3A_156 = arith.constant 80 : index
      %swap3A_157 = tpu.vector_load %swap3A_154[%swap3A_155, %swap3A_156] {strides = array<i32>} : memref<125x128xf32, #tpu.memory_space<vmem>>, vector<1x16xf32>,
      %swap3A_158 = vector.shape_cast %swap3A_157 : vector<1x16xf32> to vector<16xf32>
      %swap3A_159 = vector.shape_cast %broadcast_in_dim3A_151 : vector<16xf32> to vector<1x16xf32>
      tpu.vector_store %swap3A_154[%swap3A_155, %swap3A_156], %swap3A_159 {strides = array<i32>} : memref<125x128xf32, #tpu.memory_space<vmem>>, vector<1x16xf32>,
      %broadcast_in_dim3A_160 = arith.constant 0.000000e+00 : f32
      %broadcast_in_dim3A_161 = vector.broadcast %broadcast_in_dim3A_160 : f32 to vector<16xf32>
      %swap3A_162 = arith.constant 125 : i32
      %swap3A_163 = arith.constant 0 : i32
      %swap3A_164 = tpu.memref_slice %arg6[%swap3A_162, %swap3A_163] : memref<250x128xf32, #tpu.memory_space<vmem>> -> memref<125x128xf32, #tpu.memory_space<vmem>>
      %swap3A_165 = arith.index_cast %scan3A_100 : i32 to index
      %swap3A_166 = arith.constant 96 : index
      %swap3A_167 = tpu.vector_load %swap3A_164[%swap3A_165, %swap3A_166] {strides = array<i32>} : memref<125x128xf32, #tpu.memory_space<vmem>>, vector<1x16xf32>,
      %swap3A_168 = vector.shape_cast %swap3A_167 : vector<1x16xf32> to vector<16xf32>
      %swap3A_169 = vector.shape_cast %broadcast_in_dim3A_161 : vector<16xf32> to vector<1x16xf32>
      tpu.vector_store %swap3A_164[%swap3A_165, %swap3A_166], %swap3A_169 {strides = array<i32>} : memref<125x128xf32, #tpu.memory_space<vmem>>, vector<1x16xf32>,
      %broadcast_in_dim3A_170 = arith.constant 0.000000e+00 : f32
      %broadcast_in_dim3A_171 = vector.broadcast %broadcast_in_dim3A_170 : f32 to vector<16xf32>
      %swap3A_172 = arith.constant 125 : i32
      %swap3A_173 = arith.constant 0 : i32
      %swap3A_174 = tpu.memref_slice %arg6[%swap3A_172, %swap3A_173] : memref<250x128xf32, #tpu.memory_space<vmem>> -> memref<125x128xf32, #tpu.memory_space<vmem>>
      %swap3A_175 = arith.index_cast %scan3A_100 : i32 to index
      %swap3A_176 = arith.constant 112 : index
      %swap3A_177 = tpu.vector_load %swap3A_174[%swap3A_175, %swap3A_176] {strides = array<i32>} : memref<125x128xf32, #tpu.memory_space<vmem>>, vector<1x16xf32>,
      %swap3A_178 = vector.shape_cast %swap3A_177 : vector<1x16xf32> to vector<16xf32>
      %swap3A_179 = vector.shape_cast %broadcast_in_dim3A_171 : vector<16xf32> to vector<1x16xf32>
      tpu.vector_store %swap3A_174[%swap3A_175, %swap3A_176], %swap3A_179 {strides = array<i32>} : memref<125x128xf32, #tpu.memory_space<vmem>>, vector<1x16xf32>,
      %scan3A_180 = arith.constant 0 : i32
      scf.yield %scan3A_180 : i32
    }
    %scan3A_23 = arith.constant 104 : i32
    %add3A_24 = arith.constant 0 : i32
    %add3A_25 = arith.addi %mul3A_2, %add3A_24 : i32
    "tpu.region"() ({
      %run_scoped3A = tpu.sem_alloc : memref<!tpu.dma_semaphore, #tpu.memory_space<semaphore_mem>>
      %dma_start3A_100 = arith.constant 125 : i32
      %dma_start3A_101 = arith.constant 0 : i32
      %dma_start3A_102 = tpu.memref_slice %arg6[%dma_start3A_100, %dma_start3A_101] : memref<250x128xf32, #tpu.memory_space<vmem>> -> memref<125x128xf32, #tpu.memory_space<vmem>>
      %dma_start3A_103 = arith.constant 0 : i32
      %dma_start3A_104 = arith.constant 0 : i32
      %dma_start3A_105 = tpu.memref_slice %dma_start3A_102[%dma_start3A_103, %dma_start3A_104] : memref<125x128xf32, #tpu.memory_space<vmem>> -> memref<104x128xf32, #tpu.memory_space<vmem>>
      %dma_start3A_106 = arith.constant 0 : i32
      %dma_start3A_107 = tpu.memref_slice %arg7[%add3A_25, %dma_start3A_106] : memref<10000x128xf32, #tpu.memory_space<vmem_shared>> -> memref<104x128xf32, #tpu.memory_space<vmem_shared>>
      %dma_start3A_108 = arith.constant 0 : i32
      %dma_start3A_109 = tpu.memref_slice %arg7[%add3A_25, %dma_start3A_108] : memref<10000x128xf32, #tpu.memory_space<vmem_shared>> -> memref<104x128xf32, #tpu.memory_space<vmem_shared>>
      %dma_start3A_110 = arith.constant 125 : i32
      %dma_start3A_111 = arith.constant 0 : i32
      %dma_start3A_112 = tpu.memref_slice %arg6[%dma_start3A_110, %dma_start3A_111] : memref<250x128xf32, #tpu.memory_space<vmem>> -> memref<125x128xf32, #tpu.memory_space<vmem>>
      %dma_start3A_113 = arith.constant 0 : i32
      %dma_start3A_114 = arith.constant 0 : i32
      %dma_start3A_115 = tpu.memref_slice %dma_start3A_112[%dma_start3A_113, %dma_start3A_114] : memref<125x128xf32, #tpu.memory_space<vmem>> -> memref<104x128xf32, #tpu.memory_space<vmem>>
      tpu.enqueue_dma source(%dma_start3A_115 : memref<104x128xf32, #tpu.memory_space<vmem>>) target(%dma_start3A_109 : memref<104x128xf32, #tpu.memory_space<vmem_shared>>) target_semaphore(%run_scoped3A : memref<!tpu.dma_semaphore, #tpu.memory_space<semaphore_mem>>)
      %dma_wait3A_116 = arith.constant 125 : i32
      %dma_wait3A_117 = arith.constant 0 : i32
      %dma_wait3A_118 = tpu.memref_slice %arg6[%dma_wait3A_116, %dma_wait3A_117] : memref<250x128xf32, #tpu.memory_space<vmem>> -> memref<125x128xf32, #tpu.memory_space<vmem>>
      %dma_wait3A_119 = arith.constant 0 : i32
      %dma_wait3A_120 = arith.constant 0 : i32
      %dma_wait3A_121 = tpu.memref_slice %dma_wait3A_118[%dma_wait3A_119, %dma_wait3A_120] : memref<125x128xf32, #tpu.memory_space<vmem>> -> memref<104x128xf32, #tpu.memory_space<vmem>>
      %dma_wait3A_122 = arith.constant 0 : i32
      %dma_wait3A_123 = tpu.memref_slice %arg7[%add3A_25, %dma_wait3A_122] : memref<10000x128xf32, #tpu.memory_space<vmem_shared>> -> memref<104x128xf32, #tpu.memory_space<vmem_shared>>
      %dma_wait3A_124 = arith.constant 0 : i32
      %dma_wait3A_125 = tpu.memref_slice %arg7[%add3A_25, %dma_wait3A_124] : memref<10000x128xf32, #tpu.memory_space<vmem_shared>> -> memref<104x128xf32, #tpu.memory_space<vmem_shared>>
      %dma_wait3A_126 = arith.constant 125 : i32
      %dma_wait3A_127 = arith.constant 0 : i32
      %dma_wait3A_128 = tpu.memref_slice %arg6[%dma_wait3A_126, %dma_wait3A_127] : memref<250x128xf32, #tpu.memory_space<vmem>> -> memref<125x128xf32, #tpu.memory_space<vmem>>
      %dma_wait3A_129 = arith.constant 0 : i32
      %dma_wait3A_130 = arith.constant 0 : i32
      %dma_wait3A_131 = tpu.memref_slice %dma_wait3A_128[%dma_wait3A_129, %dma_wait3A_130] : memref<125x128xf32, #tpu.memory_space<vmem>> -> memref<104x128xf32, #tpu.memory_space<vmem>>
      tpu.wait_dma2 semaphore(%run_scoped3A : memref<!tpu.dma_semaphore, #tpu.memory_space<semaphore_mem>>) src(%dma_wait3A_131 : memref<104x128xf32, #tpu.memory_space<vmem>>) dst(%dma_wait3A_125 : memref<104x128xf32, #tpu.memory_space<vmem_shared>>)
      tpu.yield
    }) : () -> ()
    %add3A_26 = arith.constant 104 : i32
    %add3A_27 = arith.addi %mul3A_2, %add3A_26 : i32
    "tpu.region"() ({
      %run_scoped3A = tpu.sem_alloc : memref<!tpu.dma_semaphore, #tpu.memory_space<semaphore_mem>>
      %dma_start3A_100 = arith.constant 125 : i32
      %dma_start3A_101 = arith.constant 0 : i32
      %dma_start3A_102 = tpu.memref_slice %arg6[%dma_start3A_100, %dma_start3A_101] : memref<250x128xf32, #tpu.memory_space<vmem>> -> memref<125x128xf32, #tpu.memory_space<vmem>>
      %dma_start3A_103 = arith.constant 0 : i32
      %dma_start3A_104 = arith.constant 0 : i32
      %dma_start3A_105 = tpu.memref_slice %dma_start3A_102[%dma_start3A_103, %dma_start3A_104] : memref<125x128xf32, #tpu.memory_space<vmem>> -> memref<104x128xf32, #tpu.memory_space<vmem>>
      %dma_start3A_106 = arith.constant 0 : i32
      %dma_start3A_107 = tpu.memref_slice %arg7[%add3A_27, %dma_start3A_106] : memref<10000x128xf32, #tpu.memory_space<vmem_shared>> -> memref<104x128xf32, #tpu.memory_space<vmem_shared>>
      %dma_start3A_108 = arith.constant 0 : i32
      %dma_start3A_109 = tpu.memref_slice %arg7[%add3A_27, %dma_start3A_108] : memref<10000x128xf32, #tpu.memory_space<vmem_shared>> -> memref<104x128xf32, #tpu.memory_space<vmem_shared>>
      %dma_start3A_110 = arith.constant 125 : i32
      %dma_start3A_111 = arith.constant 0 : i32
      %dma_start3A_112 = tpu.memref_slice %arg6[%dma_start3A_110, %dma_start3A_111] : memref<250x128xf32, #tpu.memory_space<vmem>> -> memref<125x128xf32, #tpu.memory_space<vmem>>
      %dma_start3A_113 = arith.constant 0 : i32
      %dma_start3A_114 = arith.constant 0 : i32
      %dma_start3A_115 = tpu.memref_slice %dma_start3A_112[%dma_start3A_113, %dma_start3A_114] : memref<125x128xf32, #tpu.memory_space<vmem>> -> memref<104x128xf32, #tpu.memory_space<vmem>>
      tpu.enqueue_dma source(%dma_start3A_115 : memref<104x128xf32, #tpu.memory_space<vmem>>) target(%dma_start3A_109 : memref<104x128xf32, #tpu.memory_space<vmem_shared>>) target_semaphore(%run_scoped3A : memref<!tpu.dma_semaphore, #tpu.memory_space<semaphore_mem>>)
      %dma_wait3A_116 = arith.constant 125 : i32
      %dma_wait3A_117 = arith.constant 0 : i32
      %dma_wait3A_118 = tpu.memref_slice %arg6[%dma_wait3A_116, %dma_wait3A_117] : memref<250x128xf32, #tpu.memory_space<vmem>> -> memref<125x128xf32, #tpu.memory_space<vmem>>
      %dma_wait3A_119 = arith.constant 0 : i32
      %dma_wait3A_120 = arith.constant 0 : i32
      %dma_wait3A_121 = tpu.memref_slice %dma_wait3A_118[%dma_wait3A_119, %dma_wait3A_120] : memref<125x128xf32, #tpu.memory_space<vmem>> -> memref<104x128xf32, #tpu.memory_space<vmem>>
      %dma_wait3A_122 = arith.constant 0 : i32
      %dma_wait3A_123 = tpu.memref_slice %arg7[%add3A_27, %dma_wait3A_122] : memref<10000x128xf32, #tpu.memory_space<vmem_shared>> -> memref<104x128xf32, #tpu.memory_space<vmem_shared>>
      %dma_wait3A_124 = arith.constant 0 : i32
      %dma_wait3A_125 = tpu.memref_slice %arg7[%add3A_27, %dma_wait3A_124] : memref<10000x128xf32, #tpu.memory_space<vmem_shared>> -> memref<104x128xf32, #tpu.memory_space<vmem_shared>>
      %dma_wait3A_126 = arith.constant 125 : i32
      %dma_wait3A_127 = arith.constant 0 : i32
      %dma_wait3A_128 = tpu.memref_slice %arg6[%dma_wait3A_126, %dma_wait3A_127] : memref<250x128xf32, #tpu.memory_space<vmem>> -> memref<125x128xf32, #tpu.memory_space<vmem>>
      %dma_wait3A_129 = arith.constant 0 : i32
      %dma_wait3A_130 = arith.constant 0 : i32
      %dma_wait3A_131 = tpu.memref_slice %dma_wait3A_128[%dma_wait3A_129, %dma_wait3A_130] : memref<125x128xf32, #tpu.memory_space<vmem>> -> memref<104x128xf32, #tpu.memory_space<vmem>>
      tpu.wait_dma2 semaphore(%run_scoped3A : memref<!tpu.dma_semaphore, #tpu.memory_space<semaphore_mem>>) src(%dma_wait3A_131 : memref<104x128xf32, #tpu.memory_space<vmem>>) dst(%dma_wait3A_125 : memref<104x128xf32, #tpu.memory_space<vmem_shared>>)
      tpu.yield
    }) : () -> ()
    %add3A_28 = arith.constant 208 : i32
    %add3A_29 = arith.addi %mul3A_2, %add3A_28 : i32
    "tpu.region"() ({
      %run_scoped3A = tpu.sem_alloc : memref<!tpu.dma_semaphore, #tpu.memory_space<semaphore_mem>>
      %dma_start3A_100 = arith.constant 125 : i32
      %dma_start3A_101 = arith.constant 0 : i32
      %dma_start3A_102 = tpu.memref_slice %arg6[%dma_start3A_100, %dma_start3A_101] : memref<250x128xf32, #tpu.memory_space<vmem>> -> memref<125x128xf32, #tpu.memory_space<vmem>>
      %dma_start3A_103 = arith.constant 0 : i32
      %dma_start3A_104 = arith.constant 0 : i32
      %dma_start3A_105 = tpu.memref_slice %dma_start3A_102[%dma_start3A_103, %dma_start3A_104] : memref<125x128xf32, #tpu.memory_space<vmem>> -> memref<104x128xf32, #tpu.memory_space<vmem>>
      %dma_start3A_106 = arith.constant 0 : i32
      %dma_start3A_107 = tpu.memref_slice %arg7[%add3A_29, %dma_start3A_106] : memref<10000x128xf32, #tpu.memory_space<vmem_shared>> -> memref<104x128xf32, #tpu.memory_space<vmem_shared>>
      %dma_start3A_108 = arith.constant 0 : i32
      %dma_start3A_109 = tpu.memref_slice %arg7[%add3A_29, %dma_start3A_108] : memref<10000x128xf32, #tpu.memory_space<vmem_shared>> -> memref<104x128xf32, #tpu.memory_space<vmem_shared>>
      %dma_start3A_110 = arith.constant 125 : i32
      %dma_start3A_111 = arith.constant 0 : i32
      %dma_start3A_112 = tpu.memref_slice %arg6[%dma_start3A_110, %dma_start3A_111] : memref<250x128xf32, #tpu.memory_space<vmem>> -> memref<125x128xf32, #tpu.memory_space<vmem>>
      %dma_start3A_113 = arith.constant 0 : i32
      %dma_start3A_114 = arith.constant 0 : i32
      %dma_start3A_115 = tpu.memref_slice %dma_start3A_112[%dma_start3A_113, %dma_start3A_114] : memref<125x128xf32, #tpu.memory_space<vmem>> -> memref<104x128xf32, #tpu.memory_space<vmem>>
      tpu.enqueue_dma source(%dma_start3A_115 : memref<104x128xf32, #tpu.memory_space<vmem>>) target(%dma_start3A_109 : memref<104x128xf32, #tpu.memory_space<vmem_shared>>) target_semaphore(%run_scoped3A : memref<!tpu.dma_semaphore, #tpu.memory_space<semaphore_mem>>)
      %dma_wait3A_116 = arith.constant 125 : i32
      %dma_wait3A_117 = arith.constant 0 : i32
      %dma_wait3A_118 = tpu.memref_slice %arg6[%dma_wait3A_116, %dma_wait3A_117] : memref<250x128xf32, #tpu.memory_space<vmem>> -> memref<125x128xf32, #tpu.memory_space<vmem>>
      %dma_wait3A_119 = arith.constant 0 : i32
      %dma_wait3A_120 = arith.constant 0 : i32
      %dma_wait3A_121 = tpu.memref_slice %dma_wait3A_118[%dma_wait3A_119, %dma_wait3A_120] : memref<125x128xf32, #tpu.memory_space<vmem>> -> memref<104x128xf32, #tpu.memory_space<vmem>>
      %dma_wait3A_122 = arith.constant 0 : i32
      %dma_wait3A_123 = tpu.memref_slice %arg7[%add3A_29, %dma_wait3A_122] : memref<10000x128xf32, #tpu.memory_space<vmem_shared>> -> memref<104x128xf32, #tpu.memory_space<vmem_shared>>
      %dma_wait3A_124 = arith.constant 0 : i32
      %dma_wait3A_125 = tpu.memref_slice %arg7[%add3A_29, %dma_wait3A_124] : memref<10000x128xf32, #tpu.memory_space<vmem_shared>> -> memref<104x128xf32, #tpu.memory_space<vmem_shared>>
      %dma_wait3A_126 = arith.constant 125 : i32
      %dma_wait3A_127 = arith.constant 0 : i32
      %dma_wait3A_128 = tpu.memref_slice %arg6[%dma_wait3A_126, %dma_wait3A_127] : memref<250x128xf32, #tpu.memory_space<vmem>> -> memref<125x128xf32, #tpu.memory_space<vmem>>
      %dma_wait3A_129 = arith.constant 0 : i32
      %dma_wait3A_130 = arith.constant 0 : i32
      %dma_wait3A_131 = tpu.memref_slice %dma_wait3A_128[%dma_wait3A_129, %dma_wait3A_130] : memref<125x128xf32, #tpu.memory_space<vmem>> -> memref<104x128xf32, #tpu.memory_space<vmem>>
      tpu.wait_dma2 semaphore(%run_scoped3A : memref<!tpu.dma_semaphore, #tpu.memory_space<semaphore_mem>>) src(%dma_wait3A_131 : memref<104x128xf32, #tpu.memory_space<vmem>>) dst(%dma_wait3A_125 : memref<104x128xf32, #tpu.memory_space<vmem_shared>>)
      tpu.yield
    }) : () -> ()
    %add3A_30 = arith.constant 312 : i32
    %add3A_31 = arith.addi %mul3A_2, %add3A_30 : i32
    "tpu.region"() ({
      %run_scoped3A = tpu.sem_alloc : memref<!tpu.dma_semaphore, #tpu.memory_space<semaphore_mem>>
      %dma_start3A_100 = arith.constant 125 : i32
      %dma_start3A_101 = arith.constant 0 : i32
      %dma_start3A_102 = tpu.memref_slice %arg6[%dma_start3A_100, %dma_start3A_101] : memref<250x128xf32, #tpu.memory_space<vmem>> -> memref<125x128xf32, #tpu.memory_space<vmem>>
      %dma_start3A_103 = arith.constant 0 : i32
      %dma_start3A_104 = arith.constant 0 : i32
      %dma_start3A_105 = tpu.memref_slice %dma_start3A_102[%dma_start3A_103, %dma_start3A_104] : memref<125x128xf32, #tpu.memory_space<vmem>> -> memref<104x128xf32, #tpu.memory_space<vmem>>
      %dma_start3A_106 = arith.constant 0 : i32
      %dma_start3A_107 = tpu.memref_slice %arg7[%add3A_31, %dma_start3A_106] : memref<10000x128xf32, #tpu.memory_space<vmem_shared>> -> memref<104x128xf32, #tpu.memory_space<vmem_shared>>
      %dma_start3A_108 = arith.constant 0 : i32
      %dma_start3A_109 = tpu.memref_slice %arg7[%add3A_31, %dma_start3A_108] : memref<10000x128xf32, #tpu.memory_space<vmem_shared>> -> memref<104x128xf32, #tpu.memory_space<vmem_shared>>
      %dma_start3A_110 = arith.constant 125 : i32
      %dma_start3A_111 = arith.constant 0 : i32
      %dma_start3A_112 = tpu.memref_slice %arg6[%dma_start3A_110, %dma_start3A_111] : memref<250x128xf32, #tpu.memory_space<vmem>> -> memref<125x128xf32, #tpu.memory_space<vmem>>
      %dma_start3A_113 = arith.constant 0 : i32
      %dma_start3A_114 = arith.constant 0 : i32
      %dma_start3A_115 = tpu.memref_slice %dma_start3A_112[%dma_start3A_113, %dma_start3A_114] : memref<125x128xf32, #tpu.memory_space<vmem>> -> memref<104x128xf32, #tpu.memory_space<vmem>>
      tpu.enqueue_dma source(%dma_start3A_115 : memref<104x128xf32, #tpu.memory_space<vmem>>) target(%dma_start3A_109 : memref<104x128xf32, #tpu.memory_space<vmem_shared>>) target_semaphore(%run_scoped3A : memref<!tpu.dma_semaphore, #tpu.memory_space<semaphore_mem>>)
      %dma_wait3A_116 = arith.constant 125 : i32
      %dma_wait3A_117 = arith.constant 0 : i32
      %dma_wait3A_118 = tpu.memref_slice %arg6[%dma_wait3A_116, %dma_wait3A_117] : memref<250x128xf32, #tpu.memory_space<vmem>> -> memref<125x128xf32, #tpu.memory_space<vmem>>
      %dma_wait3A_119 = arith.constant 0 : i32
      %dma_wait3A_120 = arith.constant 0 : i32
      %dma_wait3A_121 = tpu.memref_slice %dma_wait3A_118[%dma_wait3A_119, %dma_wait3A_120] : memref<125x128xf32, #tpu.memory_space<vmem>> -> memref<104x128xf32, #tpu.memory_space<vmem>>
      %dma_wait3A_122 = arith.constant 0 : i32
      %dma_wait3A_123 = tpu.memref_slice %arg7[%add3A_31, %dma_wait3A_122] : memref<10000x128xf32, #tpu.memory_space<vmem_shared>> -> memref<104x128xf32, #tpu.memory_space<vmem_shared>>
      %dma_wait3A_124 = arith.constant 0 : i32
      %dma_wait3A_125 = tpu.memref_slice %arg7[%add3A_31, %dma_wait3A_124] : memref<10000x128xf32, #tpu.memory_space<vmem_shared>> -> memref<104x128xf32, #tpu.memory_space<vmem_shared>>
      %dma_wait3A_126 = arith.constant 125 : i32
      %dma_wait3A_127 = arith.constant 0 : i32
      %dma_wait3A_128 = tpu.memref_slice %arg6[%dma_wait3A_126, %dma_wait3A_127] : memref<250x128xf32, #tpu.memory_space<vmem>> -> memref<125x128xf32, #tpu.memory_space<vmem>>
      %dma_wait3A_129 = arith.constant 0 : i32
      %dma_wait3A_130 = arith.constant 0 : i32
      %dma_wait3A_131 = tpu.memref_slice %dma_wait3A_128[%dma_wait3A_129, %dma_wait3A_130] : memref<125x128xf32, #tpu.memory_space<vmem>> -> memref<104x128xf32, #tpu.memory_space<vmem>>
      tpu.wait_dma2 semaphore(%run_scoped3A : memref<!tpu.dma_semaphore, #tpu.memory_space<semaphore_mem>>) src(%dma_wait3A_131 : memref<104x128xf32, #tpu.memory_space<vmem>>) dst(%dma_wait3A_125 : memref<104x128xf32, #tpu.memory_space<vmem_shared>>)
      tpu.yield
    }) : () -> ()
    %add3A_32 = arith.constant 416 : i32
    %add3A_33 = arith.addi %mul3A_2, %add3A_32 : i32
    "tpu.region"() ({
      %run_scoped3A = tpu.sem_alloc : memref<!tpu.dma_semaphore, #tpu.memory_space<semaphore_mem>>
      %dma_start3A_100 = arith.constant 125 : i32
      %dma_start3A_101 = arith.constant 0 : i32
      %dma_start3A_102 = tpu.memref_slice %arg6[%dma_start3A_100, %dma_start3A_101] : memref<250x128xf32, #tpu.memory_space<vmem>> -> memref<125x128xf32, #tpu.memory_space<vmem>>
      %dma_start3A_103 = arith.constant 0 : i32
      %dma_start3A_104 = arith.constant 0 : i32
      %dma_start3A_105 = tpu.memref_slice %dma_start3A_102[%dma_start3A_103, %dma_start3A_104] : memref<125x128xf32, #tpu.memory_space<vmem>> -> memref<104x128xf32, #tpu.memory_space<vmem>>
      %dma_start3A_106 = arith.constant 0 : i32
      %dma_start3A_107 = tpu.memref_slice %arg7[%add3A_33, %dma_start3A_106] : memref<10000x128xf32, #tpu.memory_space<vmem_shared>> -> memref<104x128xf32, #tpu.memory_space<vmem_shared>>
      %dma_start3A_108 = arith.constant 0 : i32
      %dma_start3A_109 = tpu.memref_slice %arg7[%add3A_33, %dma_start3A_108] : memref<10000x128xf32, #tpu.memory_space<vmem_shared>> -> memref<104x128xf32, #tpu.memory_space<vmem_shared>>
      %dma_start3A_110 = arith.constant 125 : i32
      %dma_start3A_111 = arith.constant 0 : i32
      %dma_start3A_112 = tpu.memref_slice %arg6[%dma_start3A_110, %dma_start3A_111] : memref<250x128xf32, #tpu.memory_space<vmem>> -> memref<125x128xf32, #tpu.memory_space<vmem>>
      %dma_start3A_113 = arith.constant 0 : i32
      %dma_start3A_114 = arith.constant 0 : i32
      %dma_start3A_115 = tpu.memref_slice %dma_start3A_112[%dma_start3A_113, %dma_start3A_114] : memref<125x128xf32, #tpu.memory_space<vmem>> -> memref<104x128xf32, #tpu.memory_space<vmem>>
      tpu.enqueue_dma source(%dma_start3A_115 : memref<104x128xf32, #tpu.memory_space<vmem>>) target(%dma_start3A_109 : memref<104x128xf32, #tpu.memory_space<vmem_shared>>) target_semaphore(%run_scoped3A : memref<!tpu.dma_semaphore, #tpu.memory_space<semaphore_mem>>)
      %dma_wait3A_116 = arith.constant 125 : i32
      %dma_wait3A_117 = arith.constant 0 : i32
      %dma_wait3A_118 = tpu.memref_slice %arg6[%dma_wait3A_116, %dma_wait3A_117] : memref<250x128xf32, #tpu.memory_space<vmem>> -> memref<125x128xf32, #tpu.memory_space<vmem>>
      %dma_wait3A_119 = arith.constant 0 : i32
      %dma_wait3A_120 = arith.constant 0 : i32
      %dma_wait3A_121 = tpu.memref_slice %dma_wait3A_118[%dma_wait3A_119, %dma_wait3A_120] : memref<125x128xf32, #tpu.memory_space<vmem>> -> memref<104x128xf32, #tpu.memory_space<vmem>>
      %dma_wait3A_122 = arith.constant 0 : i32
      %dma_wait3A_123 = tpu.memref_slice %arg7[%add3A_33, %dma_wait3A_122] : memref<10000x128xf32, #tpu.memory_space<vmem_shared>> -> memref<104x128xf32, #tpu.memory_space<vmem_shared>>
      %dma_wait3A_124 = arith.constant 0 : i32
      %dma_wait3A_125 = tpu.memref_slice %arg7[%add3A_33, %dma_wait3A_124] : memref<10000x128xf32, #tpu.memory_space<vmem_shared>> -> memref<104x128xf32, #tpu.memory_space<vmem_shared>>
      %dma_wait3A_126 = arith.constant 125 : i32
      %dma_wait3A_127 = arith.constant 0 : i32
      %dma_wait3A_128 = tpu.memref_slice %arg6[%dma_wait3A_126, %dma_wait3A_127] : memref<250x128xf32, #tpu.memory_space<vmem>> -> memref<125x128xf32, #tpu.memory_space<vmem>>
      %dma_wait3A_129 = arith.constant 0 : i32
      %dma_wait3A_130 = arith.constant 0 : i32
      %dma_wait3A_131 = tpu.memref_slice %dma_wait3A_128[%dma_wait3A_129, %dma_wait3A_130] : memref<125x128xf32, #tpu.memory_space<vmem>> -> memref<104x128xf32, #tpu.memory_space<vmem>>
      tpu.wait_dma2 semaphore(%run_scoped3A : memref<!tpu.dma_semaphore, #tpu.memory_space<semaphore_mem>>) src(%dma_wait3A_131 : memref<104x128xf32, #tpu.memory_space<vmem>>) dst(%dma_wait3A_125 : memref<104x128xf32, #tpu.memory_space<vmem_shared>>)
      tpu.yield
    }) : () -> ()
    %add3A_34 = arith.constant 520 : i32
    %add3A_35 = arith.addi %mul3A_2, %add3A_34 : i32
    "tpu.region"() ({
      %run_scoped3A = tpu.sem_alloc : memref<!tpu.dma_semaphore, #tpu.memory_space<semaphore_mem>>
      %dma_start3A_100 = arith.constant 125 : i32
      %dma_start3A_101 = arith.constant 0 : i32
      %dma_start3A_102 = tpu.memref_slice %arg6[%dma_start3A_100, %dma_start3A_101] : memref<250x128xf32, #tpu.memory_space<vmem>> -> memref<125x128xf32, #tpu.memory_space<vmem>>
      %dma_start3A_103 = arith.constant 0 : i32
      %dma_start3A_104 = arith.constant 0 : i32
      %dma_start3A_105 = tpu.memref_slice %dma_start3A_102[%dma_start3A_103, %dma_start3A_104] : memref<125x128xf32, #tpu.memory_space<vmem>> -> memref<104x128xf32, #tpu.memory_space<vmem>>
      %dma_start3A_106 = arith.constant 0 : i32
      %dma_start3A_107 = tpu.memref_slice %arg7[%add3A_35, %dma_start3A_106] : memref<10000x128xf32, #tpu.memory_space<vmem_shared>> -> memref<104x128xf32, #tpu.memory_space<vmem_shared>>
      %dma_start3A_108 = arith.constant 0 : i32
      %dma_start3A_109 = tpu.memref_slice %arg7[%add3A_35, %dma_start3A_108] : memref<10000x128xf32, #tpu.memory_space<vmem_shared>> -> memref<104x128xf32, #tpu.memory_space<vmem_shared>>
      %dma_start3A_110 = arith.constant 125 : i32
      %dma_start3A_111 = arith.constant 0 : i32
      %dma_start3A_112 = tpu.memref_slice %arg6[%dma_start3A_110, %dma_start3A_111] : memref<250x128xf32, #tpu.memory_space<vmem>> -> memref<125x128xf32, #tpu.memory_space<vmem>>
      %dma_start3A_113 = arith.constant 0 : i32
      %dma_start3A_114 = arith.constant 0 : i32
      %dma_start3A_115 = tpu.memref_slice %dma_start3A_112[%dma_start3A_113, %dma_start3A_114] : memref<125x128xf32, #tpu.memory_space<vmem>> -> memref<104x128xf32, #tpu.memory_space<vmem>>
      tpu.enqueue_dma source(%dma_start3A_115 : memref<104x128xf32, #tpu.memory_space<vmem>>) target(%dma_start3A_109 : memref<104x128xf32, #tpu.memory_space<vmem_shared>>) target_semaphore(%run_scoped3A : memref<!tpu.dma_semaphore, #tpu.memory_space<semaphore_mem>>)
      %dma_wait3A_116 = arith.constant 125 : i32
      %dma_wait3A_117 = arith.constant 0 : i32
      %dma_wait3A_118 = tpu.memref_slice %arg6[%dma_wait3A_116, %dma_wait3A_117] : memref<250x128xf32, #tpu.memory_space<vmem>> -> memref<125x128xf32, #tpu.memory_space<vmem>>
      %dma_wait3A_119 = arith.constant 0 : i32
      %dma_wait3A_120 = arith.constant 0 : i32
      %dma_wait3A_121 = tpu.memref_slice %dma_wait3A_118[%dma_wait3A_119, %dma_wait3A_120] : memref<125x128xf32, #tpu.memory_space<vmem>> -> memref<104x128xf32, #tpu.memory_space<vmem>>
      %dma_wait3A_122 = arith.constant 0 : i32
      %dma_wait3A_123 = tpu.memref_slice %arg7[%add3A_35, %dma_wait3A_122] : memref<10000x128xf32, #tpu.memory_space<vmem_shared>> -> memref<104x128xf32, #tpu.memory_space<vmem_shared>>
      %dma_wait3A_124 = arith.constant 0 : i32
      %dma_wait3A_125 = tpu.memref_slice %arg7[%add3A_35, %dma_wait3A_124] : memref<10000x128xf32, #tpu.memory_space<vmem_shared>> -> memref<104x128xf32, #tpu.memory_space<vmem_shared>>
      %dma_wait3A_126 = arith.constant 125 : i32
      %dma_wait3A_127 = arith.constant 0 : i32
      %dma_wait3A_128 = tpu.memref_slice %arg6[%dma_wait3A_126, %dma_wait3A_127] : memref<250x128xf32, #tpu.memory_space<vmem>> -> memref<125x128xf32, #tpu.memory_space<vmem>>
      %dma_wait3A_129 = arith.constant 0 : i32
      %dma_wait3A_130 = arith.constant 0 : i32
      %dma_wait3A_131 = tpu.memref_slice %dma_wait3A_128[%dma_wait3A_129, %dma_wait3A_130] : memref<125x128xf32, #tpu.memory_space<vmem>> -> memref<104x128xf32, #tpu.memory_space<vmem>>
      tpu.wait_dma2 semaphore(%run_scoped3A : memref<!tpu.dma_semaphore, #tpu.memory_space<semaphore_mem>>) src(%dma_wait3A_131 : memref<104x128xf32, #tpu.memory_space<vmem>>) dst(%dma_wait3A_125 : memref<104x128xf32, #tpu.memory_space<vmem_shared>>)
      tpu.yield
    }) : () -> ()
    %eq3A = arith.constant 15 : i32
    %eq3A_36 = arith.cmpi eq, %arg1, %eq3A : i32
    %convert_element_type3A = arith.extui %eq3A_36 : i1 to i32
    %cond3A = arith.constant 0 : i32
    %cond3A_37 = arith.cmpi ne, %convert_element_type3A, %cond3A : i32
    scf.if %cond3A_37 {
      "tpu.region"() ({
        %run_scoped3A = tpu.sem_alloc : memref<!tpu.dma_semaphore, #tpu.memory_space<semaphore_mem>>
        %dma_start3A_100 = arith.constant 125 : i32
        %dma_start3A_101 = arith.constant 0 : i32
        %dma_start3A_102 = tpu.memref_slice %arg6[%dma_start3A_100, %dma_start3A_101] : memref<250x128xf32, #tpu.memory_space<vmem>> -> memref<125x128xf32, #tpu.memory_space<vmem>>
        %dma_start3A_103 = arith.constant 0 : i32
        %dma_start3A_104 = arith.constant 0 : i32
        %dma_start3A_105 = tpu.memref_slice %dma_start3A_102[%dma_start3A_103, %dma_start3A_104] : memref<125x128xf32, #tpu.memory_space<vmem>> -> memref<16x128xf32, #tpu.memory_space<vmem>>
        %dma_start3A_106 = arith.constant 9984 : i32
        %dma_start3A_107 = arith.constant 0 : i32
        %dma_start3A_108 = tpu.memref_slice %arg7[%dma_start3A_106, %dma_start3A_107] : memref<10000x128xf32, #tpu.memory_space<vmem_shared>> -> memref<16x128xf32, #tpu.memory_space<vmem_shared>>
        %dma_start3A_109 = arith.constant 9984 : i32
        %dma_start3A_110 = arith.constant 0 : i32
        %dma_start3A_111 = tpu.memref_slice %arg7[%dma_start3A_109, %dma_start3A_110] : memref<10000x128xf32, #tpu.memory_space<vmem_shared>> -> memref<16x128xf32, #tpu.memory_space<vmem_shared>>
        %dma_start3A_112 = arith.constant 125 : i32
        %dma_start3A_113 = arith.constant 0 : i32
        %dma_start3A_114 = tpu.memref_slice %arg6[%dma_start3A_112, %dma_start3A_113] : memref<250x128xf32, #tpu.memory_space<vmem>> -> memref<125x128xf32, #tpu.memory_space<vmem>>
        %dma_start3A_115 = arith.constant 0 : i32
        %dma_start3A_116 = arith.constant 0 : i32
        %dma_start3A_117 = tpu.memref_slice %dma_start3A_114[%dma_start3A_115, %dma_start3A_116] : memref<125x128xf32, #tpu.memory_space<vmem>> -> memref<16x128xf32, #tpu.memory_space<vmem>>
        tpu.enqueue_dma source(%dma_start3A_117 : memref<16x128xf32, #tpu.memory_space<vmem>>) target(%dma_start3A_111 : memref<16x128xf32, #tpu.memory_space<vmem_shared>>) target_semaphore(%run_scoped3A : memref<!tpu.dma_semaphore, #tpu.memory_space<semaphore_mem>>)
        %dma_wait3A_118 = arith.constant 125 : i32
        %dma_wait3A_119 = arith.constant 0 : i32
        %dma_wait3A_120 = tpu.memref_slice %arg6[%dma_wait3A_118, %dma_wait3A_119] : memref<250x128xf32, #tpu.memory_space<vmem>> -> memref<125x128xf32, #tpu.memory_space<vmem>>
        %dma_wait3A_121 = arith.constant 0 : i32
        %dma_wait3A_122 = arith.constant 0 : i32
        %dma_wait3A_123 = tpu.memref_slice %dma_wait3A_120[%dma_wait3A_121, %dma_wait3A_122] : memref<125x128xf32, #tpu.memory_space<vmem>> -> memref<16x128xf32, #tpu.memory_space<vmem>>
        %dma_wait3A_124 = arith.constant 9984 : i32
        %dma_wait3A_125 = arith.constant 0 : i32
        %dma_wait3A_126 = tpu.memref_slice %arg7[%dma_wait3A_124, %dma_wait3A_125] : memref<10000x128xf32, #tpu.memory_space<vmem_shared>> -> memref<16x128xf32, #tpu.memory_space<vmem_shared>>
        %dma_wait3A_127 = arith.constant 9984 : i32
        %dma_wait3A_128 = arith.constant 0 : i32
        %dma_wait3A_129 = tpu.memref_slice %arg7[%dma_wait3A_127, %dma_wait3A_128] : memref<10000x128xf32, #tpu.memory_space<vmem_shared>> -> memref<16x128xf32, #tpu.memory_space<vmem_shared>>
        %dma_wait3A_130 = arith.constant 125 : i32
        %dma_wait3A_131 = arith.constant 0 : i32
        %dma_wait3A_132 = tpu.memref_slice %arg6[%dma_wait3A_130, %dma_wait3A_131] : memref<250x128xf32, #tpu.memory_space<vmem>> -> memref<125x128xf32, #tpu.memory_space<vmem>>
        %dma_wait3A_133 = arith.constant 0 : i32
        %dma_wait3A_134 = arith.constant 0 : i32
        %dma_wait3A_135 = tpu.memref_slice %dma_wait3A_132[%dma_wait3A_133, %dma_wait3A_134] : memref<125x128xf32, #tpu.memory_space<vmem>> -> memref<16x128xf32, #tpu.memory_space<vmem>>
        tpu.wait_dma2 semaphore(%run_scoped3A : memref<!tpu.dma_semaphore, #tpu.memory_space<semaphore_mem>>) src(%dma_wait3A_135 : memref<16x128xf32, #tpu.memory_space<vmem>>) dst(%dma_wait3A_129 : memref<16x128xf32, #tpu.memory_space<vmem_shared>>)
        tpu.yield
      }) : () -> ()
    } else {
    }
    %barrier3A = arith.constant 0 : index
    tpu.barrier barrier_id(%barrier3A)
    %scan3A_38 = arith.constant 0 : i32
    %scan3A_39 = arith.constant 0 : i32
    %scan3A_40 = arith.constant 40 : i32
    %scan3A_41 = arith.addi %scan3A_39, %scan3A_40 : i32
    %scan3A_42 = arith.constant 1 : i32
    %scan3A_43 = scf.for %scan3A_100 = %scan3A_39 to %scan3A_41 step %scan3A_42 iter_args(%scan3A_101 = %scan3A_38) -> (i32)  : i32 {
      %jit3A = arith.constant 2 : i32
      %eq3A_102 = arith.constant 0 : i32
      %eq3A_103 = arith.cmpi eq, %jit3A, %eq3A_102 : i32
      %jit3A_104 = arith.constant 1 : i32
      %select_n3A = arith.select %eq3A_103, %jit3A_104, %jit3A : i32
      %rem3A = arith.remsi %scan3A_100, %select_n3A : i32
      %ne3A = arith.constant 0 : i32
      %ne3A_105 = arith.cmpi ne, %rem3A, %ne3A : i32
      %lt3A = arith.constant 0 : i32
      %lt3A_106 = arith.cmpi slt, %rem3A, %lt3A : i32
      %lt3A_107 = arith.constant 0 : i32
      %lt3A_108 = arith.cmpi slt, %select_n3A, %lt3A_107 : i32
      %ne3A_109 = arith.xori %lt3A_106, %lt3A_108 : i1
      %and3A = arith.andi %ne3A_109, %ne3A_105 : i1
      %add3A_110 = arith.addi %rem3A, %select_n3A : i32
      %select_n3A_111 = arith.select %and3A, %add3A_110, %rem3A : i32
      %eq3A_112 = arith.constant 0 : i32
      %eq3A_113 = arith.cmpi eq, %select_n3A_111, %eq3A_112 : i32
      %convert_element_type3A_114 = arith.extui %eq3A_113 : i1 to i32
      %cond3A_115 = arith.constant 0 : i32
      %cond3A_116 = arith.cmpi ne, %convert_element_type3A_114, %cond3A_115 : i32
      scf.if %cond3A_116 {
        %ge3A = arith.constant 1 : i32
        %ge3A_139 = arith.cmpi sge, %scan3A_100, %ge3A : i32
        %convert_element_type3A_140 = arith.extui %ge3A_139 : i1 to i32
        %cond3A_141 = arith.constant 0 : i32
        %cond3A_142 = arith.cmpi ne, %convert_element_type3A_140, %cond3A_141 : i32
        scf.if %cond3A_142 {
          %add3A_170 = arith.constant 40 : i32
          %add3A_171 = arith.addi %add3A_170, %scan3A_100 : i32
          %sub3A = arith.constant 1 : i32
          %sub3A_172 = arith.subi %add3A_171, %sub3A : i32
          %dma_wait3A_173 = arith.constant 125 : i32
          %dma_wait3A_174 = arith.constant 0 : i32
          %dma_wait3A_175 = tpu.memref_slice %arg6[%dma_wait3A_173, %dma_wait3A_174] : memref<250x128xf32, #tpu.memory_space<vmem>> -> memref<125x128xf32, #tpu.memory_space<vmem>>
          %dma_wait3A_176 = arith.constant 0 : i32
          %dma_wait3A_177 = tpu.memref_slice %arg5[%sub3A_172, %dma_wait3A_176] : memref<80x125xi32, #tpu.memory_space<vmem>> -> memref<1x125xi32, #tpu.memory_space<vmem>>
          %dma_wait3A_178 = tpu.memref_squeeze %dma_wait3A_177 : memref<1x125xi32, #tpu.memory_space<vmem>> -> memref<125xi32, #tpu.memory_space<vmem>>
          %dma_wait3A_179 = arith.constant 0 : i32
          %dma_wait3A_180 = arith.constant 0 : i32
          %dma_wait3A_181 = tpu.memref_slice %arg7[%dma_wait3A_179, %dma_wait3A_180] : memref<10000x128xf32, #tpu.memory_space<vmem_shared>> -> memref<10000x128xf32, #tpu.memory_space<vmem_shared>>
          tpu.wait_indirect_dma semaphore(%arg11 : memref<!tpu.dma_semaphore, #tpu.memory_space<semaphore_mem>>) src(%dma_wait3A_175 : memref<125x128xf32, #tpu.memory_space<vmem>>) dst(%dma_wait3A_181 : memref<10000x128xf32, #tpu.memory_space<vmem_shared>>)
        } else {
        }
        %add3A_143 = arith.constant 1 : i32
        %add3A_144 = arith.addi %scan3A_100, %add3A_143 : i32
        %lt3A_145 = arith.constant 40 : i32
        %lt3A_146 = arith.cmpi slt, %add3A_144, %lt3A_145 : i32
        %convert_element_type3A_147 = arith.extui %lt3A_146 : i1 to i32
        %cond3A_148 = arith.constant 0 : i32
        %cond3A_149 = arith.cmpi ne, %convert_element_type3A_147, %cond3A_148 : i32
        scf.if %cond3A_149 {
          %add3A_170 = arith.constant 1 : i32
          %add3A_171 = arith.addi %scan3A_100, %add3A_170 : i32
          %dma_start3A_172 = arith.constant 125 : i32
          %dma_start3A_173 = arith.constant 0 : i32
          %dma_start3A_174 = tpu.memref_slice %arg6[%dma_start3A_172, %dma_start3A_173] : memref<250x128xf32, #tpu.memory_space<vmem>> -> memref<125x128xf32, #tpu.memory_space<vmem>>
          %dma_start3A_175 = arith.constant 0 : i32
          %dma_start3A_176 = tpu.memref_slice %arg5[%add3A_171, %dma_start3A_175] : memref<80x125xi32, #tpu.memory_space<vmem>> -> memref<1x125xi32, #tpu.memory_space<vmem>>
          %dma_start3A_177 = tpu.memref_squeeze %dma_start3A_176 : memref<1x125xi32, #tpu.memory_space<vmem>> -> memref<125xi32, #tpu.memory_space<vmem>>
          %dma_start3A_178 = arith.constant 0 : i32
          %dma_start3A_179 = arith.constant 0 : i32
          %dma_start3A_180 = tpu.memref_slice %arg2[%dma_start3A_178, %dma_start3A_179] : memref<10000x128xf32, #tpu.memory_space<hbm>> -> memref<10000x128xf32, #tpu.memory_space<hbm>>
          tpu.enqueue_indirect_dma source(%dma_start3A_180 : memref<10000x128xf32, #tpu.memory_space<hbm>>) target(%dma_start3A_174 : memref<125x128xf32, #tpu.memory_space<vmem>>) offsets(%dma_start3A_177 : memref<125xi32, #tpu.memory_space<vmem>>) semaphore(%arg9 : memref<!tpu.dma_semaphore, #tpu.memory_space<semaphore_mem>>)
        } else {
        }
        %dma_wait3A_150 = arith.constant 0 : i32
        %dma_wait3A_151 = arith.constant 0 : i32
        %dma_wait3A_152 = tpu.memref_slice %arg6[%dma_wait3A_150, %dma_wait3A_151] : memref<250x128xf32, #tpu.memory_space<vmem>> -> memref<125x128xf32, #tpu.memory_space<vmem>>
        %dma_wait3A_153 = arith.constant 0 : i32
        %dma_wait3A_154 = tpu.memref_slice %arg5[%scan3A_100, %dma_wait3A_153] : memref<80x125xi32, #tpu.memory_space<vmem>> -> memref<1x125xi32, #tpu.memory_space<vmem>>
        %dma_wait3A_155 = tpu.memref_squeeze %dma_wait3A_154 : memref<1x125xi32, #tpu.memory_space<vmem>> -> memref<125xi32, #tpu.memory_space<vmem>>
        %dma_wait3A_156 = arith.constant 0 : i32
        %dma_wait3A_157 = arith.constant 0 : i32
        %dma_wait3A_158 = tpu.memref_slice %arg2[%dma_wait3A_156, %dma_wait3A_157] : memref<10000x128xf32, #tpu.memory_space<hbm>> -> memref<10000x128xf32, #tpu.memory_space<hbm>>
        tpu.wait_indirect_dma semaphore(%arg8 : memref<!tpu.dma_semaphore, #tpu.memory_space<semaphore_mem>>) src(%dma_wait3A_158 : memref<10000x128xf32, #tpu.memory_space<hbm>>) dst(%dma_wait3A_152 : memref<125x128xf32, #tpu.memory_space<vmem>>)
        %add3A_159 = arith.constant 40 : i32
        %add3A_160 = arith.addi %add3A_159, %scan3A_100 : i32
        %dma_start3A_161 = arith.constant 0 : i32
        %dma_start3A_162 = arith.constant 0 : i32
        %dma_start3A_163 = tpu.memref_slice %arg6[%dma_start3A_161, %dma_start3A_162] : memref<250x128xf32, #tpu.memory_space<vmem>> -> memref<125x128xf32, #tpu.memory_space<vmem>>
        %dma_start3A_164 = arith.constant 0 : i32
        %dma_start3A_165 = tpu.memref_slice %arg5[%add3A_160, %dma_start3A_164] : memref<80x125xi32, #tpu.memory_space<vmem>> -> memref<1x125xi32, #tpu.memory_space<vmem>>
        %dma_start3A_166 = tpu.memref_squeeze %dma_start3A_165 : memref<1x125xi32, #tpu.memory_space<vmem>> -> memref<125xi32, #tpu.memory_space<vmem>>
        %dma_start3A_167 = arith.constant 0 : i32
        %dma_start3A_168 = arith.constant 0 : i32
        %dma_start3A_169 = tpu.memref_slice %arg7[%dma_start3A_167, %dma_start3A_168] : memref<10000x128xf32, #tpu.memory_space<vmem_shared>> -> memref<10000x128xf32, #tpu.memory_space<vmem_shared>>
        tpu.enqueue_indirect_dma source(%dma_start3A_163 : memref<125x128xf32, #tpu.memory_space<vmem>>) target(%dma_start3A_169 : memref<10000x128xf32, #tpu.memory_space<vmem_shared>>) offsets(%dma_start3A_166 : memref<125xi32, #tpu.memory_space<vmem>>) semaphore(%arg10 : memref<!tpu.dma_semaphore, #tpu.memory_space<semaphore_mem>>) {add = true}
      } else {
      }
      %jit3A_117 = arith.constant 2 : i32
      %eq3A_118 = arith.constant 0 : i32
      %eq3A_119 = arith.cmpi eq, %jit3A_117, %eq3A_118 : i32
      %jit3A_120 = arith.constant 1 : i32
      %select_n3A_121 = arith.select %eq3A_119, %jit3A_120, %jit3A_117 : i32
      %rem3A_122 = arith.remsi %scan3A_100, %select_n3A_121 : i32
      %ne3A_123 = arith.constant 0 : i32
      %ne3A_124 = arith.cmpi ne, %rem3A_122, %ne3A_123 : i32
      %lt3A_125 = arith.constant 0 : i32
      %lt3A_126 = arith.cmpi slt, %rem3A_122, %lt3A_125 : i32
      %lt3A_127 = arith.constant 0 : i32
      %lt3A_128 = arith.cmpi slt, %select_n3A_121, %lt3A_127 : i32
      %ne3A_129 = arith.xori %lt3A_126, %lt3A_128 : i1
      %and3A_130 = arith.andi %ne3A_129, %ne3A_124 : i1
      %add3A_131 = arith.addi %rem3A_122, %select_n3A_121 : i32
      %select_n3A_132 = arith.select %and3A_130, %add3A_131, %rem3A_122 : i32
      %eq3A_133 = arith.constant 1 : i32
      %eq3A_134 = arith.cmpi eq, %select_n3A_132, %eq3A_133 : i32
      %convert_element_type3A_135 = arith.extui %eq3A_134 : i1 to i32
      %cond3A_136 = arith.constant 0 : i32
      %cond3A_137 = arith.cmpi ne, %convert_element_type3A_135, %cond3A_136 : i32
      scf.if %cond3A_137 {
        %add3A_139 = arith.constant 40 : i32
        %add3A_140 = arith.addi %add3A_139, %scan3A_100 : i32
        %sub3A = arith.constant 1 : i32
        %sub3A_141 = arith.subi %add3A_140, %sub3A : i32
        %dma_wait3A_142 = arith.constant 0 : i32
        %dma_wait3A_143 = arith.constant 0 : i32
        %dma_wait3A_144 = tpu.memref_slice %arg6[%dma_wait3A_142, %dma_wait3A_143] : memref<250x128xf32, #tpu.memory_space<vmem>> -> memref<125x128xf32, #tpu.memory_space<vmem>>
        %dma_wait3A_145 = arith.constant 0 : i32
        %dma_wait3A_146 = tpu.memref_slice %arg5[%sub3A_141, %dma_wait3A_145] : memref<80x125xi32, #tpu.memory_space<vmem>> -> memref<1x125xi32, #tpu.memory_space<vmem>>
        %dma_wait3A_147 = tpu.memref_squeeze %dma_wait3A_146 : memref<1x125xi32, #tpu.memory_space<vmem>> -> memref<125xi32, #tpu.memory_space<vmem>>
        %dma_wait3A_148 = arith.constant 0 : i32
        %dma_wait3A_149 = arith.constant 0 : i32
        %dma_wait3A_150 = tpu.memref_slice %arg7[%dma_wait3A_148, %dma_wait3A_149] : memref<10000x128xf32, #tpu.memory_space<vmem_shared>> -> memref<10000x128xf32, #tpu.memory_space<vmem_shared>>
        tpu.wait_indirect_dma semaphore(%arg10 : memref<!tpu.dma_semaphore, #tpu.memory_space<semaphore_mem>>) src(%dma_wait3A_144 : memref<125x128xf32, #tpu.memory_space<vmem>>) dst(%dma_wait3A_150 : memref<10000x128xf32, #tpu.memory_space<vmem_shared>>)
        %add3A_151 = arith.constant 1 : i32
        %add3A_152 = arith.addi %scan3A_100, %add3A_151 : i32
        %lt3A_153 = arith.constant 40 : i32
        %lt3A_154 = arith.cmpi slt, %add3A_152, %lt3A_153 : i32
        %convert_element_type3A_155 = arith.extui %lt3A_154 : i1 to i32
        %cond3A_156 = arith.constant 0 : i32
        %cond3A_157 = arith.cmpi ne, %convert_element_type3A_155, %cond3A_156 : i32
        scf.if %cond3A_157 {
          %add3A_178 = arith.constant 1 : i32
          %add3A_179 = arith.addi %scan3A_100, %add3A_178 : i32
          %dma_start3A_180 = arith.constant 0 : i32
          %dma_start3A_181 = arith.constant 0 : i32
          %dma_start3A_182 = tpu.memref_slice %arg6[%dma_start3A_180, %dma_start3A_181] : memref<250x128xf32, #tpu.memory_space<vmem>> -> memref<125x128xf32, #tpu.memory_space<vmem>>
          %dma_start3A_183 = arith.constant 0 : i32
          %dma_start3A_184 = tpu.memref_slice %arg5[%add3A_179, %dma_start3A_183] : memref<80x125xi32, #tpu.memory_space<vmem>> -> memref<1x125xi32, #tpu.memory_space<vmem>>
          %dma_start3A_185 = tpu.memref_squeeze %dma_start3A_184 : memref<1x125xi32, #tpu.memory_space<vmem>> -> memref<125xi32, #tpu.memory_space<vmem>>
          %dma_start3A_186 = arith.constant 0 : i32
          %dma_start3A_187 = arith.constant 0 : i32
          %dma_start3A_188 = tpu.memref_slice %arg2[%dma_start3A_186, %dma_start3A_187] : memref<10000x128xf32, #tpu.memory_space<hbm>> -> memref<10000x128xf32, #tpu.memory_space<hbm>>
          tpu.enqueue_indirect_dma source(%dma_start3A_188 : memref<10000x128xf32, #tpu.memory_space<hbm>>) target(%dma_start3A_182 : memref<125x128xf32, #tpu.memory_space<vmem>>) offsets(%dma_start3A_185 : memref<125xi32, #tpu.memory_space<vmem>>) semaphore(%arg8 : memref<!tpu.dma_semaphore, #tpu.memory_space<semaphore_mem>>)
        } else {
        }
        %dma_wait3A_158 = arith.constant 125 : i32
        %dma_wait3A_159 = arith.constant 0 : i32
        %dma_wait3A_160 = tpu.memref_slice %arg6[%dma_wait3A_158, %dma_wait3A_159] : memref<250x128xf32, #tpu.memory_space<vmem>> -> memref<125x128xf32, #tpu.memory_space<vmem>>
        %dma_wait3A_161 = arith.constant 0 : i32
        %dma_wait3A_162 = tpu.memref_slice %arg5[%scan3A_100, %dma_wait3A_161] : memref<80x125xi32, #tpu.memory_space<vmem>> -> memref<1x125xi32, #tpu.memory_space<vmem>>
        %dma_wait3A_163 = tpu.memref_squeeze %dma_wait3A_162 : memref<1x125xi32, #tpu.memory_space<vmem>> -> memref<125xi32, #tpu.memory_space<vmem>>
        %dma_wait3A_164 = arith.constant 0 : i32
        %dma_wait3A_165 = arith.constant 0 : i32
        %dma_wait3A_166 = tpu.memref_slice %arg2[%dma_wait3A_164, %dma_wait3A_165] : memref<10000x128xf32, #tpu.memory_space<hbm>> -> memref<10000x128xf32, #tpu.memory_space<hbm>>
        tpu.wait_indirect_dma semaphore(%arg9 : memref<!tpu.dma_semaphore, #tpu.memory_space<semaphore_mem>>) src(%dma_wait3A_166 : memref<10000x128xf32, #tpu.memory_space<hbm>>) dst(%dma_wait3A_160 : memref<125x128xf32, #tpu.memory_space<vmem>>)
        %add3A_167 = arith.constant 40 : i32
        %add3A_168 = arith.addi %add3A_167, %scan3A_100 : i32
        %dma_start3A_169 = arith.constant 125 : i32
        %dma_start3A_170 = arith.constant 0 : i32
        %dma_start3A_171 = tpu.memref_slice %arg6[%dma_start3A_169, %dma_start3A_170] : memref<250x128xf32, #tpu.memory_space<vmem>> -> memref<125x128xf32, #tpu.memory_space<vmem>>
        %dma_start3A_172 = arith.constant 0 : i32
        %dma_start3A_173 = tpu.memref_slice %arg5[%add3A_168, %dma_start3A_172] : memref<80x125xi32, #tpu.memory_space<vmem>> -> memref<1x125xi32, #tpu.memory_space<vmem>>
        %dma_start3A_174 = tpu.memref_squeeze %dma_start3A_173 : memref<1x125xi32, #tpu.memory_space<vmem>> -> memref<125xi32, #tpu.memory_space<vmem>>
        %dma_start3A_175 = arith.constant 0 : i32
        %dma_start3A_176 = arith.constant 0 : i32
        %dma_start3A_177 = tpu.memref_slice %arg7[%dma_start3A_175, %dma_start3A_176] : memref<10000x128xf32, #tpu.memory_space<vmem_shared>> -> memref<10000x128xf32, #tpu.memory_space<vmem_shared>>
        tpu.enqueue_indirect_dma source(%dma_start3A_171 : memref<125x128xf32, #tpu.memory_space<vmem>>) target(%dma_start3A_177 : memref<10000x128xf32, #tpu.memory_space<vmem_shared>>) offsets(%dma_start3A_174 : memref<125xi32, #tpu.memory_space<vmem>>) semaphore(%arg11 : memref<!tpu.dma_semaphore, #tpu.memory_space<semaphore_mem>>) {add = true}
      } else {
      }
      %scan3A_138 = arith.constant 0 : i32
      scf.yield %scan3A_138 : i32
    }
    %scan3A_44 = arith.constant 40 : i32
    %dma_wait3A = arith.constant 79 : i32
    %dma_wait3A_45 = arith.constant 125 : i32
    %dma_wait3A_46 = arith.constant 0 : i32
    %dma_wait3A_47 = tpu.memref_slice %arg6[%dma_wait3A_45, %dma_wait3A_46] : memref<250x128xf32, #tpu.memory_space<vmem>> -> memref<125x128xf32, #tpu.memory_space<vmem>>
    %dma_wait3A_48 = arith.constant 0 : i32
    %dma_wait3A_49 = tpu.memref_slice %arg5[%dma_wait3A, %dma_wait3A_48] : memref<80x125xi32, #tpu.memory_space<vmem>> -> memref<1x125xi32, #tpu.memory_space<vmem>>
    %dma_wait3A_50 = tpu.memref_squeeze %dma_wait3A_49 : memref<1x125xi32, #tpu.memory_space<vmem>> -> memref<125xi32, #tpu.memory_space<vmem>>
    %dma_wait3A_51 = arith.constant 0 : i32
    %dma_wait3A_52 = arith.constant 0 : i32
    %dma_wait3A_53 = tpu.memref_slice %arg7[%dma_wait3A_51, %dma_wait3A_52] : memref<10000x128xf32, #tpu.memory_space<vmem_shared>> -> memref<10000x128xf32, #tpu.memory_space<vmem_shared>>
    tpu.wait_indirect_dma semaphore(%arg11 : memref<!tpu.dma_semaphore, #tpu.memory_space<semaphore_mem>>) src(%dma_wait3A_47 : memref<125x128xf32, #tpu.memory_space<vmem>>) dst(%dma_wait3A_53 : memref<10000x128xf32, #tpu.memory_space<vmem_shared>>)
    %mul3A_54 = arith.constant 2 : i32
    %mul3A_55 = arith.muli %add3A, %mul3A_54 : i32
    %add3A_56 = arith.constant 1 : i32
    %add3A_57 = arith.addi %mul3A_55, %add3A_56 : i32
    "tpu.region"() ({
      %run_scoped3A = tpu.sem_alloc : memref<!tpu.dma_semaphore, #tpu.memory_space<semaphore_mem>>
      %dma_start3A_100 = arith.constant 0 : i32
      %dma_start3A_101 = arith.constant 0 : i32
      %dma_start3A_102 = tpu.memref_slice %arg5[%dma_start3A_100, %dma_start3A_101] : memref<80x125xi32, #tpu.memory_space<vmem>> -> memref<40x125xi32, #tpu.memory_space<vmem>>
      %dma_start3A_103 = arith.constant 0 : i32
      %dma_start3A_104 = arith.constant 0 : i32
      %dma_start3A_105 = tpu.memref_slice %arg3[%add3A_57, %dma_start3A_103, %dma_start3A_104] : memref<128x40x125xi32, #tpu.memory_space<hbm>> -> memref<1x40x125xi32, #tpu.memory_space<hbm>>
      %dma_start3A_106 = tpu.memref_squeeze %dma_start3A_105 : memref<1x40x125xi32, #tpu.memory_space<hbm>> -> memref<40x125xi32, #tpu.memory_space<hbm>>
      %dma_start3A_107 = arith.constant 0 : i32
      %dma_start3A_108 = arith.constant 0 : i32
      %dma_start3A_109 = tpu.memref_slice %arg5[%dma_start3A_107, %dma_start3A_108] : memref<80x125xi32, #tpu.memory_space<vmem>> -> memref<40x125xi32, #tpu.memory_space<vmem>>
      %dma_start3A_110 = arith.constant 0 : i32
      %dma_start3A_111 = arith.constant 0 : i32
      %dma_start3A_112 = tpu.memref_slice %arg3[%add3A_57, %dma_start3A_110, %dma_start3A_111] : memref<128x40x125xi32, #tpu.memory_space<hbm>> -> memref<1x40x125xi32, #tpu.memory_space<hbm>>
      %dma_start3A_113 = tpu.memref_squeeze %dma_start3A_112 : memref<1x40x125xi32, #tpu.memory_space<hbm>> -> memref<40x125xi32, #tpu.memory_space<hbm>>
      tpu.enqueue_dma source(%dma_start3A_113 : memref<40x125xi32, #tpu.memory_space<hbm>>) target(%dma_start3A_109 : memref<40x125xi32, #tpu.memory_space<vmem>>) target_semaphore(%run_scoped3A : memref<!tpu.dma_semaphore, #tpu.memory_space<semaphore_mem>>)
      %dma_wait3A_114 = arith.constant 0 : i32
      %dma_wait3A_115 = arith.constant 0 : i32
      %dma_wait3A_116 = tpu.memref_slice %arg5[%dma_wait3A_114, %dma_wait3A_115] : memref<80x125xi32, #tpu.memory_space<vmem>> -> memref<40x125xi32, #tpu.memory_space<vmem>>
      %dma_wait3A_117 = arith.constant 0 : i32
      %dma_wait3A_118 = arith.constant 0 : i32
      %dma_wait3A_119 = tpu.memref_slice %arg3[%add3A_57, %dma_wait3A_117, %dma_wait3A_118] : memref<128x40x125xi32, #tpu.memory_space<hbm>> -> memref<1x40x125xi32, #tpu.memory_space<hbm>>
      %dma_wait3A_120 = tpu.memref_squeeze %dma_wait3A_119 : memref<1x40x125xi32, #tpu.memory_space<hbm>> -> memref<40x125xi32, #tpu.memory_space<hbm>>
      %dma_wait3A_121 = arith.constant 0 : i32
      %dma_wait3A_122 = arith.constant 0 : i32
      %dma_wait3A_123 = tpu.memref_slice %arg5[%dma_wait3A_121, %dma_wait3A_122] : memref<80x125xi32, #tpu.memory_space<vmem>> -> memref<40x125xi32, #tpu.memory_space<vmem>>
      %dma_wait3A_124 = arith.constant 0 : i32
      %dma_wait3A_125 = arith.constant 0 : i32
      %dma_wait3A_126 = tpu.memref_slice %arg3[%add3A_57, %dma_wait3A_124, %dma_wait3A_125] : memref<128x40x125xi32, #tpu.memory_space<hbm>> -> memref<1x40x125xi32, #tpu.memory_space<hbm>>
      %dma_wait3A_127 = tpu.memref_squeeze %dma_wait3A_126 : memref<1x40x125xi32, #tpu.memory_space<hbm>> -> memref<40x125xi32, #tpu.memory_space<hbm>>
      tpu.wait_dma2 semaphore(%run_scoped3A : memref<!tpu.dma_semaphore, #tpu.memory_space<semaphore_mem>>) src(%dma_wait3A_127 : memref<40x125xi32, #tpu.memory_space<hbm>>) dst(%dma_wait3A_123 : memref<40x125xi32, #tpu.memory_space<vmem>>)
      tpu.yield
    }) : () -> ()
    %mul3A_58 = arith.constant 2 : i32
    %mul3A_59 = arith.muli %add3A, %mul3A_58 : i32
    %add3A_60 = arith.constant 64 : i32
    %add3A_61 = arith.addi %add3A_60, %mul3A_59 : i32
    %add3A_62 = arith.constant 1 : i32
    %add3A_63 = arith.addi %add3A_61, %add3A_62 : i32
    "tpu.region"() ({
      %run_scoped3A = tpu.sem_alloc : memref<!tpu.dma_semaphore, #tpu.memory_space<semaphore_mem>>
      %dma_start3A_100 = arith.constant 40 : i32
      %dma_start3A_101 = arith.constant 0 : i32
      %dma_start3A_102 = tpu.memref_slice %arg5[%dma_start3A_100, %dma_start3A_101] : memref<80x125xi32, #tpu.memory_space<vmem>> -> memref<40x125xi32, #tpu.memory_space<vmem>>
      %dma_start3A_103 = arith.constant 0 : i32
      %dma_start3A_104 = arith.constant 0 : i32
      %dma_start3A_105 = tpu.memref_slice %arg3[%add3A_63, %dma_start3A_103, %dma_start3A_104] : memref<128x40x125xi32, #tpu.memory_space<hbm>> -> memref<1x40x125xi32, #tpu.memory_space<hbm>>
      %dma_start3A_106 = tpu.memref_squeeze %dma_start3A_105 : memref<1x40x125xi32, #tpu.memory_space<hbm>> -> memref<40x125xi32, #tpu.memory_space<hbm>>
      %dma_start3A_107 = arith.constant 40 : i32
      %dma_start3A_108 = arith.constant 0 : i32
      %dma_start3A_109 = tpu.memref_slice %arg5[%dma_start3A_107, %dma_start3A_108] : memref<80x125xi32, #tpu.memory_space<vmem>> -> memref<40x125xi32, #tpu.memory_space<vmem>>
      %dma_start3A_110 = arith.constant 0 : i32
      %dma_start3A_111 = arith.constant 0 : i32
      %dma_start3A_112 = tpu.memref_slice %arg3[%add3A_63, %dma_start3A_110, %dma_start3A_111] : memref<128x40x125xi32, #tpu.memory_space<hbm>> -> memref<1x40x125xi32, #tpu.memory_space<hbm>>
      %dma_start3A_113 = tpu.memref_squeeze %dma_start3A_112 : memref<1x40x125xi32, #tpu.memory_space<hbm>> -> memref<40x125xi32, #tpu.memory_space<hbm>>
      tpu.enqueue_dma source(%dma_start3A_113 : memref<40x125xi32, #tpu.memory_space<hbm>>) target(%dma_start3A_109 : memref<40x125xi32, #tpu.memory_space<vmem>>) target_semaphore(%run_scoped3A : memref<!tpu.dma_semaphore, #tpu.memory_space<semaphore_mem>>)
      %dma_wait3A_114 = arith.constant 40 : i32
      %dma_wait3A_115 = arith.constant 0 : i32
      %dma_wait3A_116 = tpu.memref_slice %arg5[%dma_wait3A_114, %dma_wait3A_115] : memref<80x125xi32, #tpu.memory_space<vmem>> -> memref<40x125xi32, #tpu.memory_space<vmem>>
      %dma_wait3A_117 = arith.constant 0 : i32
      %dma_wait3A_118 = arith.constant 0 : i32
      %dma_wait3A_119 = tpu.memref_slice %arg3[%add3A_63, %dma_wait3A_117, %dma_wait3A_118] : memref<128x40x125xi32, #tpu.memory_space<hbm>> -> memref<1x40x125xi32, #tpu.memory_space<hbm>>
      %dma_wait3A_120 = tpu.memref_squeeze %dma_wait3A_119 : memref<1x40x125xi32, #tpu.memory_space<hbm>> -> memref<40x125xi32, #tpu.memory_space<hbm>>
      %dma_wait3A_121 = arith.constant 40 : i32
      %dma_wait3A_122 = arith.constant 0 : i32
      %dma_wait3A_123 = tpu.memref_slice %arg5[%dma_wait3A_121, %dma_wait3A_122] : memref<80x125xi32, #tpu.memory_space<vmem>> -> memref<40x125xi32, #tpu.memory_space<vmem>>
      %dma_wait3A_124 = arith.constant 0 : i32
      %dma_wait3A_125 = arith.constant 0 : i32
      %dma_wait3A_126 = tpu.memref_slice %arg3[%add3A_63, %dma_wait3A_124, %dma_wait3A_125] : memref<128x40x125xi32, #tpu.memory_space<hbm>> -> memref<1x40x125xi32, #tpu.memory_space<hbm>>
      %dma_wait3A_127 = tpu.memref_squeeze %dma_wait3A_126 : memref<1x40x125xi32, #tpu.memory_space<hbm>> -> memref<40x125xi32, #tpu.memory_space<hbm>>
      tpu.wait_dma2 semaphore(%run_scoped3A : memref<!tpu.dma_semaphore, #tpu.memory_space<semaphore_mem>>) src(%dma_wait3A_127 : memref<40x125xi32, #tpu.memory_space<hbm>>) dst(%dma_wait3A_123 : memref<40x125xi32, #tpu.memory_space<vmem>>)
      tpu.yield
    }) : () -> ()
    %dma_start3A_64 = arith.constant 0 : i32
    %dma_start3A_65 = arith.constant 0 : i32
    %dma_start3A_66 = arith.constant 0 : i32
    %dma_start3A_67 = tpu.memref_slice %arg6[%dma_start3A_65, %dma_start3A_66] : memref<250x128xf32, #tpu.memory_space<vmem>> -> memref<125x128xf32, #tpu.memory_space<vmem>>
    %dma_start3A_68 = arith.constant 0 : i32
    %dma_start3A_69 = tpu.memref_slice %arg5[%dma_start3A_64, %dma_start3A_68] : memref<80x125xi32, #tpu.memory_space<vmem>> -> memref<1x125xi32, #tpu.memory_space<vmem>>
    %dma_start3A_70 = tpu.memref_squeeze %dma_start3A_69 : memref<1x125xi32, #tpu.memory_space<vmem>> -> memref<125xi32, #tpu.memory_space<vmem>>
    %dma_start3A_71 = arith.constant 0 : i32
    %dma_start3A_72 = arith.constant 0 : i32
    %dma_start3A_73 = tpu.memref_slice %arg2[%dma_start3A_71, %dma_start3A_72] : memref<10000x128xf32, #tpu.memory_space<hbm>> -> memref<10000x128xf32, #tpu.memory_space<hbm>>
    tpu.enqueue_indirect_dma source(%dma_start3A_73 : memref<10000x128xf32, #tpu.memory_space<hbm>>) target(%dma_start3A_67 : memref<125x128xf32, #tpu.memory_space<vmem>>) offsets(%dma_start3A_70 : memref<125xi32, #tpu.memory_space<vmem>>) semaphore(%arg8 : memref<!tpu.dma_semaphore, #tpu.memory_space<semaphore_mem>>)
    %scan3A_74 = arith.constant 0 : i32
    %scan3A_75 = arith.constant 0 : i32
    %scan3A_76 = arith.constant 40 : i32
    %scan3A_77 = arith.addi %scan3A_75, %scan3A_76 : i32
    %scan3A_78 = arith.constant 1 : i32
    %scan3A_79 = scf.for %scan3A_100 = %scan3A_75 to %scan3A_77 step %scan3A_78 iter_args(%scan3A_101 = %scan3A_74) -> (i32)  : i32 {
      %jit3A = arith.constant 2 : i32
      %eq3A_102 = arith.constant 0 : i32
      %eq3A_103 = arith.cmpi eq, %jit3A, %eq3A_102 : i32
      %jit3A_104 = arith.constant 1 : i32
      %select_n3A = arith.select %eq3A_103, %jit3A_104, %jit3A : i32
      %rem3A = arith.remsi %scan3A_100, %select_n3A : i32
      %ne3A = arith.constant 0 : i32
      %ne3A_105 = arith.cmpi ne, %rem3A, %ne3A : i32
      %lt3A = arith.constant 0 : i32
      %lt3A_106 = arith.cmpi slt, %rem3A, %lt3A : i32
      %lt3A_107 = arith.constant 0 : i32
      %lt3A_108 = arith.cmpi slt, %select_n3A, %lt3A_107 : i32
      %ne3A_109 = arith.xori %lt3A_106, %lt3A_108 : i1
      %and3A = arith.andi %ne3A_109, %ne3A_105 : i1
      %add3A_110 = arith.addi %rem3A, %select_n3A : i32
      %select_n3A_111 = arith.select %and3A, %add3A_110, %rem3A : i32
      %eq3A_112 = arith.constant 0 : i32
      %eq3A_113 = arith.cmpi eq, %select_n3A_111, %eq3A_112 : i32
      %convert_element_type3A_114 = arith.extui %eq3A_113 : i1 to i32
      %cond3A_115 = arith.constant 0 : i32
      %cond3A_116 = arith.cmpi ne, %convert_element_type3A_114, %cond3A_115 : i32
      scf.if %cond3A_116 {
        %ge3A = arith.constant 1 : i32
        %ge3A_139 = arith.cmpi sge, %scan3A_100, %ge3A : i32
        %convert_element_type3A_140 = arith.extui %ge3A_139 : i1 to i32
        %cond3A_141 = arith.constant 0 : i32
        %cond3A_142 = arith.cmpi ne, %convert_element_type3A_140, %cond3A_141 : i32
        scf.if %cond3A_142 {
          %add3A_170 = arith.constant 40 : i32
          %add3A_171 = arith.addi %add3A_170, %scan3A_100 : i32
          %sub3A = arith.constant 1 : i32
          %sub3A_172 = arith.subi %add3A_171, %sub3A : i32
          %dma_wait3A_173 = arith.constant 125 : i32
          %dma_wait3A_174 = arith.constant 0 : i32
          %dma_wait3A_175 = tpu.memref_slice %arg6[%dma_wait3A_173, %dma_wait3A_174] : memref<250x128xf32, #tpu.memory_space<vmem>> -> memref<125x128xf32, #tpu.memory_space<vmem>>
          %dma_wait3A_176 = arith.constant 0 : i32
          %dma_wait3A_177 = tpu.memref_slice %arg5[%sub3A_172, %dma_wait3A_176] : memref<80x125xi32, #tpu.memory_space<vmem>> -> memref<1x125xi32, #tpu.memory_space<vmem>>
          %dma_wait3A_178 = tpu.memref_squeeze %dma_wait3A_177 : memref<1x125xi32, #tpu.memory_space<vmem>> -> memref<125xi32, #tpu.memory_space<vmem>>
          %dma_wait3A_179 = arith.constant 0 : i32
          %dma_wait3A_180 = arith.constant 0 : i32
          %dma_wait3A_181 = tpu.memref_slice %arg7[%dma_wait3A_179, %dma_wait3A_180] : memref<10000x128xf32, #tpu.memory_space<vmem_shared>> -> memref<10000x128xf32, #tpu.memory_space<vmem_shared>>
          tpu.wait_indirect_dma semaphore(%arg11 : memref<!tpu.dma_semaphore, #tpu.memory_space<semaphore_mem>>) src(%dma_wait3A_175 : memref<125x128xf32, #tpu.memory_space<vmem>>) dst(%dma_wait3A_181 : memref<10000x128xf32, #tpu.memory_space<vmem_shared>>)
        } else {
        }
        %add3A_143 = arith.constant 1 : i32
        %add3A_144 = arith.addi %scan3A_100, %add3A_143 : i32
        %lt3A_145 = arith.constant 40 : i32
        %lt3A_146 = arith.cmpi slt, %add3A_144, %lt3A_145 : i32
        %convert_element_type3A_147 = arith.extui %lt3A_146 : i1 to i32
        %cond3A_148 = arith.constant 0 : i32
        %cond3A_149 = arith.cmpi ne, %convert_element_type3A_147, %cond3A_148 : i32
        scf.if %cond3A_149 {
          %add3A_170 = arith.constant 1 : i32
          %add3A_171 = arith.addi %scan3A_100, %add3A_170 : i32
          %dma_start3A_172 = arith.constant 125 : i32
          %dma_start3A_173 = arith.constant 0 : i32
          %dma_start3A_174 = tpu.memref_slice %arg6[%dma_start3A_172, %dma_start3A_173] : memref<250x128xf32, #tpu.memory_space<vmem>> -> memref<125x128xf32, #tpu.memory_space<vmem>>
          %dma_start3A_175 = arith.constant 0 : i32
          %dma_start3A_176 = tpu.memref_slice %arg5[%add3A_171, %dma_start3A_175] : memref<80x125xi32, #tpu.memory_space<vmem>> -> memref<1x125xi32, #tpu.memory_space<vmem>>
          %dma_start3A_177 = tpu.memref_squeeze %dma_start3A_176 : memref<1x125xi32, #tpu.memory_space<vmem>> -> memref<125xi32, #tpu.memory_space<vmem>>
          %dma_start3A_178 = arith.constant 0 : i32
          %dma_start3A_179 = arith.constant 0 : i32
          %dma_start3A_180 = tpu.memref_slice %arg2[%dma_start3A_178, %dma_start3A_179] : memref<10000x128xf32, #tpu.memory_space<hbm>> -> memref<10000x128xf32, #tpu.memory_space<hbm>>
          tpu.enqueue_indirect_dma source(%dma_start3A_180 : memref<10000x128xf32, #tpu.memory_space<hbm>>) target(%dma_start3A_174 : memref<125x128xf32, #tpu.memory_space<vmem>>) offsets(%dma_start3A_177 : memref<125xi32, #tpu.memory_space<vmem>>) semaphore(%arg9 : memref<!tpu.dma_semaphore, #tpu.memory_space<semaphore_mem>>)
        } else {
        }
        %dma_wait3A_150 = arith.constant 0 : i32
        %dma_wait3A_151 = arith.constant 0 : i32
        %dma_wait3A_152 = tpu.memref_slice %arg6[%dma_wait3A_150, %dma_wait3A_151] : memref<250x128xf32, #tpu.memory_space<vmem>> -> memref<125x128xf32, #tpu.memory_space<vmem>>
        %dma_wait3A_153 = arith.constant 0 : i32
        %dma_wait3A_154 = tpu.memref_slice %arg5[%scan3A_100, %dma_wait3A_153] : memref<80x125xi32, #tpu.memory_space<vmem>> -> memref<1x125xi32, #tpu.memory_space<vmem>>
        %dma_wait3A_155 = tpu.memref_squeeze %dma_wait3A_154 : memref<1x125xi32, #tpu.memory_space<vmem>> -> memref<125xi32, #tpu.memory_space<vmem>>
        %dma_wait3A_156 = arith.constant 0 : i32
        %dma_wait3A_157 = arith.constant 0 : i32
        %dma_wait3A_158 = tpu.memref_slice %arg2[%dma_wait3A_156, %dma_wait3A_157] : memref<10000x128xf32, #tpu.memory_space<hbm>> -> memref<10000x128xf32, #tpu.memory_space<hbm>>
        tpu.wait_indirect_dma semaphore(%arg8 : memref<!tpu.dma_semaphore, #tpu.memory_space<semaphore_mem>>) src(%dma_wait3A_158 : memref<10000x128xf32, #tpu.memory_space<hbm>>) dst(%dma_wait3A_152 : memref<125x128xf32, #tpu.memory_space<vmem>>)
        %add3A_159 = arith.constant 40 : i32
        %add3A_160 = arith.addi %add3A_159, %scan3A_100 : i32
        %dma_start3A_161 = arith.constant 0 : i32
        %dma_start3A_162 = arith.constant 0 : i32
        %dma_start3A_163 = tpu.memref_slice %arg6[%dma_start3A_161, %dma_start3A_162] : memref<250x128xf32, #tpu.memory_space<vmem>> -> memref<125x128xf32, #tpu.memory_space<vmem>>
        %dma_start3A_164 = arith.constant 0 : i32
        %dma_start3A_165 = tpu.memref_slice %arg5[%add3A_160, %dma_start3A_164] : memref<80x125xi32, #tpu.memory_space<vmem>> -> memref<1x125xi32, #tpu.memory_space<vmem>>
        %dma_start3A_166 = tpu.memref_squeeze %dma_start3A_165 : memref<1x125xi32, #tpu.memory_space<vmem>> -> memref<125xi32, #tpu.memory_space<vmem>>
        %dma_start3A_167 = arith.constant 0 : i32
        %dma_start3A_168 = arith.constant 0 : i32
        %dma_start3A_169 = tpu.memref_slice %arg7[%dma_start3A_167, %dma_start3A_168] : memref<10000x128xf32, #tpu.memory_space<vmem_shared>> -> memref<10000x128xf32, #tpu.memory_space<vmem_shared>>
        tpu.enqueue_indirect_dma source(%dma_start3A_163 : memref<125x128xf32, #tpu.memory_space<vmem>>) target(%dma_start3A_169 : memref<10000x128xf32, #tpu.memory_space<vmem_shared>>) offsets(%dma_start3A_166 : memref<125xi32, #tpu.memory_space<vmem>>) semaphore(%arg10 : memref<!tpu.dma_semaphore, #tpu.memory_space<semaphore_mem>>) {add = true}
      } else {
      }
      %jit3A_117 = arith.constant 2 : i32
      %eq3A_118 = arith.constant 0 : i32
      %eq3A_119 = arith.cmpi eq, %jit3A_117, %eq3A_118 : i32
      %jit3A_120 = arith.constant 1 : i32
      %select_n3A_121 = arith.select %eq3A_119, %jit3A_120, %jit3A_117 : i32
      %rem3A_122 = arith.remsi %scan3A_100, %select_n3A_121 : i32
      %ne3A_123 = arith.constant 0 : i32
      %ne3A_124 = arith.cmpi ne, %rem3A_122, %ne3A_123 : i32
      %lt3A_125 = arith.constant 0 : i32
      %lt3A_126 = arith.cmpi slt, %rem3A_122, %lt3A_125 : i32
      %lt3A_127 = arith.constant 0 : i32
      %lt3A_128 = arith.cmpi slt, %select_n3A_121, %lt3A_127 : i32
      %ne3A_129 = arith.xori %lt3A_126, %lt3A_128 : i1
      %and3A_130 = arith.andi %ne3A_129, %ne3A_124 : i1
      %add3A_131 = arith.addi %rem3A_122, %select_n3A_121 : i32
      %select_n3A_132 = arith.select %and3A_130, %add3A_131, %rem3A_122 : i32
      %eq3A_133 = arith.constant 1 : i32
      %eq3A_134 = arith.cmpi eq, %select_n3A_132, %eq3A_133 : i32
      %convert_element_type3A_135 = arith.extui %eq3A_134 : i1 to i32
      %cond3A_136 = arith.constant 0 : i32
      %cond3A_137 = arith.cmpi ne, %convert_element_type3A_135, %cond3A_136 : i32
      scf.if %cond3A_137 {
        %add3A_139 = arith.constant 40 : i32
        %add3A_140 = arith.addi %add3A_139, %scan3A_100 : i32
        %sub3A = arith.constant 1 : i32
        %sub3A_141 = arith.subi %add3A_140, %sub3A : i32
        %dma_wait3A_142 = arith.constant 0 : i32
        %dma_wait3A_143 = arith.constant 0 : i32
        %dma_wait3A_144 = tpu.memref_slice %arg6[%dma_wait3A_142, %dma_wait3A_143] : memref<250x128xf32, #tpu.memory_space<vmem>> -> memref<125x128xf32, #tpu.memory_space<vmem>>
        %dma_wait3A_145 = arith.constant 0 : i32
        %dma_wait3A_146 = tpu.memref_slice %arg5[%sub3A_141, %dma_wait3A_145] : memref<80x125xi32, #tpu.memory_space<vmem>> -> memref<1x125xi32, #tpu.memory_space<vmem>>
        %dma_wait3A_147 = tpu.memref_squeeze %dma_wait3A_146 : memref<1x125xi32, #tpu.memory_space<vmem>> -> memref<125xi32, #tpu.memory_space<vmem>>
        %dma_wait3A_148 = arith.constant 0 : i32
        %dma_wait3A_149 = arith.constant 0 : i32
        %dma_wait3A_150 = tpu.memref_slice %arg7[%dma_wait3A_148, %dma_wait3A_149] : memref<10000x128xf32, #tpu.memory_space<vmem_shared>> -> memref<10000x128xf32, #tpu.memory_space<vmem_shared>>
        tpu.wait_indirect_dma semaphore(%arg10 : memref<!tpu.dma_semaphore, #tpu.memory_space<semaphore_mem>>) src(%dma_wait3A_144 : memref<125x128xf32, #tpu.memory_space<vmem>>) dst(%dma_wait3A_150 : memref<10000x128xf32, #tpu.memory_space<vmem_shared>>)
        %add3A_151 = arith.constant 1 : i32
        %add3A_152 = arith.addi %scan3A_100, %add3A_151 : i32
        %lt3A_153 = arith.constant 40 : i32
        %lt3A_154 = arith.cmpi slt, %add3A_152, %lt3A_153 : i32
        %convert_element_type3A_155 = arith.extui %lt3A_154 : i1 to i32
        %cond3A_156 = arith.constant 0 : i32
        %cond3A_157 = arith.cmpi ne, %convert_element_type3A_155, %cond3A_156 : i32
        scf.if %cond3A_157 {
          %add3A_178 = arith.constant 1 : i32
          %add3A_179 = arith.addi %scan3A_100, %add3A_178 : i32
          %dma_start3A_180 = arith.constant 0 : i32
          %dma_start3A_181 = arith.constant 0 : i32
          %dma_start3A_182 = tpu.memref_slice %arg6[%dma_start3A_180, %dma_start3A_181] : memref<250x128xf32, #tpu.memory_space<vmem>> -> memref<125x128xf32, #tpu.memory_space<vmem>>
          %dma_start3A_183 = arith.constant 0 : i32
          %dma_start3A_184 = tpu.memref_slice %arg5[%add3A_179, %dma_start3A_183] : memref<80x125xi32, #tpu.memory_space<vmem>> -> memref<1x125xi32, #tpu.memory_space<vmem>>
          %dma_start3A_185 = tpu.memref_squeeze %dma_start3A_184 : memref<1x125xi32, #tpu.memory_space<vmem>> -> memref<125xi32, #tpu.memory_space<vmem>>
          %dma_start3A_186 = arith.constant 0 : i32
          %dma_start3A_187 = arith.constant 0 : i32
          %dma_start3A_188 = tpu.memref_slice %arg2[%dma_start3A_186, %dma_start3A_187] : memref<10000x128xf32, #tpu.memory_space<hbm>> -> memref<10000x128xf32, #tpu.memory_space<hbm>>
          tpu.enqueue_indirect_dma source(%dma_start3A_188 : memref<10000x128xf32, #tpu.memory_space<hbm>>) target(%dma_start3A_182 : memref<125x128xf32, #tpu.memory_space<vmem>>) offsets(%dma_start3A_185 : memref<125xi32, #tpu.memory_space<vmem>>) semaphore(%arg8 : memref<!tpu.dma_semaphore, #tpu.memory_space<semaphore_mem>>)
        } else {
        }
        %dma_wait3A_158 = arith.constant 125 : i32
        %dma_wait3A_159 = arith.constant 0 : i32
        %dma_wait3A_160 = tpu.memref_slice %arg6[%dma_wait3A_158, %dma_wait3A_159] : memref<250x128xf32, #tpu.memory_space<vmem>> -> memref<125x128xf32, #tpu.memory_space<vmem>>
        %dma_wait3A_161 = arith.constant 0 : i32
        %dma_wait3A_162 = tpu.memref_slice %arg5[%scan3A_100, %dma_wait3A_161] : memref<80x125xi32, #tpu.memory_space<vmem>> -> memref<1x125xi32, #tpu.memory_space<vmem>>
        %dma_wait3A_163 = tpu.memref_squeeze %dma_wait3A_162 : memref<1x125xi32, #tpu.memory_space<vmem>> -> memref<125xi32, #tpu.memory_space<vmem>>
        %dma_wait3A_164 = arith.constant 0 : i32
        %dma_wait3A_165 = arith.constant 0 : i32
        %dma_wait3A_166 = tpu.memref_slice %arg2[%dma_wait3A_164, %dma_wait3A_165] : memref<10000x128xf32, #tpu.memory_space<hbm>> -> memref<10000x128xf32, #tpu.memory_space<hbm>>
        tpu.wait_indirect_dma semaphore(%arg9 : memref<!tpu.dma_semaphore, #tpu.memory_space<semaphore_mem>>) src(%dma_wait3A_166 : memref<10000x128xf32, #tpu.memory_space<hbm>>) dst(%dma_wait3A_160 : memref<125x128xf32, #tpu.memory_space<vmem>>)
        %add3A_167 = arith.constant 40 : i32
        %add3A_168 = arith.addi %add3A_167, %scan3A_100 : i32
        %dma_start3A_169 = arith.constant 125 : i32
        %dma_start3A_170 = arith.constant 0 : i32
        %dma_start3A_171 = tpu.memref_slice %arg6[%dma_start3A_169, %dma_start3A_170] : memref<250x128xf32, #tpu.memory_space<vmem>> -> memref<125x128xf32, #tpu.memory_space<vmem>>
        %dma_start3A_172 = arith.constant 0 : i32
        %dma_start3A_173 = tpu.memref_slice %arg5[%add3A_168, %dma_start3A_172] : memref<80x125xi32, #tpu.memory_space<vmem>> -> memref<1x125xi32, #tpu.memory_space<vmem>>
        %dma_start3A_174 = tpu.memref_squeeze %dma_start3A_173 : memref<1x125xi32, #tpu.memory_space<vmem>> -> memref<125xi32, #tpu.memory_space<vmem>>
        %dma_start3A_175 = arith.constant 0 : i32
        %dma_start3A_176 = arith.constant 0 : i32
        %dma_start3A_177 = tpu.memref_slice %arg7[%dma_start3A_175, %dma_start3A_176] : memref<10000x128xf32, #tpu.memory_space<vmem_shared>> -> memref<10000x128xf32, #tpu.memory_space<vmem_shared>>
        tpu.enqueue_indirect_dma source(%dma_start3A_171 : memref<125x128xf32, #tpu.memory_space<vmem>>) target(%dma_start3A_177 : memref<10000x128xf32, #tpu.memory_space<vmem_shared>>) offsets(%dma_start3A_174 : memref<125xi32, #tpu.memory_space<vmem>>) semaphore(%arg11 : memref<!tpu.dma_semaphore, #tpu.memory_space<semaphore_mem>>) {add = true}
      } else {
      }
      %scan3A_138 = arith.constant 0 : i32
      scf.yield %scan3A_138 : i32
    }
    %scan3A_80 = arith.constant 40 : i32
    %dma_wait3A_81 = arith.constant 79 : i32
    %dma_wait3A_82 = arith.constant 125 : i32
    %dma_wait3A_83 = arith.constant 0 : i32
    %dma_wait3A_84 = tpu.memref_slice %arg6[%dma_wait3A_82, %dma_wait3A_83] : memref<250x128xf32, #tpu.memory_space<vmem>> -> memref<125x128xf32, #tpu.memory_space<vmem>>
    %dma_wait3A_85 = arith.constant 0 : i32
    %dma_wait3A_86 = tpu.memref_slice %arg5[%dma_wait3A_81, %dma_wait3A_85] : memref<80x125xi32, #tpu.memory_space<vmem>> -> memref<1x125xi32, #tpu.memory_space<vmem>>
    %dma_wait3A_87 = tpu.memref_squeeze %dma_wait3A_86 : memref<1x125xi32, #tpu.memory_space<vmem>> -> memref<125xi32, #tpu.memory_space<vmem>>
    %dma_wait3A_88 = arith.constant 0 : i32
    %dma_wait3A_89 = arith.constant 0 : i32
    %dma_wait3A_90 = tpu.memref_slice %arg7[%dma_wait3A_88, %dma_wait3A_89] : memref<10000x128xf32, #tpu.memory_space<vmem_shared>> -> memref<10000x128xf32, #tpu.memory_space<vmem_shared>>
    tpu.wait_indirect_dma semaphore(%arg11 : memref<!tpu.dma_semaphore, #tpu.memory_space<semaphore_mem>>) src(%dma_wait3A_84 : memref<125x128xf32, #tpu.memory_space<vmem>>) dst(%dma_wait3A_90 : memref<10000x128xf32, #tpu.memory_space<vmem_shared>>)
    %barrier3A_91 = arith.constant 0 : index
    tpu.barrier barrier_id(%barrier3A_91)
    %mul3A_92 = arith.constant 10000 : i32
    %mul3A_93 = arith.muli %arg0, %mul3A_92 : i32
    %add3A_94 = arith.addi %mul3A_93, %mul3A_2 : i32
    "tpu.region"() ({
      %run_scoped3A = tpu.sem_alloc : memref<!tpu.dma_semaphore, #tpu.memory_space<semaphore_mem>>
      %dma_start3A_100 = arith.constant 0 : i32
      %dma_start3A_101 = tpu.memref_slice %arg4[%add3A_94, %dma_start3A_100] : memref<20000x128xf32, #tpu.memory_space<hbm>> -> memref<624x128xf32, #tpu.memory_space<hbm>>
      %dma_start3A_102 = arith.constant 0 : i32
      %dma_start3A_103 = tpu.memref_slice %arg7[%mul3A_2, %dma_start3A_102] : memref<10000x128xf32, #tpu.memory_space<vmem_shared>> -> memref<624x128xf32, #tpu.memory_space<vmem_shared>>
      tpu.enqueue_dma source(%dma_start3A_103 : memref<624x128xf32, #tpu.memory_space<vmem_shared>>) target(%dma_start3A_101 : memref<624x128xf32, #tpu.memory_space<hbm>>) target_semaphore(%run_scoped3A : memref<!tpu.dma_semaphore, #tpu.memory_space<semaphore_mem>>)
      %dma_wait3A_104 = arith.constant 0 : i32
      %dma_wait3A_105 = tpu.memref_slice %arg4[%add3A_94, %dma_wait3A_104] : memref<20000x128xf32, #tpu.memory_space<hbm>> -> memref<624x128xf32, #tpu.memory_space<hbm>>
      %dma_wait3A_106 = arith.constant 0 : i32
      %dma_wait3A_107 = tpu.memref_slice %arg7[%mul3A_2, %dma_wait3A_106] : memref<10000x128xf32, #tpu.memory_space<vmem_shared>> -> memref<624x128xf32, #tpu.memory_space<vmem_shared>>
      tpu.wait_dma2 semaphore(%run_scoped3A : memref<!tpu.dma_semaphore, #tpu.memory_space<semaphore_mem>>) src(%dma_wait3A_107 : memref<624x128xf32, #tpu.memory_space<vmem_shared>>) dst(%dma_wait3A_105 : memref<624x128xf32, #tpu.memory_space<hbm>>)
      tpu.yield
    }) : () -> ()
    %eq3A_95 = arith.constant 15 : i32
    %eq3A_96 = arith.cmpi eq, %arg1, %eq3A_95 : i32
    %convert_element_type3A_97 = arith.extui %eq3A_96 : i1 to i32
    %cond3A_98 = arith.constant 0 : i32
    %cond3A_99 = arith.cmpi ne, %convert_element_type3A_97, %cond3A_98 : i32
    scf.if %cond3A_99 {
      %mul3A_100 = arith.constant 10000 : i32
      %mul3A_101 = arith.muli %arg0, %mul3A_100 : i32
      %add3A_102 = arith.constant 9984 : i32
      %add3A_103 = arith.addi %mul3A_101, %add3A_102 : i32
      "tpu.region"() ({
        %run_scoped3A = tpu.sem_alloc : memref<!tpu.dma_semaphore, #tpu.memory_space<semaphore_mem>>
        %dma_start3A_104 = arith.constant 0 : i32
        %dma_start3A_105 = tpu.memref_slice %arg4[%add3A_103, %dma_start3A_104] : memref<20000x128xf32, #tpu.memory_space<hbm>> -> memref<16x128xf32, #tpu.memory_space<hbm>>
        %dma_start3A_106 = arith.constant 9984 : i32
        %dma_start3A_107 = arith.constant 0 : i32
        %dma_start3A_108 = tpu.memref_slice %arg7[%dma_start3A_106, %dma_start3A_107] : memref<10000x128xf32, #tpu.memory_space<vmem_shared>> -> memref<16x128xf32, #tpu.memory_space<vmem_shared>>
        tpu.enqueue_dma source(%dma_start3A_108 : memref<16x128xf32, #tpu.memory_space<vmem_shared>>) target(%dma_start3A_105 : memref<16x128xf32, #tpu.memory_space<hbm>>) target_semaphore(%run_scoped3A : memref<!tpu.dma_semaphore, #tpu.memory_space<semaphore_mem>>)
        %dma_wait3A_109 = arith.constant 0 : i32
        %dma_wait3A_110 = tpu.memref_slice %arg4[%add3A_103, %dma_wait3A_109] : memref<20000x128xf32, #tpu.memory_space<hbm>> -> memref<16x128xf32, #tpu.memory_space<hbm>>
        %dma_wait3A_111 = arith.constant 9984 : i32
        %dma_wait3A_112 = arith.constant 0 : i32
        %dma_wait3A_113 = tpu.memref_slice %arg7[%dma_wait3A_111, %dma_wait3A_112] : memref<10000x128xf32, #tpu.memory_space<vmem_shared>> -> memref<16x128xf32, #tpu.memory_space<vmem_shared>>
        tpu.wait_dma2 semaphore(%run_scoped3A : memref<!tpu.dma_semaphore, #tpu.memory_space<semaphore_mem>>) src(%dma_wait3A_113 : memref<16x128xf32, #tpu.memory_space<vmem_shared>>) dst(%dma_wait3A_110 : memref<16x128xf32, #tpu.memory_space<hbm>>)
        tpu.yield
      }) : () -> ()
    } else {
    }
    return
  }
}

module attributes {stable_mosaic.version = 14 : i64} {
  func.func @body(%arg0: i32, %arg1: memref<2000x128xf32, #tpu.memory_space<vmem>>, %arg2: memref<128x128xf32, #tpu.memory_space<vmem>>, %arg3: memref<1x128xf32, #tpu.memory_space<vmem>>, %arg4: memref<2000x128xf32, #tpu.memory_space<vmem>>) attributes {dimension_semantics = [#tpu.dimension_semantics<arbitrary>], iteration_bounds = array<i64: 5>, scalar_prefetch = 0 : i64, scratch_operands = 0 : i64, tpu.core_type = #tpu.core_type<tc>, window_params = [{transform_indices = @transform_0, window_bounds = array<i64: 2000, 128>}, {pipeline_mode = #tpu.pipeline_mode<synchronous>, transform_indices = @transform_1, window_bounds = array<i64: 128, 128>}, {pipeline_mode = #tpu.pipeline_mode<synchronous>, transform_indices = @transform_2, window_bounds = array<i64: 1, 128>}, {transform_indices = @transform_3, window_bounds = array<i64: 2000, 128>}]} {
    %get3A = arith.constant 0 : index
    %get3A_0 = arith.constant 0 : index
    %get3A_1 = vector.load %arg1[%get3A, %get3A_0] : memref<2000x128xf32, #tpu.memory_space<vmem>>, vector<2000x128xf32>
    %get3A_2 = arith.constant 0 : index
    %get3A_3 = arith.constant 0 : index
    %get3A_4 = vector.load %arg2[%get3A_2, %get3A_3] : memref<128x128xf32, #tpu.memory_space<vmem>>, vector<128x128xf32>
    %dot_general3A = arith.constant dense<0.000000e+00> : vector<2000x128xf32>
    %dot_general3A_5 = tpu.matmul %get3A_1, %get3A_4, %dot_general3A {dimension_numbers = #tpu.dot_dimension_numbers<[1], [0], [0], [1], [0, 0, 1, 1], [], []>, transpose_lhs_hint = false} : vector<2000x128xf32>, vector<128x128xf32>, vector<2000x128xf32> -> vector<2000x128xf32>
    %get3A_6 = arith.constant 0 : index
    %get3A_7 = arith.constant 0 : index
    %get3A_8 = vector.load %arg3[%get3A_6, %get3A_7] : memref<1x128xf32, #tpu.memory_space<vmem>>, vector<1x128xf32>
    %add3A = vector.broadcast %get3A_8 : vector<1x128xf32> to vector<2000x128xf32>
    %add3A_9 = arith.addf %dot_general3A_5, %add3A : vector<2000x128xf32>
    %swap3A = arith.constant 0 : index
    %swap3A_10 = arith.constant 0 : index
    %swap3A_11 = vector.load %arg4[%swap3A, %swap3A_10] : memref<2000x128xf32, #tpu.memory_space<vmem>>, vector<2000x128xf32>
    tpu.vector_store %arg4[%swap3A, %swap3A_10], %add3A_9 {strides = array<i32>} : memref<2000x128xf32, #tpu.memory_space<vmem>>, vector<2000x128xf32>,
    return
  }
  func.func @transform_0(%arg0: i32) -> (i32, i32) {
    %c0_i32 = arith.constant 0 : i32
    %c0_i32_0 = arith.constant 0 : i32
    return %arg0, %c0_i32 : i32, i32
  }
  func.func @transform_1(%arg0: i32) -> (i32, i32) {
    %c0_i32 = arith.constant 0 : i32
    %c0_i32_0 = arith.constant 0 : i32
    %c0_i32_1 = arith.constant 0 : i32
    return %c0_i32, %c0_i32_0 : i32, i32
  }
  func.func @transform_2(%arg0: i32) -> (i32, i32) {
    %c0_i32 = arith.constant 0 : i32
    %c0_i32_0 = arith.constant 0 : i32
    %c0_i32_1 = arith.constant 0 : i32
    return %c0_i32, %c0_i32_0 : i32, i32
  }
  func.func @transform_3(%arg0: i32) -> (i32, i32) {
    %c0_i32 = arith.constant 0 : i32
    %c0_i32_0 = arith.constant 0 : i32
    return %arg0, %c0_i32 : i32, i32
  }
}

module attributes {stable_mosaic.version = 14 : i64} {
  func.func @body(%arg0: i32, %arg1: memref<2000x128xf32, #tpu.memory_space<vmem>>, %arg2: memref<2000x128xf32, #tpu.memory_space<vmem>>, %arg3: memref<2000x128xf32, #tpu.memory_space<vmem>>, %arg4: memref<128x128xf32, #tpu.memory_space<vmem>>, %arg5: memref<2000x128xf32, #tpu.memory_space<vmem>>, %arg6: memref<2000x128xf32, #tpu.memory_space<vmem>>) attributes {dimension_semantics = [#tpu.dimension_semantics<arbitrary>], iteration_bounds = array<i64: 5>, scalar_prefetch = 0 : i64, scratch_operands = 0 : i64, tpu.core_type = #tpu.core_type<tc>, window_params = [{transform_indices = @transform_0, window_bounds = array<i64: 2000, 128>}, {transform_indices = @transform_1, window_bounds = array<i64: 2000, 128>}, {transform_indices = @transform_2, window_bounds = array<i64: 2000, 128>}, {pipeline_mode = #tpu.pipeline_mode<synchronous>, transform_indices = @transform_3, window_bounds = array<i64: 128, 128>}, {transform_indices = @transform_4, window_bounds = array<i64: 2000, 128>}, {transform_indices = @transform_5, window_bounds = array<i64: 2000, 128>}]} {
    %get3A = arith.constant 0 : index
    %get3A_0 = arith.constant 0 : index
    %get3A_1 = vector.load %arg1[%get3A, %get3A_0] : memref<2000x128xf32, #tpu.memory_space<vmem>>, vector<2000x128xf32>
    %get3A_2 = arith.constant 0 : index
    %get3A_3 = arith.constant 0 : index
    %get3A_4 = vector.load %arg2[%get3A_2, %get3A_3] : memref<2000x128xf32, #tpu.memory_space<vmem>>, vector<2000x128xf32>
    %add3A = arith.addf %get3A_1, %get3A_4 : vector<2000x128xf32>
    %get3A_5 = arith.constant 0 : index
    %get3A_6 = arith.constant 0 : index
    %get3A_7 = vector.load %arg3[%get3A_5, %get3A_6] : memref<2000x128xf32, #tpu.memory_space<vmem>>, vector<2000x128xf32>
    %add3A_8 = arith.addf %add3A, %get3A_7 : vector<2000x128xf32>
    %max3A = arith.constant 0.000000e+00 : f32
    %max3A_9 = vector.broadcast %max3A : f32 to vector<2000x128xf32>
    %max3A_10 = arith.maximumf %add3A_8, %max3A_9 : vector<2000x128xf32>
    %swap3A = arith.constant 0 : index
    %swap3A_11 = arith.constant 0 : index
    %swap3A_12 = vector.load %arg6[%swap3A, %swap3A_11] : memref<2000x128xf32, #tpu.memory_space<vmem>>, vector<2000x128xf32>
    tpu.vector_store %arg6[%swap3A, %swap3A_11], %max3A_10 {strides = array<i32>} : memref<2000x128xf32, #tpu.memory_space<vmem>>, vector<2000x128xf32>,
    %get3A_13 = arith.constant 0 : index
    %get3A_14 = arith.constant 0 : index
    %get3A_15 = vector.load %arg4[%get3A_13, %get3A_14] : memref<128x128xf32, #tpu.memory_space<vmem>>, vector<128x128xf32>
    %dot_general3A = arith.constant dense<0.000000e+00> : vector<2000x128xf32>
    %dot_general3A_16 = tpu.matmul %max3A_10, %get3A_15, %dot_general3A {dimension_numbers = #tpu.dot_dimension_numbers<[1], [0], [0], [1], [0, 0, 1, 1], [], []>, transpose_lhs_hint = false} : vector<2000x128xf32>, vector<128x128xf32>, vector<2000x128xf32> -> vector<2000x128xf32>
    %swap3A_17 = arith.constant 0 : index
    %swap3A_18 = arith.constant 0 : index
    %swap3A_19 = vector.load %arg5[%swap3A_17, %swap3A_18] : memref<2000x128xf32, #tpu.memory_space<vmem>>, vector<2000x128xf32>
    tpu.vector_store %arg5[%swap3A_17, %swap3A_18], %dot_general3A_16 {strides = array<i32>} : memref<2000x128xf32, #tpu.memory_space<vmem>>, vector<2000x128xf32>,
    return
  }
  func.func @transform_0(%arg0: i32) -> (i32, i32) {
    %c0_i32 = arith.constant 0 : i32
    %c0_i32_0 = arith.constant 0 : i32
    return %arg0, %c0_i32 : i32, i32
  }
  func.func @transform_1(%arg0: i32) -> (i32, i32) {
    %add3A = arith.constant 5 : i32
    %add3A_0 = arith.addi %arg0, %add3A : i32
    %c0_i32 = arith.constant 0 : i32
    %c0_i32_1 = arith.constant 0 : i32
    return %add3A_0, %c0_i32 : i32, i32
  }
  func.func @transform_2(%arg0: i32) -> (i32, i32) {
    %c0_i32 = arith.constant 0 : i32
    %c0_i32_0 = arith.constant 0 : i32
    return %arg0, %c0_i32 : i32, i32
  }
  func.func @transform_3(%arg0: i32) -> (i32, i32) {
    %c0_i32 = arith.constant 0 : i32
    %c0_i32_0 = arith.constant 0 : i32
    %c0_i32_1 = arith.constant 0 : i32
    return %c0_i32, %c0_i32_0 : i32, i32
  }
  func.func @transform_4(%arg0: i32) -> (i32, i32) {
    %c0_i32 = arith.constant 0 : i32
    %c0_i32_0 = arith.constant 0 : i32
    return %arg0, %c0_i32 : i32, i32
  }
  func.func @transform_5(%arg0: i32) -> (i32, i32) {
    %c0_i32 = arith.constant 0 : i32
    %c0_i32_0 = arith.constant 0 : i32
    return %arg0, %c0_i32 : i32, i32
  }
}

module attributes {stable_mosaic.version = 14 : i64} {
  func.func @body(%arg0: i32, %arg1: memref<2000x128xf32, #tpu.memory_space<vmem>>, %arg2: memref<128x128xf32, #tpu.memory_space<vmem>>, %arg3: memref<2000x128xf32, #tpu.memory_space<vmem>>) attributes {dimension_semantics = [#tpu.dimension_semantics<arbitrary>], iteration_bounds = array<i64: 5>, scalar_prefetch = 0 : i64, scratch_operands = 0 : i64, tpu.core_type = #tpu.core_type<tc>, window_params = [{transform_indices = @transform_0, window_bounds = array<i64: 2000, 128>}, {pipeline_mode = #tpu.pipeline_mode<synchronous>, transform_indices = @transform_1, window_bounds = array<i64: 128, 128>}, {transform_indices = @transform_2, window_bounds = array<i64: 2000, 128>}]} {
    %get3A = arith.constant 0 : index
    %get3A_0 = arith.constant 0 : index
    %get3A_1 = vector.load %arg1[%get3A, %get3A_0] : memref<2000x128xf32, #tpu.memory_space<vmem>>, vector<2000x128xf32>
    %get3A_2 = arith.constant 0 : index
    %get3A_3 = arith.constant 0 : index
    %get3A_4 = vector.load %arg2[%get3A_2, %get3A_3] : memref<128x128xf32, #tpu.memory_space<vmem>>, vector<128x128xf32>
    %dot_general3A = arith.constant dense<0.000000e+00> : vector<2000x128xf32>
    %dot_general3A_5 = tpu.matmul %get3A_1, %get3A_4, %dot_general3A {dimension_numbers = #tpu.dot_dimension_numbers<[1], [0], [0], [1], [0, 0, 1, 1], [], []>, transpose_lhs_hint = false} : vector<2000x128xf32>, vector<128x128xf32>, vector<2000x128xf32> -> vector<2000x128xf32>
    %swap3A = arith.constant 0 : index
    %swap3A_6 = arith.constant 0 : index
    %swap3A_7 = vector.load %arg3[%swap3A, %swap3A_6] : memref<2000x128xf32, #tpu.memory_space<vmem>>, vector<2000x128xf32>
    tpu.vector_store %arg3[%swap3A, %swap3A_6], %dot_general3A_5 {strides = array<i32>} : memref<2000x128xf32, #tpu.memory_space<vmem>>, vector<2000x128xf32>,
    return
  }
  func.func @transform_0(%arg0: i32) -> (i32, i32) {
    %c0_i32 = arith.constant 0 : i32
    %c0_i32_0 = arith.constant 0 : i32
    return %arg0, %c0_i32 : i32, i32
  }
  func.func @transform_1(%arg0: i32) -> (i32, i32) {
    %c0_i32 = arith.constant 0 : i32
    %c0_i32_0 = arith.constant 0 : i32
    %c0_i32_1 = arith.constant 0 : i32
    return %c0_i32, %c0_i32_0 : i32, i32
  }
  func.func @transform_2(%arg0: i32) -> (i32, i32) {
    %c0_i32 = arith.constant 0 : i32
    %c0_i32_0 = arith.constant 0 : i32
    return %arg0, %c0_i32 : i32, i32
  }
}

module attributes {stable_mosaic.version = 14 : i64} {
  func.func @body(%arg0: i32, %arg1: memref<2000x128xf32, #tpu.memory_space<vmem>>, %arg2: memref<2000x128xf32, #tpu.memory_space<vmem>>, %arg3: memref<2000x128xf32, #tpu.memory_space<vmem>>, %arg4: memref<128x10xf32, #tpu.memory_space<vmem>>, %arg5: memref<1x10xf32, #tpu.memory_space<vmem>>, %arg6: memref<1x10xf32, #tpu.memory_space<vmem>>, %arg7: memref<1x128xf32, #tpu.memory_space<vmem>>) attributes {dimension_semantics = [#tpu.dimension_semantics<arbitrary>], iteration_bounds = array<i64: 5>, scalar_prefetch = 0 : i64, scratch_operands = 1 : i64, tpu.core_type = #tpu.core_type<tc>, window_params = [{transform_indices = @transform_0, window_bounds = array<i64: 2000, 128>}, {transform_indices = @transform_1, window_bounds = array<i64: 2000, 128>}, {transform_indices = @transform_2, window_bounds = array<i64: 2000, 128>}, {pipeline_mode = #tpu.pipeline_mode<synchronous>, transform_indices = @transform_3, window_bounds = array<i64: 128, 10>}, {pipeline_mode = #tpu.pipeline_mode<synchronous>, transform_indices = @transform_4, window_bounds = array<i64: 1, 10>}, {pipeline_mode = #tpu.pipeline_mode<synchronous>, transform_indices = @transform_5, window_bounds = array<i64: 1, 10>}]} {
    %eq3A = arith.constant 0 : i32
    %eq3A_0 = arith.cmpi eq, %arg0, %eq3A : i32
    %convert_element_type3A = arith.extui %eq3A_0 : i1 to i32
    %cond3A = arith.constant 0 : i32
    %cond3A_1 = arith.cmpi ne, %convert_element_type3A, %cond3A : i32
    scf.if %cond3A_1 {
      %broadcast_in_dim3A_25 = arith.constant 0.000000e+00 : f32
      %broadcast_in_dim3A_26 = vector.broadcast %broadcast_in_dim3A_25 : f32 to vector<1x128xf32>
      %swap3A_27 = arith.constant 0 : index
      %swap3A_28 = arith.constant 0 : index
      %swap3A_29 = vector.load %arg7[%swap3A_27, %swap3A_28] : memref<1x128xf32, #tpu.memory_space<vmem>>, vector<1x128xf32>
      tpu.vector_store %arg7[%swap3A_27, %swap3A_28], %broadcast_in_dim3A_26 {strides = array<i32>} : memref<1x128xf32, #tpu.memory_space<vmem>>, vector<1x128xf32>,
    } else {
    }
    %get3A = arith.constant 0 : index
    %get3A_2 = arith.constant 0 : index
    %get3A_3 = vector.load %arg1[%get3A, %get3A_2] : memref<2000x128xf32, #tpu.memory_space<vmem>>, vector<2000x128xf32>
    %get3A_4 = arith.constant 0 : index
    %get3A_5 = arith.constant 0 : index
    %get3A_6 = vector.load %arg2[%get3A_4, %get3A_5] : memref<2000x128xf32, #tpu.memory_space<vmem>>, vector<2000x128xf32>
    %add3A = arith.addf %get3A_3, %get3A_6 : vector<2000x128xf32>
    %get3A_7 = arith.constant 0 : index
    %get3A_8 = arith.constant 0 : index
    %get3A_9 = vector.load %arg3[%get3A_7, %get3A_8] : memref<2000x128xf32, #tpu.memory_space<vmem>>, vector<2000x128xf32>
    %add3A_10 = arith.addf %add3A, %get3A_9 : vector<2000x128xf32>
    %max3A = arith.constant 0.000000e+00 : f32
    %max3A_11 = vector.broadcast %max3A : f32 to vector<2000x128xf32>
    %max3A_12 = arith.maximumf %add3A_10, %max3A_11 : vector<2000x128xf32>
    %get3A_13 = arith.constant 0 : index
    %get3A_14 = arith.constant 0 : index
    %get3A_15 = vector.load %arg7[%get3A_13, %get3A_14] : memref<1x128xf32, #tpu.memory_space<vmem>>, vector<1x128xf32>
    %reduce_sum3A = arith.constant dense<0.000000e+00> : vector<128xf32>
    %reduce_sum3A_16 = vector.multi_reduction <add>, %max3A_12, %reduce_sum3A [0] : vector<2000x128xf32> to vector<128xf32>
    %broadcast_in_dim3A = vector.shape_cast %reduce_sum3A_16 : vector<128xf32> to vector<1x128xf32>
    %add3A_17 = arith.addf %get3A_15, %broadcast_in_dim3A : vector<1x128xf32>
    %swap3A = arith.constant 0 : index
    %swap3A_18 = arith.constant 0 : index
    %swap3A_19 = vector.load %arg7[%swap3A, %swap3A_18] : memref<1x128xf32, #tpu.memory_space<vmem>>, vector<1x128xf32>
    tpu.vector_store %arg7[%swap3A, %swap3A_18], %add3A_17 {strides = array<i32>} : memref<1x128xf32, #tpu.memory_space<vmem>>, vector<1x128xf32>,
    %eq3A_20 = arith.constant 4 : i32
    %eq3A_21 = arith.cmpi eq, %arg0, %eq3A_20 : i32
    %convert_element_type3A_22 = arith.extui %eq3A_21 : i1 to i32
    %cond3A_23 = arith.constant 0 : i32
    %cond3A_24 = arith.cmpi ne, %convert_element_type3A_22, %cond3A_23 : i32
    scf.if %cond3A_24 {
      %get3A_25 = arith.constant 0 : index
      %get3A_26 = arith.constant 0 : index
      %get3A_27 = vector.load %arg7[%get3A_25, %get3A_26] : memref<1x128xf32, #tpu.memory_space<vmem>>, vector<1x128xf32>
      %get3A_28 = arith.constant 0 : index
      %get3A_29 = arith.constant 0 : index
      %get3A_30 = vector.load %arg4[%get3A_28, %get3A_29] : memref<128x10xf32, #tpu.memory_space<vmem>>, vector<128x10xf32>
      %dot_general3A = arith.constant dense<0.000000e+00> : vector<1x10xf32>
      %dot_general3A_31 = tpu.matmul %get3A_27, %get3A_30, %dot_general3A {dimension_numbers = #tpu.dot_dimension_numbers<[1], [0], [0], [1], [0, 0, 1, 1], [], []>, transpose_lhs_hint = false} : vector<1x128xf32>, vector<128x10xf32>, vector<1x10xf32> -> vector<1x10xf32>
      %get3A_32 = arith.constant 0 : index
      %get3A_33 = arith.constant 0 : index
      %get3A_34 = vector.load %arg5[%get3A_32, %get3A_33] : memref<1x10xf32, #tpu.memory_space<vmem>>, vector<1x10xf32>
      %add3A_35 = arith.addf %dot_general3A_31, %get3A_34 : vector<1x10xf32>
      %reduce_max3A = arith.constant dense<0xFF800000> : vector<1xf32>
      %reduce_max3A_36 = vector.multi_reduction <maximumf>, %add3A_35, %reduce_max3A [1] : vector<1x10xf32> to vector<1xf32>
      %broadcast_in_dim3A_37 = vector.shape_cast %reduce_max3A_36 : vector<1xf32> to vector<1x1xf32>
      %sub3A = vector.broadcast %broadcast_in_dim3A_37 : vector<1x1xf32> to vector<1x10xf32>
      %sub3A_38 = arith.subf %add3A_35, %sub3A : vector<1x10xf32>
      %exp3A = math.exp %sub3A_38 : vector<1x10xf32>
      %reduce_sum3A_39 = arith.constant dense<0.000000e+00> : vector<1xf32>
      %reduce_sum3A_40 = vector.multi_reduction <add>, %exp3A, %reduce_sum3A_39 [1] : vector<1x10xf32> to vector<1xf32>
      %broadcast_in_dim3A_41 = vector.shape_cast %reduce_sum3A_40 : vector<1xf32> to vector<1x1xf32>
      %div3A = vector.broadcast %broadcast_in_dim3A_41 : vector<1x1xf32> to vector<1x10xf32>
      %div3A_42 = arith.divf %exp3A, %div3A : vector<1x10xf32>
      %swap3A_43 = arith.constant 0 : index
      %swap3A_44 = arith.constant 0 : index
      %swap3A_45 = vector.load %arg6[%swap3A_43, %swap3A_44] : memref<1x10xf32, #tpu.memory_space<vmem>>, vector<1x10xf32>
      tpu.vector_store %arg6[%swap3A_43, %swap3A_44], %div3A_42 {strides = array<i32>} : memref<1x10xf32, #tpu.memory_space<vmem>>, vector<1x10xf32>,
    } else {
    }
    return
  }
  func.func @transform_0(%arg0: i32) -> (i32, i32) {
    %c0_i32 = arith.constant 0 : i32
    %c0_i32_0 = arith.constant 0 : i32
    return %arg0, %c0_i32 : i32, i32
  }
  func.func @transform_1(%arg0: i32) -> (i32, i32) {
    %add3A = arith.constant 5 : i32
    %add3A_0 = arith.addi %arg0, %add3A : i32
    %c0_i32 = arith.constant 0 : i32
    %c0_i32_1 = arith.constant 0 : i32
    return %add3A_0, %c0_i32 : i32, i32
  }
  func.func @transform_2(%arg0: i32) -> (i32, i32) {
    %c0_i32 = arith.constant 0 : i32
    %c0_i32_0 = arith.constant 0 : i32
    return %arg0, %c0_i32 : i32, i32
  }
  func.func @transform_3(%arg0: i32) -> (i32, i32) {
    %c0_i32 = arith.constant 0 : i32
    %c0_i32_0 = arith.constant 0 : i32
    %c0_i32_1 = arith.constant 0 : i32
    return %c0_i32, %c0_i32_0 : i32, i32
  }
  func.func @transform_4(%arg0: i32) -> (i32, i32) {
    %c0_i32 = arith.constant 0 : i32
    %c0_i32_0 = arith.constant 0 : i32
    %c0_i32_1 = arith.constant 0 : i32
    return %c0_i32, %c0_i32_0 : i32, i32
  }
  func.func @transform_5(%arg0: i32) -> (i32, i32) {
    %c0_i32 = arith.constant 0 : i32
    %c0_i32_0 = arith.constant 0 : i32
    %c0_i32_1 = arith.constant 0 : i32
    return %c0_i32, %c0_i32_0 : i32, i32
  }
}

</mosaic_0001>

<sc_bundles>
// kernel: kernel.12.cloned.1.call-start
scs
__scs_entry_jumppad:
0x0: {  	(pc) =	sbr.rel $0x88, $3  }
0x1: {  	(tag) =	ssettag $0x0;
	lr =	simm.s32 $0x1  }
0x2: {  	[smem:$0x3F97] =	sst lr;
	_ =	strace $0xD0000000  }
0x3: {  	_ = 	snop  }
0x4: {  	_ = 	snop  }
0x5: {  	_ = 	snop  }
0x6: {  	_ = 	snop  }
0x7: {  	_ = 	snop  }
__scs_overlays_trampoline_lowered:
0x8: {  	[smem:$0x3FA6] =	sst s0  }
0x9: {  	[smem:$0x3FA7] =	sst s1  }
0xa: {  	[smem:$0x3FA8] =	sst s2  }
0xb: {  	[smem:$0x3FA9] =	sst s3  }
0xc: {  	[smem:$0x3FAA] =	sst s4  }
0xd: {  	[smem:$0x3FAB] =	sst s5  }
0xe: {  	[smem:$0x3FAC] =	sst s6  }
0xf: {  	[smem:$0x3FAD] =	sst s7  }
0x10: {  	[smem:$0x3FAE] =	sst s8  }
0x11: {  	[smem:$0x3FAF] =	sst s9;
	s0 =	simm.s32 @!p0 $0x0  }
0x12: {  	s1 =	sld [smem:$0x3F95];
	s0 =	simm.s32 @p0 $0x1  }
0x13: {  	[smem:$0x3FB0] =	sst s0;
	s0 =	simm.s32 @!p1 $0x0  }
0x14: {  	s2 =	sld [smem:$0x3F94];
	s0 =	simm.s32 @p1 $0x1  }
0x15: {  	[smem:$0x3FB1] =	sst s0;
	s0 =	simm.s32 @!p2 $0x0  }
0x16: {  	s3 =	sld [smem:$0x3FDB];
	s0 =	simm.s32 @p2 $0x1  }
0x17: {  	s4 =	simm.s32 $0x1BF5;
	[smem:$0x3FB3] =	sst s0  }
0x18: {  	s0 =	sld [smem:$0x3F96];
	_ =	swait.ge [sflag:s4], $0x0  }
0x19: {  	s7 =	sld [smem:$0x3F97]  }
0x1a: {  	s8 =	sadd.s32 $0xFFFFE003, lr  }
0x1b: {  	s9 =	sadd.s32 $0xFFFFFEF7, lr;
	s5 =	simm.s32 $0xFFFFFFFF;
	p2 =	slt.u32 s8, $0xFFFFF086  }
0x1c: {  	p1 =	slt.u32 s9, $0xF7A;
	s5 =	simm.s32 @!p2 $0x0  }
0x1d: {  	s5 =	simm.s32 @p1 $0x1;
	p0 =	seq.s32 s7, s2  }
0x1e: {  	s7 =	smul.u32 @!p0 $0xF7A, s2;
	p2 =	seq.s32 @!p0 s5, $0x0  }
0x1f: {  	s9 =	smul.u32 $0xF7A, s1;
	s8 =	simm.s32 @!p0 $0x1BF5;
	p2 =	por !p2, p0  }
0x20: {  	[sflag:s8] =	ssyncset.s32 @!p0 $0xFFFFF086;
	s6 =	sadd.s32 @!p0 s3, s7;
	s7 =	simm.s32 @!p0 $0x108  }
0x21: {  	s3 =	sadd.s32 s3, s9;
	s6 =	sadd.s32 @!p0 $0x88, s6;
	s7 =	simm.s32 @p2 $0x1082  }
0x22: {  	[simem:s7], [sflag:s8] =	dma.local @!p0 [hbm:s6], $0xF7A  }
0x23: {  	s9 =	sor.u32 $0xD0000000, s2;
	s6 =	simm.s32 $0x108;
	_ =	swait.ge @!p0 [sflag:s8], $0x0  }
0x24: {  	s3 =	sadd.s32 $0x88, s3;
	s6 =	simm.s32 @!p1 $0x1082;
	[sflag:s4] =	ssyncset.s32 $0xFFFFF086  }
0x25: {  	[simem:s6], [sflag:s4] =	dma.local [hbm:s3], $0xF7A  }
0x26: {  	[smem:$0x3F97] =	sst s1;
	(tag) =	ssettag s2;
	_ =	strace s9  }
0x27: {  	s1 =	sld [smem:$0x3FA7]  }
0x28: {  	s2 =	sld [smem:$0x3FA8]  }
0x29: {  	s4 =	sld [smem:$0x3FAA]  }
0x2a: {  	p0 =	seq.s32 s5, $0x0;
	s5 =	sld [smem:$0x3FAB]  }
0x2b: {  	s6 =	sld [smem:$0x3FAC]  }
0x2c: {  	s7 =	sld [smem:$0x3FAD]  }
0x2d: {  	s3 =	simm.s32 $0x108;
	s8 =	sld [smem:$0x3FAE]  }
0x2e: {  	s3 =	simm.s32 @!p0 $0x1082;
	s9 =	sld [smem:$0x3FAF]  }
0x2f: {  	lr =	sadd.s32 s0, s3;
	s0 =	sld [smem:$0x3FA6]  }
0x30: {  	s3 =	sld [smem:$0x3FA9]  }
0x31: {  	[smem:$0x3FB2] =	sst s10  }
0x32: {  	s10 =	sld [smem:$0x3FB0];
	_ =	sdelay $0x3  }
0x33: {  	p0 =	seq.s32 s10, $0x1;
	s10 =	sld [smem:$0x3FB2];
	_ =	sdelay $0x3  }
0x34: {  	[smem:$0x3FB2] =	sst s10  }
0x35: {  	s10 =	sld [smem:$0x3FB1];
	_ =	sdelay $0x3  }
0x36: {  	p1 =	seq.s32 s10, $0x1;
	s10 =	sld [smem:$0x3FB2];
	_ =	sdelay $0x3  }
0x37: {  	[smem:$0x3FB2] =	sst s10  }
0x38: {  	s10 =	sld [smem:$0x3FB3]  }
0x39: {  	_ = 	snop;
	(pc) =	sbr.ind lr, $3  }
0x3a: {  	_ = 	snop  }
0x3b: {  	_ = 	snop  }
0x3c: {  	p2 =	seq.s32 s10, $0x1;
	s10 =	sld [smem:$0x3FB2]  }
0x3d: {  	_ =	shalt  }
0x3e: {  	_ =	shalt  }
0x3f: {  	_ =	shalt  }
0x40: {  	_ =	shalt  }
0x41: {  	_ =	shalt  }
0x42: {  	_ =	shalt  }
0x43: {  	_ =	shalt  }
0x44: {  	_ =	shalt  }
0x45: {  	_ =	shalt  }
0x46: {  	_ =	shalt  }
0x47: {  	_ =	shalt  }
0x48: {  	_ =	shalt  }
0x49: {  	_ =	shalt  }
0x4a: {  	_ =	shalt  }
0x4b: {  	_ =	shalt  }
0x4c: {  	_ =	shalt  }
0x4d: {  	_ =	shalt  }
0x4e: {  	_ =	shalt  }
0x4f: {  	_ =	shalt  }
0x50: {  	_ =	shalt  }
0x51: {  	_ =	shalt  }
0x52: {  	_ =	shalt  }
0x53: {  	_ =	shalt  }
0x54: {  	_ =	shalt  }
0x55: {  	_ =	shalt  }
0x56: {  	_ =	shalt  }
0x57: {  	_ =	shalt  }
0x58: {  	_ =	shalt  }
0x59: {  	_ =	shalt  }
0x5a: {  	_ =	shalt  }
0x5b: {  	_ =	shalt  }
0x5c: {  	_ =	shalt  }
0x5d: {  	_ =	shalt  }
0x5e: {  	_ =	shalt  }
0x5f: {  	_ =	shalt  }
0x60: {  	_ =	shalt  }
0x61: {  	_ =	shalt  }
0x62: {  	_ =	shalt  }
0x63: {  	_ =	shalt  }
0x64: {  	_ =	shalt  }
0x65: {  	_ =	shalt  }
0x66: {  	_ =	shalt  }
0x67: {  	_ =	shalt  }
0x68: {  	_ =	shalt  }
0x69: {  	_ =	shalt  }
0x6a: {  	_ =	shalt  }
0x6b: {  	_ =	shalt  }
0x6c: {  	_ =	shalt  }
0x6d: {  	_ =	shalt  }
0x6e: {  	_ =	shalt  }
0x6f: {  	_ =	shalt  }
0x70: {  	_ =	shalt  }
0x71: {  	_ =	shalt  }
0x72: {  	_ =	shalt  }
0x73: {  	_ =	shalt  }
0x74: {  	_ =	shalt  }
0x75: {  	_ =	shalt  }
0x76: {  	_ =	shalt  }
0x77: {  	_ =	shalt  }
0x78: {  	_ =	shalt  }
0x79: {  	_ =	shalt  }
0x7a: {  	_ =	shalt  }
0x7b: {  	_ =	shalt  }
0x7c: {  	_ =	shalt  }
0x7d: {  	_ =	shalt  }
0x7e: {  	_ =	shalt  }
0x7f: {  	_ =	shalt  }
0x80: {  	_ =	shalt  }
0x81: {  	_ =	shalt  }
0x82: {  	_ =	shalt  }
0x83: {  	_ =	shalt  }
0x84: {  	_ =	shalt  }
0x85: {  	_ =	shalt  }
0x86: {  	_ =	shalt  }
0x87: {  	_ =	shalt  }
.Lfunc_end0:
.L_simem_size_0:
called_computation.1_lowered:
.L_overlay_start_0:
0x88: {  	s2 =	sld [smem:$0x3FD9]  }
0x89: {  	s3 =	sld [smem:$0x3FFE];
	_ =	sdelay $0x1  }
0x8a: {  	s1 =	srdreg.scid  }
0x8b: {  	s0 =	sand.u32 $0x1, s1  }
0x8c: {  	s16 =	sshll.u32 s0, $0xA;
	s2 =	sadd.s32 s3, s2  }
0x8d: {  	s2 =	sadd.s32 s2, s16  }
0x8e: {  	[smem:$0x3FBE] =	sst s2  }
0x8f: {  	_ = 	snop  }
0x90: {  	(tm) =	ssettm $0x1  }
0x91: {  	s17 =	sld [smem:$0x3FFB];
	_ =	sdelay $0x3  }
0x92: {  	_ =	strace s17  }
0x93: {  	s2 =	sld [smem:$0x3FFC];
	_ =	sdelay $0x3  }
0x94: {  	_ =	strace s2  }
0x95: {  	s2 =	sld [smem:$0x3FFD];
	_ =	sdelay $0x3  }
0x96: {  	_ =	strace s2  }
0x97: {  	_ =	strace $0x8FFFFFFF  }
0x98: {  	s18 =	sld [smem:$0x3FDB];
	_ =	sdelay $0x1  }
0x99: {  	s19 =	simm.s32 $_scs_section_size  }
0x9a: {  	s4 =	simm.s32 $_size__tile_overlayer_lowered;
	s5 =	simm.s32 $_tile_overlayer_lowered  }
0x9b: {  	s22 =	simm.s32 $0x1BFF;
	s21 =	sshll.u32 s5, $0x1;
	s2 =	sadd.s32 s19, s18  }
0x9c: {  	s6 =	simm.s32 $0x0;
	s20 =	sshll.u32 s4, $0x1;
	s4 =	sadd.s32 s21, s2  }
0x9d: {  	[timem:s6], [sflag:s22] =	dma.local [hbm:s4], s20  }
0x9e: {  	_ =	swait.ge [sflag:s22], s20  }
0x9f: {  	s3 =	ssub.s32 $0x0, s20;
	[sflag:s22] =	ssyncset.done $0x0  }
0xa0: {  	[sflag:s22] =	ssyncadd.s32 s3;
	_ =	sdelay $0x1  }
0xa1: {  	s23 =	simm.s32 $0x1B8B  }
0xa2: {  	_ =	swait.ge [sflag:s23], $0x1  }
0xa3: {  	[sflag:s23] =	ssyncset.done $0x0  }
0xa4: {  	s25 =	simm.s32 $0x1B8E;
	s24 =	sld [smem:$0x3FFE];
	[sflag:s23] =	ssyncadd.s32 $0xFFFFFFFF  }
0xa5: {  	s26 =	simm.s32 $execute0_lowered;
	[smem:$0x3FD2] =	sst s25  }
0xa6: {  	s4 =	sshll.u32 s26, $0x1;
	_ =	strace $0x80000049;
	[dreg:$0x1] =	wrdreg $0xFFFFFFFF  }
0xa7: {  	s28 =	simm.s32 $_size_execute0_lowered;
	s2 =	sadd.s32 s2, s4;
	[dreg:$0x0] =	wrdreg $0x0  }
0xa8: {  	s4 =	sshll.u32 s28, $0x1;
	[dreg:$0x2] =	wrdreg s2  }
0xa9: {  	[dreg:$0x3] =	wrdreg s4  }
0xaa: {  	[dreg:$0x4] =	wrdreg $0xC0  }
0xab: {  	_ =	task [dreg:s6], $0x5FFFF  }
0xac: {  	[dreg:$0x1] =	wrdreg $0xFFFFFFFF  }
0xad: {  	[dreg:$0x0] =	wrdreg $0x60  }
0xae: {  	[dreg:$0x2] =	wrdreg s24  }
0xaf: {  	[dreg:$0x3] =	wrdreg $0xA8000  }
0xb0: {  	[dreg:$0x4] =	wrdreg $0x9  }
0xb1: {  	_ =	task.clear_ibuf [dreg:s6], $0x5FFFF;
	_ =	strace $0x90000049  }
0xb2: {  	s29 =	simm.s32 $0x9;
	_ =	strace $0x8000004B  }
0xb3: {  	_ =	swait.ge [sflag:s29], $0x1  }
0xb4: {  	[sflag:s29] =	ssyncadd.s32 $0xFFFFFFFF  }
0xb5: {  	_ =	strace $0x9000004B  }
0xb6: {  	_ =	sfence  }
0xb7: {  	s30 =	sld [smem:$0x0];
	_ =	sdelay $0x2  }
0xb8: {  	s31 =	sshll.u32 s1, $0xD;
	s1 =	sshrl.u32 s1, $0x2  }
0xb9: {  	s3 =	sand.u32 $0x4000, s31;
	s1 =	sadd.s32 s1, s30  }
0xba: {  	s0 =	sor.u32 s3, s0;
	s1 =	sshll.u32 s1, $0x11  }
0xbb: {  	s0 =	sor.u32 s1, s0  }
0xbc: {  	s0 =	sadd.s32 $0x8F2B, s0  }
0xbd: {  	[sflag:s0] =	ssyncadd.remote.s32 $0x1  }
0xbe: {  	_ =	sfence.sel $0xFFFF  }
0xbf: {  	[dreg:$0x0] =	wrdreg $0xFFFFFFFF;
	(pc) =	sbr.abs _section_cstart, $3  }
0xc0: {  	[dreg:$0x1] =	wrdreg $0xFFFFFFFF  }
0xc1: {  	_ =	task.clear_ibuf [dreg:s6], $0x2FFFF;
	_ =	strace $0x9FFFFFFF  }
0xc2: {  	(tm) =	ssettm $0x7FFFFFFF  }
0xc3: {  	_ =	shalt  }
tec
execute0_lowered:
.L_overlay_start_1:
0x0: {  	(tag) =	ssettag $0x1  }
0x1: {  	s0 =	rddreg [dreg:$0x0]  }
0x2: {  	s2 =	rddreg [dreg:$0x1];
	s1 =	srdreg.scid  }
0x3: {  	s23 =	stileid.u32;
	s3 =	simm.s32 $0x0;
	s28 =	simm.s32 $0x2780  }
0x4: {  	s29 =	simm.s32 $0x4;
	s30 =	simm.s32 $0x0;
	s1 =	sand.u32 $0x1, s1  }
0x5: {  	s4 =	sshll.u32 s23, $0x2;
	[smem:$0x7FF] =	sst s3;
	s9 =	smul.u32 $0x4E000, s23  }
0x6: {  	s10 =	sadd.s32 $0x2200, s0;
	s16 =	smul.u32 $0x2700, s23;
	s13 =	sadd.s32 $0x138000, s2  }
0x7: {  	p0 =	sne.s32 s23, $0xF;
	s23 =	simm.s32 $0x6680;
	s5 =	sshll.u32 s1, $0x1  }
0x8: {  	_ =	strace $0x8000004A;
	s6 =	ssub.s32 $0x2, s1;
	s31 =	smul.u32 $0x138800, s1  }
0x9: {  	s1 =	smul.u32 $0x27100, s1;
	s5 =	sor.u32 s5, s4;
	s4 =	sadd.s32 $0x16200, s0  }
0xa: {  	s8 =	sshrl.u32 s6, $0x1;
	s0 =	sadd.s32 $0x3D400, s0;
	s7 =	smul.u32 $0x1400, s5  }
0xb: {  	s20 =	sshrl.u32 s9, $0x2;
	s6 =	ssub.s32 s6, s8;
	s18 =	smul.u32 $0x280, s5  }
0xc: {  	s5 =	sadd.s32 s20, s2;
	s1 =	sadd.s32 s16, s1;
	s20 =	simm.s32 $0x1400  }
0xd: {  	s24 =	sadd.s32 $0x3400, s5;
	s25 =	sadd.s32 $0x6800, s5;
	s26 =	sadd.s32 $0x9C00, s5  }
0xe: {  	s11 =	sadd.s32 $0xD000, s5;
	s12 =	sadd.s32 $0x10400, s5;
	[dreg:$0x5] =	wrdreg s24  }
0xf: {  	s16 =	sadd.s32 s0, s1;
	s19 =	sshrl.u32 s7, $0x3;
	[dreg:$0x6] =	wrdreg s25  }
0x10: {  	s21 =	sadd.s32 s10, s18;
	[dreg:$0x7] =	wrdreg s26;
	s7 =	sshrl.u32 s31, $0x3  }
0x11: {  	s18 =	smax.u32 s6, $0x1;
	s24 =	simm.s32 $0x80;
	s25 =	simm.s32 $0x3  }
0x12: {  	s26 =	simm.s32 $0x2;
	s15 =	sadd.s32 s10, s19;
	[dreg:$0x3] =	wrdreg s21  }
0x13: {  	s7 =	sadd.s32 s0, s7;
	s19 =	simm.s32 $0x5;
	s21 =	simm.s32 $0x7D  }
0x14: {  	s22 =	sadd.s32 $0xA000, s15;
	s14 =	sadd.s32 $0x280, s15;
	s15 =	sadd.s32 $0xA280, s15  }
0x15: {  	v0 =	vimm.f32 $0.0e+00;
	s17 =	sadd.s32 $0x27000, s7;
	[dreg:$0x4] =	wrdreg s22;
	s22 =	simm.s32 $0x2800  }
.LBB2_1:
0x16: {  	s0 =	rddreg [dreg:$0x3]  }
0x17: {  	[tilespmem:s3], [sflag:$0x5] =	stream.linear.gather [hbm4b:s0+s3], $0x1400, $0x38;
	[tilespmem:$0x1E080] =	vst v63  }
0x18: {  	_ =	swait.ge [sflag:s19], $0x1400  }
0x19: {  	[sflag:s19] =	ssyncset.done $0x0  }
0x1a: {  	s31 =	rddreg [dreg:$0x4];
	[sflag:s19] =	ssyncadd.s32 $0xFFFFEC00  }
0x1b: {  	[tilespmem:s20], [sflag:$0x5] =	stream.linear.gather [hbm4b:s31+s3], $0x1400, $0x38;
	[tilespmem:$0x1E080] =	vst v63  }
0x1c: {  	_ =	swait.ge [sflag:s19], $0x1400  }
0x1d: {  	[sflag:s19] =	ssyncset.done $0x0  }
0x1e: {  	s1 =	simm.s32 $0x200;
	s0 =	simm.s32 $0x0;
	[sflag:s19] =	ssyncadd.s32 $0xFFFFEC00  }
0x1f: {  	[tilespmem:s22], [sflag:$0x1] =	stream.indirect.gather [hbm4b:s4+s21], $0x80, s3, s21, $0xb8;
	[tilespmem:$0x1E080] =	vst v63  }
.LBB2_2:
0x20: {  	p1 =	sne.s32 s1, $0xCE00;
	[tilespmem:s0+$0x66F0] =	vst v0  }
0x21: {  	[tilespmem:s0+$0x6680] =	vst v0  }
0x22: {  	[tilespmem:s0+$0x6690] =	vst v0  }
.Ltmp0:
0x23: {  	[tilespmem:s0+$0x66A0] =	vst v0;
	(pc) =	sbr.rel @p1 .LBB2_2-.Ltmp0, $4  }
0x24: {  	[tilespmem:s0+$0x66B0] =	vst v0  }
0x25: {  	[tilespmem:s0+$0x66C0] =	vst v0  }
0x26: {  	[tilespmem:s0+$0x66D0] =	vst v0  }
0x27: {  	[tilespmem:s0+$0x66E0] =	vst v0;
	s0 =	sshra.s32 s1, $0x2;
	s1 =	sadd.s32 $0x200, s1  }
0x28: {  	[tilespmem:s0+$0x66F0] =	vst v0  }
0x29: {  	[tilespmem:s0+$0x6680] =	vst v0  }
0x2a: {  	[tilespmem:s0+$0x6690] =	vst v0  }
0x2b: {  	[tilespmem:s0+$0x66A0] =	vst v0  }
0x2c: {  	[tilespmem:s0+$0x66B0] =	vst v0  }
0x2d: {  	[tilespmem:s0+$0x66C0] =	vst v0  }
0x2e: {  	[tilespmem:s0+$0x66D0] =	vst v0  }
0x2f: {  	[tilespmem:s0+$0x66E0] =	vst v0  }
0x30: {  	[spmem:s5] =	stream.linear.scatter [tilespmem:s23], [sflag:$0x5], $0x3400, $0x38;
	[tilespmem:$0x1E080] =	vst v63  }
0x31: {  	_ =	swait.ge [sflag:s19], $0x3400  }
0x32: {  	[sflag:s19] =	ssyncset.done $0x0  }
0x33: {  	s6 =	rddreg [dreg:$0x5];
	[sflag:s19] =	ssyncadd.s32 $0xFFFFCC00  }
0x34: {  	[spmem:s6] =	stream.linear.scatter [tilespmem:s23], [sflag:$0x5], $0x3400, $0x38;
	[tilespmem:$0x1E080] =	vst v63  }
0x35: {  	_ =	swait.ge [sflag:s19], $0x3400  }
0x36: {  	[sflag:s19] =	ssyncset.done $0x0  }
0x37: {  	s7 =	rddreg [dreg:$0x6];
	[sflag:s19] =	ssyncadd.s32 $0xFFFFCC00  }
0x38: {  	[spmem:s7] =	stream.linear.scatter [tilespmem:s23], [sflag:$0x5], $0x3400, $0x38;
	[tilespmem:$0x1E080] =	vst v63  }
0x39: {  	_ =	swait.ge [sflag:s19], $0x3400  }
0x3a: {  	[sflag:s19] =	ssyncset.done $0x0  }
0x3b: {  	s8 =	rddreg [dreg:$0x7];
	[sflag:s19] =	ssyncadd.s32 $0xFFFFCC00  }
0x3c: {  	[spmem:s8] =	stream.linear.scatter [tilespmem:s23], [sflag:$0x5], $0x3400, $0x38;
	[tilespmem:$0x1E080] =	vst v63  }
0x3d: {  	_ =	swait.ge [sflag:s19], $0x3400  }
0x3e: {  	[sflag:s19] =	ssyncset.done $0x0  }
0x3f: {  	[sflag:s19] =	ssyncadd.s32 $0xFFFFCC00  }
0x40: {  	[spmem:s11] =	stream.linear.scatter [tilespmem:s23], [sflag:$0x5], $0x3400, $0x38;
	[tilespmem:$0x1E080] =	vst v63  }
0x41: {  	_ =	swait.ge [sflag:s19], $0x3400  }
0x42: {  	[sflag:s19] =	ssyncset.done $0x0  }
0x43: {  	[sflag:s19] =	ssyncadd.s32 $0xFFFFCC00  }
0x44: {  	[spmem:s12] =	stream.linear.scatter [tilespmem:s23], [sflag:$0x5], $0x3400, $0x38;
	[tilespmem:$0x1E080] =	vst v63  }
0x45: {  	_ =	swait.ge [sflag:s19], $0x3400  }
0x46: {  	[sflag:s19] =	ssyncset.done $0x0  }
0x47: {  	s0 =	simm.s32 @!p0 $0x6680;
	[sflag:s19] =	ssyncadd.s32 $0xFFFFCC00  }
0x48: {  	[spmem:s13] =	stream.linear.scatter @!p0 [tilespmem:s0], [sflag:$0x5], $0x800, $0x38;
	[tilespmem:$0x1E080] =	vst v63  }
0x49: {  	s0 =	simm.s32 @!p0 $0x5  }
0x4a: {  	_ =	swait.ge @!p0 [sflag:s0], $0x800  }
0x4b: {  	[sflag:s0] =	ssyncset.done @!p0 $0x0  }
0x4c: {  	[sflag:s0] =	ssyncadd.s32 @!p0 $0xFFFFF800  }
0x4d: {  	s9 =	simm.s32 $0x1;
	[bflag:$0x0] =	sbarrier.arrive $0xFFFF  }
0x4e: {  	[tilespmem:s23], [sflag:$0x2] =	stream.indirect.gather [hbm4b:s4+s21], $0x80, s24, s21, $0xb8;
	[tilespmem:$0x1E080] =	vst v63  }
0x4f: {  	s0 =	sand.u32 $0x1, s9;
	_ =	swait.ge [sflag:s9], $0x3E80  }
0x50: {  	p1 =	seq.s32 s0, $0x1;
	[sflag:s9] =	ssyncset.done $0x0  }
0x51: {  	s0 =	simm.s32 @p1 $0x3;
	[sflag:s9] =	ssyncadd.s32 $0xFFFFC180  }
0x52: {  	[spmem:s2] =	stream.indirect.scatter.add.f32 [tilespmem:s22], [sflag:$0x3], $0x80, s20, s21, $0xb8;
	[tilespmem:$0x1E080] =	vst v63  }
0x53: {  	_ =	swait.ge @p1 [sflag:s0], $0x3E80  }
0x54: {  	s1 =	simm.s32 @p1 $0x2800;
	s6 =	simm.s32 @p1 $0x2;
	[sflag:s0] =	ssyncset.done @p1 $0x0  }
0x55: {  	s7 =	simm.s32 @p1 $0x7D;
	[sflag:s0] =	ssyncadd.s32 @p1 $0xFFFFC180;
	s0 =	simm.s32 @p1 $0x100  }
0x56: {  	[tilespmem:s1], [sflag:$0x1] =	stream.indirect.gather @p1 [hbm4b:s4+s7], $0x80, s0, s7, $0xb8;
	[tilespmem:$0x1E080] =	vst v63  }
0x57: {  	_ =	swait.ge @p1 [sflag:s6], $0x3E80;
	p1 =	por p1, p1  }
0x58: {  	s31 =	simm.s32 $0x2;
	s0 =	simm.s32 $0x1480;
	[sflag:s6] =	ssyncset.done @p1 $0x0  }
0x59: {  	s1 =	simm.s32 @p1 $0x6680;
	s8 =	simm.s32 @!p1 $0x4;
	[sflag:s6] =	ssyncadd.s32 @p1 $0xFFFFC180  }
0x5a: {  	[spmem:s2] =	stream.indirect.scatter.add.f32 @p1 [tilespmem:s1], [sflag:$0x4], $0x80, s0, s7, $0xb8;
	[tilespmem:$0x1E080] =	vst v63  }
0x5b: {  	s10 =	sand.u32 $0x1, s31;
	_ =	swait.ge @!p1 [sflag:s8], $0x3E80  }
0x5c: {  	s9 =	simm.s32 @!p1 $0x6680;
	s6 =	simm.s32 @!p1 $0x1;
	[sflag:s8] =	ssyncset.done @!p1 $0x0  }
0x5d: {  	s7 =	simm.s32 @!p1 $0x7D;
	[sflag:s8] =	ssyncadd.s32 @!p1 $0xFFFFC180;
	s8 =	simm.s32 @!p1 $0x100  }
0x5e: {  	[tilespmem:s9], [sflag:$0x2] =	stream.indirect.gather @!p1 [hbm4b:s4+s7], $0x80, s8, s7, $0xb8;
	[tilespmem:$0x1E080] =	vst v63  }
0x5f: {  	s31 =	simm.s32 $0x1500;
	p2 =	seq.s32 s10, $0x1;
	_ =	swait.ge @!p1 [sflag:s6], $0x3E80  }
0x60: {  	s1 =	simm.s32 $0x3;
	s8 =	simm.s32 @!p1 $0x2800;
	[sflag:s6] =	ssyncset.done @!p1 $0x0  }
.LBB2_4:
0x61: {  	s9 =	simm.s32 @p2 $0x3  }
0x62: {  	[sflag:s6] =	ssyncadd.s32 @!p1 $0xFFFFC180;
	s10 =	smov.u32 s1;
	s1 =	sadd.s32 $0x1, s1  }
0x63: {  	[spmem:s2] =	stream.indirect.scatter.add.f32 @!p1 [tilespmem:s8], [sflag:$0x3], $0x80, s0, s7, $0xb8;
	[tilespmem:$0x1E080] =	vst v63  }
0x64: {  	p3 =	sne.s32 s1, $0x27;
	s0 =	smov.u32 s31;
	_ =	swait.ge @p2 [sflag:s9], $0x3E80  }
0x65: {  	s6 =	simm.s32 @p2 $0x2800;
	s7 =	simm.s32 @p2 $0x2;
	[sflag:s9] =	ssyncset.done @p2 $0x0  }
0x66: {  	s8 =	sadd.s32 @p2 $0xFFFFEC80, s31;
	[sflag:s9] =	ssyncadd.s32 @p2 $0xFFFFC180;
	s9 =	simm.s32 @p2 $0x7D  }
0x67: {  	[tilespmem:s6], [sflag:$0x1] =	stream.indirect.gather @p2 [hbm4b:s4+s9], $0x80, s8, s9, $0xb8;
	[tilespmem:$0x1E080] =	vst v63  }
0x68: {  	p1 =	por p2, p2;
	_ =	swait.ge @p2 [sflag:s7], $0x3E80  }
0x69: {  	[sflag:s7] =	ssyncset.done @p1 $0x0  }
0x6a: {  	s6 =	simm.s32 @p1 $0x6680;
	[sflag:s7] =	ssyncadd.s32 @p1 $0xFFFFC180;
	s7 =	simm.s32 @!p1 $0x4  }
0x6b: {  	[spmem:s2] =	stream.indirect.scatter.add.f32 @p1 [tilespmem:s6], [sflag:$0x4], $0x80, s31, s9, $0xb8;
	[tilespmem:$0x1E080] =	vst v63  }
0x6c: {  	s6 =	simm.s32 @!p1 $0x1;
	_ =	swait.ge @!p1 [sflag:s7], $0x3E80  }
.Ltmp1:
0x6d: {  	s8 =	simm.s32 @!p1 $0x6680;
	[sflag:s7] =	ssyncset.done @!p1 $0x0;
	(pc) =	sbr.rel @p3 .LBB2_4-.Ltmp1, $4  }
0x6e: {  	s9 =	sadd.s32 @!p1 $0xFFFFEC80, s31;
	[sflag:s7] =	ssyncadd.s32 @!p1 $0xFFFFC180;
	s7 =	simm.s32 @!p1 $0x7D  }
0x6f: {  	[tilespmem:s8], [sflag:$0x2] =	stream.indirect.gather @!p1 [hbm4b:s4+s7], $0x80, s9, s7, $0xb8;
	[tilespmem:$0x1E080] =	vst v63  }
0x70: {  	s31 =	sadd.s32 $0x80, s31;
	s8 =	sand.u32 $0x1, s10;
	_ =	swait.ge @!p1 [sflag:s6], $0x3E80  }
0x71: {  	p2 =	seq.s32 s8, $0x1;
	s8 =	simm.s32 @!p1 $0x2800;
	[sflag:s6] =	ssyncset.done @!p1 $0x0  }
0x72: {  	s1 =	simm.s32 @p2 $0x3;
	[sflag:s6] =	ssyncadd.s32 @!p1 $0xFFFFC180  }
0x73: {  	[spmem:s2] =	stream.indirect.scatter.add.f32 @!p1 [tilespmem:s8], [sflag:$0x3], $0x80, s0, s7, $0xb8;
	[tilespmem:$0x1E080] =	vst v63  }
0x74: {  	_ =	swait.ge @p2 [sflag:s1], $0x3E80  }
0x75: {  	s6 =	simm.s32 @p2 $0x2;
	s0 =	simm.s32 @p2 $0x2800;
	[sflag:s1] =	ssyncset.done @p2 $0x0  }
0x76: {  	s7 =	simm.s32 @p2 $0x7D;
	[sflag:s1] =	ssyncadd.s32 @p2 $0xFFFFC180;
	s1 =	sadd.s32 @p2 $0xFFFFEC80, s31  }
0x77: {  	[tilespmem:s0], [sflag:$0x1] =	stream.indirect.gather @p2 [hbm4b:s4+s7], $0x80, s1, s7, $0xb8;
	[tilespmem:$0x1E080] =	vst v63  }
0x78: {  	p1 =	por p2, p2;
	_ =	swait.ge @p2 [sflag:s6], $0x3E80  }
0x79: {  	[sflag:s6] =	ssyncset.done @p1 $0x0  }
0x7a: {  	s0 =	simm.s32 @p1 $0x6680;
	s1 =	simm.s32 @!p1 $0x4;
	[sflag:s6] =	ssyncadd.s32 @p1 $0xFFFFC180  }
0x7b: {  	[spmem:s2] =	stream.indirect.scatter.add.f32 @p1 [tilespmem:s0], [sflag:$0x4], $0x80, s31, s7, $0xb8;
	[tilespmem:$0x1E080] =	vst v63  }
0x7c: {  	_ =	swait.ge @!p1 [sflag:s1], $0x3E80  }
0x7d: {  	s6 =	simm.s32 @!p1 $0x6680;
	s0 =	simm.s32 @!p1 $0x1;
	[sflag:s1] =	ssyncset.done @!p1 $0x0  }
0x7e: {  	s7 =	simm.s32 @!p1 $0x7D;
	[sflag:s1] =	ssyncadd.s32 @!p1 $0xFFFFC180;
	s1 =	sadd.s32 @!p1 $0xFFFFEC80, s31  }
0x7f: {  	[tilespmem:s6], [sflag:$0x2] =	stream.indirect.gather @!p1 [hbm4b:s4+s7], $0x80, s1, s7, $0xb8;
	[tilespmem:$0x1E080] =	vst v63  }
0x80: {  	_ =	swait.ge @!p1 [sflag:s0], $0x3E80  }
0x81: {  	[sflag:s0] =	ssyncset.done @!p1 $0x0  }
0x82: {  	s1 =	simm.s32 @!p1 $0x2800;
	[sflag:s0] =	ssyncadd.s32 @!p1 $0xFFFFC180  }
0x83: {  	[spmem:s2] =	stream.indirect.scatter.add.f32 @!p1 [tilespmem:s1], [sflag:$0x3], $0x80, s31, s7, $0xb8;
	[tilespmem:$0x1E080] =	vst v63  }
0x84: {  	_ =	swait.ge [sflag:s25], $0x3E80  }
0x85: {  	[sflag:s25] =	ssyncset.done $0x0  }
0x86: {  	[sflag:s25] =	ssyncadd.s32 $0xFFFFC180  }
0x87: {  	_ =	swait.ge [sflag:s26], $0x3E80  }
0x88: {  	[sflag:s26] =	ssyncset.done $0x0  }
0x89: {  	[sflag:s26] =	ssyncadd.s32 $0xFFFFC180  }
0x8a: {  	[spmem:s2] =	stream.indirect.scatter.add.f32 [tilespmem:s23], [sflag:$0x4], $0x80, s28, s21, $0xb8;
	[tilespmem:$0x1E080] =	vst v63  }
0x8b: {  	_ =	swait.ge [sflag:s29], $0x3E80  }
0x8c: {  	[sflag:s29] =	ssyncset.done $0x0  }
0x8d: {  	[sflag:s29] =	ssyncadd.s32 $0xFFFFC180  }
0x8e: {  	[tilespmem:s3], [sflag:$0x5] =	stream.linear.gather [hbm4b:s14+s3], $0x1400, $0x38;
	[tilespmem:$0x1E080] =	vst v63  }
0x8f: {  	_ =	swait.ge [sflag:s19], $0x1400  }
0x90: {  	[sflag:s19] =	ssyncset.done $0x0  }
0x91: {  	[sflag:s19] =	ssyncadd.s32 $0xFFFFEC00  }
0x92: {  	[tilespmem:s20], [sflag:$0x5] =	stream.linear.gather [hbm4b:s15+s3], $0x1400, $0x38;
	[tilespmem:$0x1E080] =	vst v63  }
0x93: {  	_ =	swait.ge [sflag:s19], $0x1400  }
0x94: {  	[sflag:s19] =	ssyncset.done $0x0  }
0x95: {  	[sflag:s19] =	ssyncadd.s32 $0xFFFFEC00  }
0x96: {  	[tilespmem:s22], [sflag:$0x1] =	stream.indirect.gather [hbm4b:s4+s21], $0x80, s3, s21, $0xb8;
	[tilespmem:$0x1E080] =	vst v63  }
0x97: {  	s9 =	simm.s32 $0x1  }
0x98: {  	[tilespmem:s23], [sflag:$0x2] =	stream.indirect.gather [hbm4b:s4+s21], $0x80, s24, s21, $0xb8;
	[tilespmem:$0x1E080] =	vst v63  }
0x99: {  	s0 =	sand.u32 $0x1, s9;
	_ =	swait.ge [sflag:s9], $0x3E80  }
0x9a: {  	p1 =	seq.s32 s0, $0x1;
	[sflag:s9] =	ssyncset.done $0x0  }
0x9b: {  	s0 =	simm.s32 @p1 $0x3;
	[sflag:s9] =	ssyncadd.s32 $0xFFFFC180  }
0x9c: {  	[spmem:s2] =	stream.indirect.scatter.add.f32 [tilespmem:s22], [sflag:$0x3], $0x80, s20, s21, $0xb8;
	[tilespmem:$0x1E080] =	vst v63  }
0x9d: {  	_ =	swait.ge @p1 [sflag:s0], $0x3E80  }
0x9e: {  	s1 =	simm.s32 @p1 $0x2800;
	s6 =	simm.s32 @p1 $0x2;
	[sflag:s0] =	ssyncset.done @p1 $0x0  }
0x9f: {  	s7 =	simm.s32 @p1 $0x7D;
	[sflag:s0] =	ssyncadd.s32 @p1 $0xFFFFC180;
	s0 =	simm.s32 @p1 $0x100  }
0xa0: {  	[tilespmem:s1], [sflag:$0x1] =	stream.indirect.gather @p1 [hbm4b:s4+s7], $0x80, s0, s7, $0xb8;
	[tilespmem:$0x1E080] =	vst v63  }
0xa1: {  	_ =	swait.ge @p1 [sflag:s6], $0x3E80;
	p1 =	por p1, p1  }
0xa2: {  	s0 =	simm.s32 $0x1480;
	[sflag:s6] =	ssyncset.done @p1 $0x0  }
0xa3: {  	s1 =	simm.s32 @p1 $0x6680;
	s8 =	simm.s32 @!p1 $0x4;
	[sflag:s6] =	ssyncadd.s32 @p1 $0xFFFFC180  }
0xa4: {  	[spmem:s2] =	stream.indirect.scatter.add.f32 @p1 [tilespmem:s1], [sflag:$0x4], $0x80, s0, s7, $0xb8;
	[tilespmem:$0x1E080] =	vst v63  }
0xa5: {  	s31 =	simm.s32 $0x1500;
	s9 =	simm.s32 $0x2;
	_ =	swait.ge @!p1 [sflag:s8], $0x3E80  }
0xa6: {  	s10 =	simm.s32 @!p1 $0x6680;
	s6 =	simm.s32 @!p1 $0x1;
	[sflag:s8] =	ssyncset.done @!p1 $0x0  }
0xa7: {  	s7 =	simm.s32 @!p1 $0x7D;
	[sflag:s8] =	ssyncadd.s32 @!p1 $0xFFFFC180;
	s8 =	simm.s32 @!p1 $0x100  }
0xa8: {  	[tilespmem:s10], [sflag:$0x2] =	stream.indirect.gather @!p1 [hbm4b:s4+s7], $0x80, s8, s7, $0xb8;
	[tilespmem:$0x1E080] =	vst v63  }
0xa9: {  	s1 =	simm.s32 $0x3;
	s10 =	sand.u32 $0x1, s9;
	_ =	swait.ge @!p1 [sflag:s6], $0x3E80  }
0xaa: {  	s8 =	simm.s32 @!p1 $0x2800;
	p2 =	seq.s32 s10, $0x1;
	[sflag:s6] =	ssyncset.done @!p1 $0x0  }
.LBB2_6:
0xab: {  	s9 =	simm.s32 @p2 $0x3  }
0xac: {  	[sflag:s6] =	ssyncadd.s32 @!p1 $0xFFFFC180;
	s10 =	smov.u32 s1;
	s1 =	sadd.s32 $0x1, s1  }
0xad: {  	[spmem:s2] =	stream.indirect.scatter.add.f32 @!p1 [tilespmem:s8], [sflag:$0x3], $0x80, s0, s7, $0xb8;
	[tilespmem:$0x1E080] =	vst v63  }
0xae: {  	p3 =	sne.s32 s1, $0x27;
	s0 =	smov.u32 s31;
	_ =	swait.ge @p2 [sflag:s9], $0x3E80  }
0xaf: {  	s6 =	simm.s32 @p2 $0x2800;
	s7 =	simm.s32 @p2 $0x2;
	[sflag:s9] =	ssyncset.done @p2 $0x0  }
0xb0: {  	s8 =	sadd.s32 @p2 $0xFFFFEC80, s31;
	[sflag:s9] =	ssyncadd.s32 @p2 $0xFFFFC180;
	s9 =	simm.s32 @p2 $0x7D  }
0xb1: {  	[tilespmem:s6], [sflag:$0x1] =	stream.indirect.gather @p2 [hbm4b:s4+s9], $0x80, s8, s9, $0xb8;
	[tilespmem:$0x1E080] =	vst v63  }
0xb2: {  	p1 =	por p2, p2;
	_ =	swait.ge @p2 [sflag:s7], $0x3E80  }
0xb3: {  	[sflag:s7] =	ssyncset.done @p1 $0x0  }
0xb4: {  	s6 =	simm.s32 @p1 $0x6680;
	[sflag:s7] =	ssyncadd.s32 @p1 $0xFFFFC180;
	s7 =	simm.s32 @!p1 $0x4  }
0xb5: {  	[spmem:s2] =	stream.indirect.scatter.add.f32 @p1 [tilespmem:s6], [sflag:$0x4], $0x80, s31, s9, $0xb8;
	[tilespmem:$0x1E080] =	vst v63  }
0xb6: {  	s6 =	simm.s32 @!p1 $0x1;
	_ =	swait.ge @!p1 [sflag:s7], $0x3E80  }
.Ltmp2:
0xb7: {  	s8 =	simm.s32 @!p1 $0x6680;
	[sflag:s7] =	ssyncset.done @!p1 $0x0;
	(pc) =	sbr.rel @p3 .LBB2_6-.Ltmp2, $4  }
0xb8: {  	s9 =	sadd.s32 @!p1 $0xFFFFEC80, s31;
	[sflag:s7] =	ssyncadd.s32 @!p1 $0xFFFFC180;
	s7 =	simm.s32 @!p1 $0x7D  }
0xb9: {  	[tilespmem:s8], [sflag:$0x2] =	stream.indirect.gather @!p1 [hbm4b:s4+s7], $0x80, s9, s7, $0xb8;
	[tilespmem:$0x1E080] =	vst v63  }
0xba: {  	s31 =	sadd.s32 $0x80, s31;
	s8 =	sand.u32 $0x1, s10;
	_ =	swait.ge @!p1 [sflag:s6], $0x3E80  }
0xbb: {  	p2 =	seq.s32 s8, $0x1;
	s8 =	simm.s32 @!p1 $0x2800;
	[sflag:s6] =	ssyncset.done @!p1 $0x0  }
0xbc: {  	s1 =	simm.s32 @p2 $0x3;
	[sflag:s6] =	ssyncadd.s32 @!p1 $0xFFFFC180  }
0xbd: {  	[spmem:s2] =	stream.indirect.scatter.add.f32 @!p1 [tilespmem:s8], [sflag:$0x3], $0x80, s0, s7, $0xb8;
	[tilespmem:$0x1E080] =	vst v63  }
0xbe: {  	_ =	swait.ge @p2 [sflag:s1], $0x3E80  }
0xbf: {  	s6 =	simm.s32 @p2 $0x2;
	s0 =	simm.s32 @p2 $0x2800;
	[sflag:s1] =	ssyncset.done @p2 $0x0  }
0xc0: {  	s7 =	simm.s32 @p2 $0x7D;
	[sflag:s1] =	ssyncadd.s32 @p2 $0xFFFFC180;
	s1 =	sadd.s32 @p2 $0xFFFFEC80, s31  }
0xc1: {  	[tilespmem:s0], [sflag:$0x1] =	stream.indirect.gather @p2 [hbm4b:s4+s7], $0x80, s1, s7, $0xb8;
	[tilespmem:$0x1E080] =	vst v63  }
0xc2: {  	p1 =	por p2, p2;
	_ =	swait.ge @p2 [sflag:s6], $0x3E80  }
0xc3: {  	[sflag:s6] =	ssyncset.done @p1 $0x0  }
0xc4: {  	s0 =	simm.s32 @p1 $0x6680;
	s1 =	simm.s32 @!p1 $0x4;
	[sflag:s6] =	ssyncadd.s32 @p1 $0xFFFFC180  }
0xc5: {  	[spmem:s2] =	stream.indirect.scatter.add.f32 @p1 [tilespmem:s0], [sflag:$0x4], $0x80, s31, s7, $0xb8;
	[tilespmem:$0x1E080] =	vst v63  }
0xc6: {  	_ =	swait.ge @!p1 [sflag:s1], $0x3E80  }
0xc7: {  	s6 =	simm.s32 @!p1 $0x6680;
	s0 =	simm.s32 @!p1 $0x1;
	[sflag:s1] =	ssyncset.done @!p1 $0x0  }
0xc8: {  	s7 =	simm.s32 @!p1 $0x7D;
	[sflag:s1] =	ssyncadd.s32 @!p1 $0xFFFFC180;
	s1 =	sadd.s32 @!p1 $0xFFFFEC80, s31  }
0xc9: {  	[tilespmem:s6], [sflag:$0x2] =	stream.indirect.gather @!p1 [hbm4b:s4+s7], $0x80, s1, s7, $0xb8;
	[tilespmem:$0x1E080] =	vst v63  }
0xca: {  	_ =	swait.ge @!p1 [sflag:s0], $0x3E80  }
0xcb: {  	[sflag:s0] =	ssyncset.done @!p1 $0x0  }
0xcc: {  	s1 =	simm.s32 @!p1 $0x2800;
	[sflag:s0] =	ssyncadd.s32 @!p1 $0xFFFFC180  }
0xcd: {  	[spmem:s2] =	stream.indirect.scatter.add.f32 @!p1 [tilespmem:s1], [sflag:$0x3], $0x80, s31, s7, $0xb8;
	[tilespmem:$0x1E080] =	vst v63  }
0xce: {  	_ =	swait.ge [sflag:s25], $0x3E80  }
0xcf: {  	[sflag:s25] =	ssyncset.done $0x0  }
0xd0: {  	[sflag:s25] =	ssyncadd.s32 $0xFFFFC180  }
0xd1: {  	_ =	swait.ge [sflag:s26], $0x3E80  }
0xd2: {  	[sflag:s26] =	ssyncset.done $0x0  }
0xd3: {  	[sflag:s26] =	ssyncadd.s32 $0xFFFFC180  }
0xd4: {  	[spmem:s2] =	stream.indirect.scatter.add.f32 [tilespmem:s23], [sflag:$0x4], $0x80, s28, s21, $0xb8;
	[tilespmem:$0x1E080] =	vst v63  }
0xd5: {  	_ =	swait.ge [sflag:s29], $0x3E80  }
0xd6: {  	s10 =	stileid.u32;
	[sflag:s29] =	ssyncset.done $0x0  }
0xd7: {  	s0 =	sshll.u32 s10, $0x6;
	[sflag:s29] =	ssyncadd.s32 $0xFFFFC180  }
0xd8: {  	s0 =	sor.u32 $0x1C05, s0;
	s31 =	sshrl.u32 s5, $0x3;
	[bflag:$0x0] =	sbarrier.arrive $0xFFFF  }
0xd9: {  	[hbm:s16], [sflag:s0] =	dma.local [spmem:s31], $0x2700  }
0xda: {  	_ =	swait.ge [sflag:s19], $0x2700  }
0xdb: {  	s30 =	sadd.s32 $0x1, s30;
	[sflag:s19] =	ssyncset.done $0x0  }
0xdc: {  	s1 =	sshrl.u32 @!p0 s13, $0x3;
	p1 =	sne.s32 s30, s18;
	[sflag:s19] =	ssyncadd.s32 $0xFFFFD900  }
0xdd: {  	[hbm:s17], [sflag:s0] =	dma.local @!p0 [spmem:s1], $0x100  }
.Ltmp3:
0xde: {  	_ = 	snop;
	(pc) =	sbr.rel @p1 .LBB2_1-.Ltmp3, $4  }
0xdf: {  	s0 =	simm.s32 @!p0 $0x5  }
0xe0: {  	_ =	swait.ge @!p0 [sflag:s0], $0x100  }
0xe1: {  	[sflag:s0] =	ssyncset.done @!p0 $0x0  }
0xe2: {  	[sflag:s0] =	ssyncadd.s32 @!p0 $0xFFFFFF00  }
0xe3: {  	_ =	sfence.sel $0x180000  }
0xe4: {  	[bflag:$0x0] =	sbarrier.arrive $0xFFFF  }
0xe5: {  	_ =	strace $0x9000004A  }
0xe6: {  	s0 =	stileid.u32;
	[bflag:$0x2] =	sbarrier.arrive $0xFFFF  }
0xe7: {  	p0 =	sne.s32 s0, $0x0;
	s0 =	rddreg [dreg:$0x2]  }
0xe8: {  	s0 =	sadd.s32 @!p0 $0x100000, s0  }
0xe9: {  	[sflag:s0] =	ssyncadd.tile.s32 @!p0 $0x1;
	_ =	shalt  }
.Lfunc_end2:
_tile_overlayer_lowered:
.L_overlay_start_2:
0xea: {  	(tag) =	ssettag $0x2  }
0xeb: {  	s0 =	rddreg [dreg:$0x0];
	s2 =	stileid.u32  }
0xec: {  	s1 =	rddreg [dreg:$0x1];
	p0 =	sne.s32 s2, $0x0  }
0xed: {  	s3 =	rddreg [dreg:$0x2];
	[bflag:$0x3] =	sbarrier.arrive $0xFFFF;
	s2 =	simm.s32 @!p0 $0x1C05  }
0xee: {  	[timem:s3], [sflag:s2] =	dma.local @!p0 [hbm:s0], s1  }
0xef: {  	s0 =	simm.s32 @!p0 $0x5  }
0xf0: {  	_ =	swait.ge @!p0 [sflag:s0], s1  }
0xf1: {  	s1 =	ssub.s32 @!p0 $0x0, s1;
	[sflag:s0] =	ssyncset.done @!p0 $0x0  }
0xf2: {  	[sflag:s0] =	ssyncadd.s32 @!p0 s1  }
0xf3: {  	[bflag:$0x3] =	sbarrier.arrive $0xFFFF  }
0xf4: {  	_ =	shalt  }

// kernel: kernel.9.cloned.1.call-start
scs
__scs_entry_jumppad:
0x0: {  	(pc) =	sbr.rel $0x88, $3  }
0x1: {  	(tag) =	ssettag $0x0;
	lr =	simm.s32 $0x1  }
0x2: {  	[smem:$0x3F97] =	sst lr;
	_ =	strace $0xD0000000  }
0x3: {  	_ = 	snop  }
0x4: {  	_ = 	snop  }
0x5: {  	_ = 	snop  }
0x6: {  	_ = 	snop  }
0x7: {  	_ = 	snop  }
__scs_overlays_trampoline_lowered:
0x8: {  	[smem:$0x3FA6] =	sst s0  }
0x9: {  	[smem:$0x3FA7] =	sst s1  }
0xa: {  	[smem:$0x3FA8] =	sst s2  }
0xb: {  	[smem:$0x3FA9] =	sst s3  }
0xc: {  	[smem:$0x3FAA] =	sst s4  }
0xd: {  	[smem:$0x3FAB] =	sst s5  }
0xe: {  	[smem:$0x3FAC] =	sst s6  }
0xf: {  	[smem:$0x3FAD] =	sst s7  }
0x10: {  	[smem:$0x3FAE] =	sst s8  }
0x11: {  	[smem:$0x3FAF] =	sst s9;
	s0 =	simm.s32 @!p0 $0x0  }
0x12: {  	s1 =	sld [smem:$0x3F95];
	s0 =	simm.s32 @p0 $0x1  }
0x13: {  	[smem:$0x3FB0] =	sst s0;
	s0 =	simm.s32 @!p1 $0x0  }
0x14: {  	s2 =	sld [smem:$0x3F94];
	s0 =	simm.s32 @p1 $0x1  }
0x15: {  	[smem:$0x3FB1] =	sst s0;
	s0 =	simm.s32 @!p2 $0x0  }
0x16: {  	s3 =	sld [smem:$0x3FDB];
	s0 =	simm.s32 @p2 $0x1  }
0x17: {  	s4 =	simm.s32 $0x1BF5;
	[smem:$0x3FB3] =	sst s0  }
0x18: {  	s0 =	sld [smem:$0x3F96];
	_ =	swait.ge [sflag:s4], $0x0  }
0x19: {  	s7 =	sld [smem:$0x3F97]  }
0x1a: {  	s8 =	sadd.s32 $0xFFFFE003, lr  }
0x1b: {  	s9 =	sadd.s32 $0xFFFFFEF7, lr;
	s5 =	simm.s32 $0xFFFFFFFF;
	p2 =	slt.u32 s8, $0xFFFFF086  }
0x1c: {  	p1 =	slt.u32 s9, $0xF7A;
	s5 =	simm.s32 @!p2 $0x0  }
0x1d: {  	s5 =	simm.s32 @p1 $0x1;
	p0 =	seq.s32 s7, s2  }
0x1e: {  	s7 =	smul.u32 @!p0 $0xF7A, s2;
	p2 =	seq.s32 @!p0 s5, $0x0  }
0x1f: {  	s9 =	smul.u32 $0xF7A, s1;
	s8 =	simm.s32 @!p0 $0x1BF5;
	p2 =	por !p2, p0  }
0x20: {  	[sflag:s8] =	ssyncset.s32 @!p0 $0xFFFFF086;
	s6 =	sadd.s32 @!p0 s3, s7;
	s7 =	simm.s32 @!p0 $0x108  }
0x21: {  	s3 =	sadd.s32 s3, s9;
	s6 =	sadd.s32 @!p0 $0x88, s6;
	s7 =	simm.s32 @p2 $0x1082  }
0x22: {  	[simem:s7], [sflag:s8] =	dma.local @!p0 [hbm:s6], $0xF7A  }
0x23: {  	s9 =	sor.u32 $0xD0000000, s2;
	s6 =	simm.s32 $0x108;
	_ =	swait.ge @!p0 [sflag:s8], $0x0  }
0x24: {  	s3 =	sadd.s32 $0x88, s3;
	s6 =	simm.s32 @!p1 $0x1082;
	[sflag:s4] =	ssyncset.s32 $0xFFFFF086  }
0x25: {  	[simem:s6], [sflag:s4] =	dma.local [hbm:s3], $0xF7A  }
0x26: {  	[smem:$0x3F97] =	sst s1;
	(tag) =	ssettag s2;
	_ =	strace s9  }
0x27: {  	s1 =	sld [smem:$0x3FA7]  }
0x28: {  	s2 =	sld [smem:$0x3FA8]  }
0x29: {  	s4 =	sld [smem:$0x3FAA]  }
0x2a: {  	p0 =	seq.s32 s5, $0x0;
	s5 =	sld [smem:$0x3FAB]  }
0x2b: {  	s6 =	sld [smem:$0x3FAC]  }
0x2c: {  	s7 =	sld [smem:$0x3FAD]  }
0x2d: {  	s3 =	simm.s32 $0x108;
	s8 =	sld [smem:$0x3FAE]  }
0x2e: {  	s3 =	simm.s32 @!p0 $0x1082;
	s9 =	sld [smem:$0x3FAF]  }
0x2f: {  	lr =	sadd.s32 s0, s3;
	s0 =	sld [smem:$0x3FA6]  }
0x30: {  	s3 =	sld [smem:$0x3FA9]  }
0x31: {  	[smem:$0x3FB2] =	sst s10  }
0x32: {  	s10 =	sld [smem:$0x3FB0];
	_ =	sdelay $0x3  }
0x33: {  	p0 =	seq.s32 s10, $0x1;
	s10 =	sld [smem:$0x3FB2];
	_ =	sdelay $0x3  }
0x34: {  	[smem:$0x3FB2] =	sst s10  }
0x35: {  	s10 =	sld [smem:$0x3FB1];
	_ =	sdelay $0x3  }
0x36: {  	p1 =	seq.s32 s10, $0x1;
	s10 =	sld [smem:$0x3FB2];
	_ =	sdelay $0x3  }
0x37: {  	[smem:$0x3FB2] =	sst s10  }
0x38: {  	s10 =	sld [smem:$0x3FB3]  }
0x39: {  	_ = 	snop;
	(pc) =	sbr.ind lr, $3  }
0x3a: {  	_ = 	snop  }
0x3b: {  	_ = 	snop  }
0x3c: {  	p2 =	seq.s32 s10, $0x1;
	s10 =	sld [smem:$0x3FB2]  }
0x3d: {  	_ =	shalt  }
0x3e: {  	_ =	shalt  }
0x3f: {  	_ =	shalt  }
0x40: {  	_ =	shalt  }
0x41: {  	_ =	shalt  }
0x42: {  	_ =	shalt  }
0x43: {  	_ =	shalt  }
0x44: {  	_ =	shalt  }
0x45: {  	_ =	shalt  }
0x46: {  	_ =	shalt  }
0x47: {  	_ =	shalt  }
0x48: {  	_ =	shalt  }
0x49: {  	_ =	shalt  }
0x4a: {  	_ =	shalt  }
0x4b: {  	_ =	shalt  }
0x4c: {  	_ =	shalt  }
0x4d: {  	_ =	shalt  }
0x4e: {  	_ =	shalt  }
0x4f: {  	_ =	shalt  }
0x50: {  	_ =	shalt  }
0x51: {  	_ =	shalt  }
0x52: {  	_ =	shalt  }
0x53: {  	_ =	shalt  }
0x54: {  	_ =	shalt  }
0x55: {  	_ =	shalt  }
0x56: {  	_ =	shalt  }
0x57: {  	_ =	shalt  }
0x58: {  	_ =	shalt  }
0x59: {  	_ =	shalt  }
0x5a: {  	_ =	shalt  }
0x5b: {  	_ =	shalt  }
0x5c: {  	_ =	shalt  }
0x5d: {  	_ =	shalt  }
0x5e: {  	_ =	shalt  }
0x5f: {  	_ =	shalt  }
0x60: {  	_ =	shalt  }
0x61: {  	_ =	shalt  }
0x62: {  	_ =	shalt  }
0x63: {  	_ =	shalt  }
0x64: {  	_ =	shalt  }
0x65: {  	_ =	shalt  }
0x66: {  	_ =	shalt  }
0x67: {  	_ =	shalt  }
0x68: {  	_ =	shalt  }
0x69: {  	_ =	shalt  }
0x6a: {  	_ =	shalt  }
0x6b: {  	_ =	shalt  }
0x6c: {  	_ =	shalt  }
0x6d: {  	_ =	shalt  }
0x6e: {  	_ =	shalt  }
0x6f: {  	_ =	shalt  }
0x70: {  	_ =	shalt  }
0x71: {  	_ =	shalt  }
0x72: {  	_ =	shalt  }
0x73: {  	_ =	shalt  }
0x74: {  	_ =	shalt  }
0x75: {  	_ =	shalt  }
0x76: {  	_ =	shalt  }
0x77: {  	_ =	shalt  }
0x78: {  	_ =	shalt  }
0x79: {  	_ =	shalt  }
0x7a: {  	_ =	shalt  }
0x7b: {  	_ =	shalt  }
0x7c: {  	_ =	shalt  }
0x7d: {  	_ =	shalt  }
0x7e: {  	_ =	shalt  }
0x7f: {  	_ =	shalt  }
0x80: {  	_ =	shalt  }
0x81: {  	_ =	shalt  }
0x82: {  	_ =	shalt  }
0x83: {  	_ =	shalt  }
0x84: {  	_ =	shalt  }
0x85: {  	_ =	shalt  }
0x86: {  	_ =	shalt  }
0x87: {  	_ =	shalt  }
.Lfunc_end0:
.L_simem_size_0:
called_computation_lowered:
.L_overlay_start_0:
0x88: {  	s2 =	sld [smem:$0x3FD9]  }
0x89: {  	s3 =	sld [smem:$0x3FFE];
	_ =	sdelay $0x1  }
0x8a: {  	s1 =	srdreg.scid  }
0x8b: {  	s0 =	sand.u32 $0x1, s1  }
0x8c: {  	s16 =	sshll.u32 s0, $0xA;
	s2 =	sadd.s32 s3, s2  }
0x8d: {  	s2 =	sadd.s32 s2, s16  }
0x8e: {  	[smem:$0x3FBE] =	sst s2  }
0x8f: {  	_ = 	snop  }
0x90: {  	(tm) =	ssettm $0x1  }
0x91: {  	s17 =	sld [smem:$0x3FFB];
	_ =	sdelay $0x3  }
0x92: {  	_ =	strace s17  }
0x93: {  	s2 =	sld [smem:$0x3FFC];
	_ =	sdelay $0x3  }
0x94: {  	_ =	strace s2  }
0x95: {  	s2 =	sld [smem:$0x3FFD];
	_ =	sdelay $0x3  }
0x96: {  	_ =	strace s2  }
0x97: {  	_ =	strace $0x8FFFFFFF  }
0x98: {  	s18 =	sld [smem:$0x3FDB];
	_ =	sdelay $0x1  }
0x99: {  	s19 =	simm.s32 $_scs_section_size  }
0x9a: {  	s4 =	simm.s32 $_size__tile_overlayer_lowered;
	s5 =	simm.s32 $_tile_overlayer_lowered  }
0x9b: {  	s22 =	simm.s32 $0x1BFF;
	s21 =	sshll.u32 s5, $0x1;
	s2 =	sadd.s32 s19, s18  }
0x9c: {  	s6 =	simm.s32 $0x0;
	s20 =	sshll.u32 s4, $0x1;
	s4 =	sadd.s32 s21, s2  }
0x9d: {  	[timem:s6], [sflag:s22] =	dma.local [hbm:s4], s20  }
0x9e: {  	_ =	swait.ge [sflag:s22], s20  }
0x9f: {  	s3 =	ssub.s32 $0x0, s20;
	[sflag:s22] =	ssyncset.done $0x0  }
0xa0: {  	[sflag:s22] =	ssyncadd.s32 s3;
	_ =	sdelay $0x1  }
0xa1: {  	s23 =	simm.s32 $0x1B8B  }
0xa2: {  	_ =	swait.ge [sflag:s23], $0x1  }
0xa3: {  	[sflag:s23] =	ssyncset.done $0x0  }
0xa4: {  	s25 =	simm.s32 $0x1B8E;
	s24 =	sld [smem:$0x3FFE];
	[sflag:s23] =	ssyncadd.s32 $0xFFFFFFFF  }
0xa5: {  	s26 =	simm.s32 $execute0_lowered;
	[smem:$0x3FD2] =	sst s25  }
0xa6: {  	s4 =	sshll.u32 s26, $0x1;
	_ =	strace $0x80000046;
	[dreg:$0x1] =	wrdreg $0xFFFFFFFF  }
0xa7: {  	s28 =	simm.s32 $_size_execute0_lowered;
	s2 =	sadd.s32 s2, s4;
	[dreg:$0x0] =	wrdreg $0x0  }
0xa8: {  	s4 =	sshll.u32 s28, $0x1;
	[dreg:$0x2] =	wrdreg s2  }
0xa9: {  	[dreg:$0x3] =	wrdreg s4  }
0xaa: {  	[dreg:$0x4] =	wrdreg $0xC0  }
0xab: {  	_ =	task [dreg:s6], $0x5FFFF  }
0xac: {  	[dreg:$0x1] =	wrdreg $0xFFFFFFFF  }
0xad: {  	[dreg:$0x0] =	wrdreg $0x60  }
0xae: {  	[dreg:$0x2] =	wrdreg s24  }
0xaf: {  	[dreg:$0x3] =	wrdreg $0xA8000  }
0xb0: {  	[dreg:$0x4] =	wrdreg $0x9  }
0xb1: {  	_ =	task.clear_ibuf [dreg:s6], $0x5FFFF;
	_ =	strace $0x90000046  }
0xb2: {  	s29 =	simm.s32 $0x9;
	_ =	strace $0x80000048  }
0xb3: {  	_ =	swait.ge [sflag:s29], $0x1  }
0xb4: {  	[sflag:s29] =	ssyncadd.s32 $0xFFFFFFFF  }
0xb5: {  	_ =	strace $0x90000048  }
0xb6: {  	_ =	sfence  }
0xb7: {  	s30 =	sld [smem:$0x0];
	_ =	sdelay $0x2  }
0xb8: {  	s31 =	sshll.u32 s1, $0xD;
	s1 =	sshrl.u32 s1, $0x2  }
0xb9: {  	s3 =	sand.u32 $0x4000, s31;
	s1 =	sadd.s32 s1, s30  }
0xba: {  	s0 =	sor.u32 s3, s0;
	s1 =	sshll.u32 s1, $0x11  }
0xbb: {  	s0 =	sor.u32 s1, s0  }
0xbc: {  	s0 =	sadd.s32 $0x8F2B, s0  }
0xbd: {  	[sflag:s0] =	ssyncadd.remote.s32 $0x1  }
0xbe: {  	_ =	sfence.sel $0xFFFF  }
0xbf: {  	[dreg:$0x0] =	wrdreg $0xFFFFFFFF;
	(pc) =	sbr.abs _section_cstart, $3  }
0xc0: {  	[dreg:$0x1] =	wrdreg $0xFFFFFFFF  }
0xc1: {  	_ =	task.clear_ibuf [dreg:s6], $0x2FFFF;
	_ =	strace $0x9FFFFFFF  }
0xc2: {  	(tm) =	ssettm $0x7FFFFFFF  }
0xc3: {  	_ =	shalt  }
tec
execute0_lowered:
.L_overlay_start_1:
0x0: {  	(tag) =	ssettag $0x1  }
0x1: {  	s0 =	rddreg [dreg:$0x0]  }
0x2: {  	s2 =	rddreg [dreg:$0x1];
	s1 =	srdreg.scid  }
0x3: {  	s23 =	stileid.u32;
	s3 =	simm.s32 $0x0;
	s28 =	simm.s32 $0x2780  }
0x4: {  	s29 =	simm.s32 $0x4;
	s30 =	simm.s32 $0x0;
	s1 =	sand.u32 $0x1, s1  }
0x5: {  	s4 =	sshll.u32 s23, $0x2;
	[smem:$0x7FF] =	sst s3;
	s9 =	smul.u32 $0x4E000, s23  }
0x6: {  	s10 =	sadd.s32 $0x2200, s0;
	s16 =	smul.u32 $0x2700, s23;
	s13 =	sadd.s32 $0x138000, s2  }
0x7: {  	p0 =	sne.s32 s23, $0xF;
	s23 =	simm.s32 $0x6680;
	s5 =	sshll.u32 s1, $0x1  }
0x8: {  	_ =	strace $0x80000047;
	s6 =	ssub.s32 $0x2, s1;
	s31 =	smul.u32 $0x138800, s1  }
0x9: {  	s1 =	smul.u32 $0x27100, s1;
	s5 =	sor.u32 s5, s4;
	s4 =	sadd.s32 $0x16200, s0  }
0xa: {  	s8 =	sshrl.u32 s6, $0x1;
	s0 =	sadd.s32 $0x3D400, s0;
	s7 =	smul.u32 $0x1400, s5  }
0xb: {  	s20 =	sshrl.u32 s9, $0x2;
	s6 =	ssub.s32 s6, s8;
	s18 =	smul.u32 $0x280, s5  }
0xc: {  	s5 =	sadd.s32 s20, s2;
	s1 =	sadd.s32 s16, s1;
	s20 =	simm.s32 $0x1400  }
0xd: {  	s24 =	sadd.s32 $0x3400, s5;
	s25 =	sadd.s32 $0x6800, s5;
	s26 =	sadd.s32 $0x9C00, s5  }
0xe: {  	s11 =	sadd.s32 $0xD000, s5;
	s12 =	sadd.s32 $0x10400, s5;
	[dreg:$0x5] =	wrdreg s24  }
0xf: {  	s16 =	sadd.s32 s0, s1;
	s19 =	sshrl.u32 s7, $0x3;
	[dreg:$0x6] =	wrdreg s25  }
0x10: {  	s21 =	sadd.s32 s10, s18;
	[dreg:$0x7] =	wrdreg s26;
	s7 =	sshrl.u32 s31, $0x3  }
0x11: {  	s18 =	smax.u32 s6, $0x1;
	s24 =	simm.s32 $0x80;
	s25 =	simm.s32 $0x3  }
0x12: {  	s26 =	simm.s32 $0x2;
	s15 =	sadd.s32 s10, s19;
	[dreg:$0x3] =	wrdreg s21  }
0x13: {  	s7 =	sadd.s32 s0, s7;
	s19 =	simm.s32 $0x5;
	s21 =	simm.s32 $0x7D  }
0x14: {  	s22 =	sadd.s32 $0xA000, s15;
	s14 =	sadd.s32 $0x280, s15;
	s15 =	sadd.s32 $0xA280, s15  }
0x15: {  	v0 =	vimm.f32 $0.0e+00;
	s17 =	sadd.s32 $0x27000, s7;
	[dreg:$0x4] =	wrdreg s22;
	s22 =	simm.s32 $0x2800  }
.LBB2_1:
0x16: {  	s0 =	rddreg [dreg:$0x3]  }
0x17: {  	[tilespmem:s3], [sflag:$0x5] =	stream.linear.gather [hbm4b:s0+s3], $0x1400, $0x38;
	[tilespmem:$0x1E080] =	vst v63  }
0x18: {  	_ =	swait.ge [sflag:s19], $0x1400  }
0x19: {  	[sflag:s19] =	ssyncset.done $0x0  }
0x1a: {  	s31 =	rddreg [dreg:$0x4];
	[sflag:s19] =	ssyncadd.s32 $0xFFFFEC00  }
0x1b: {  	[tilespmem:s20], [sflag:$0x5] =	stream.linear.gather [hbm4b:s31+s3], $0x1400, $0x38;
	[tilespmem:$0x1E080] =	vst v63  }
0x1c: {  	_ =	swait.ge [sflag:s19], $0x1400  }
0x1d: {  	[sflag:s19] =	ssyncset.done $0x0  }
0x1e: {  	s1 =	simm.s32 $0x200;
	s0 =	simm.s32 $0x0;
	[sflag:s19] =	ssyncadd.s32 $0xFFFFEC00  }
0x1f: {  	[tilespmem:s22], [sflag:$0x1] =	stream.indirect.gather [hbm4b:s4+s21], $0x80, s3, s21, $0xb8;
	[tilespmem:$0x1E080] =	vst v63  }
.LBB2_2:
0x20: {  	p1 =	sne.s32 s1, $0xCE00;
	[tilespmem:s0+$0x66F0] =	vst v0  }
0x21: {  	[tilespmem:s0+$0x6680] =	vst v0  }
0x22: {  	[tilespmem:s0+$0x6690] =	vst v0  }
.Ltmp0:
0x23: {  	[tilespmem:s0+$0x66A0] =	vst v0;
	(pc) =	sbr.rel @p1 .LBB2_2-.Ltmp0, $4  }
0x24: {  	[tilespmem:s0+$0x66B0] =	vst v0  }
0x25: {  	[tilespmem:s0+$0x66C0] =	vst v0  }
0x26: {  	[tilespmem:s0+$0x66D0] =	vst v0  }
0x27: {  	[tilespmem:s0+$0x66E0] =	vst v0;
	s0 =	sshra.s32 s1, $0x2;
	s1 =	sadd.s32 $0x200, s1  }
0x28: {  	[tilespmem:s0+$0x66F0] =	vst v0  }
0x29: {  	[tilespmem:s0+$0x6680] =	vst v0  }
0x2a: {  	[tilespmem:s0+$0x6690] =	vst v0  }
0x2b: {  	[tilespmem:s0+$0x66A0] =	vst v0  }
0x2c: {  	[tilespmem:s0+$0x66B0] =	vst v0  }
0x2d: {  	[tilespmem:s0+$0x66C0] =	vst v0  }
0x2e: {  	[tilespmem:s0+$0x66D0] =	vst v0  }
0x2f: {  	[tilespmem:s0+$0x66E0] =	vst v0  }
0x30: {  	[spmem:s5] =	stream.linear.scatter [tilespmem:s23], [sflag:$0x5], $0x3400, $0x38;
	[tilespmem:$0x1E080] =	vst v63  }
0x31: {  	_ =	swait.ge [sflag:s19], $0x3400  }
0x32: {  	[sflag:s19] =	ssyncset.done $0x0  }
0x33: {  	s6 =	rddreg [dreg:$0x5];
	[sflag:s19] =	ssyncadd.s32 $0xFFFFCC00  }
0x34: {  	[spmem:s6] =	stream.linear.scatter [tilespmem:s23], [sflag:$0x5], $0x3400, $0x38;
	[tilespmem:$0x1E080] =	vst v63  }
0x35: {  	_ =	swait.ge [sflag:s19], $0x3400  }
0x36: {  	[sflag:s19] =	ssyncset.done $0x0  }
0x37: {  	s7 =	rddreg [dreg:$0x6];
	[sflag:s19] =	ssyncadd.s32 $0xFFFFCC00  }
0x38: {  	[spmem:s7] =	stream.linear.scatter [tilespmem:s23], [sflag:$0x5], $0x3400, $0x38;
	[tilespmem:$0x1E080] =	vst v63  }
0x39: {  	_ =	swait.ge [sflag:s19], $0x3400  }
0x3a: {  	[sflag:s19] =	ssyncset.done $0x0  }
0x3b: {  	s8 =	rddreg [dreg:$0x7];
	[sflag:s19] =	ssyncadd.s32 $0xFFFFCC00  }
0x3c: {  	[spmem:s8] =	stream.linear.scatter [tilespmem:s23], [sflag:$0x5], $0x3400, $0x38;
	[tilespmem:$0x1E080] =	vst v63  }
0x3d: {  	_ =	swait.ge [sflag:s19], $0x3400  }
0x3e: {  	[sflag:s19] =	ssyncset.done $0x0  }
0x3f: {  	[sflag:s19] =	ssyncadd.s32 $0xFFFFCC00  }
0x40: {  	[spmem:s11] =	stream.linear.scatter [tilespmem:s23], [sflag:$0x5], $0x3400, $0x38;
	[tilespmem:$0x1E080] =	vst v63  }
0x41: {  	_ =	swait.ge [sflag:s19], $0x3400  }
0x42: {  	[sflag:s19] =	ssyncset.done $0x0  }
0x43: {  	[sflag:s19] =	ssyncadd.s32 $0xFFFFCC00  }
0x44: {  	[spmem:s12] =	stream.linear.scatter [tilespmem:s23], [sflag:$0x5], $0x3400, $0x38;
	[tilespmem:$0x1E080] =	vst v63  }
0x45: {  	_ =	swait.ge [sflag:s19], $0x3400  }
0x46: {  	[sflag:s19] =	ssyncset.done $0x0  }
0x47: {  	s0 =	simm.s32 @!p0 $0x6680;
	[sflag:s19] =	ssyncadd.s32 $0xFFFFCC00  }
0x48: {  	[spmem:s13] =	stream.linear.scatter @!p0 [tilespmem:s0], [sflag:$0x5], $0x800, $0x38;
	[tilespmem:$0x1E080] =	vst v63  }
0x49: {  	s0 =	simm.s32 @!p0 $0x5  }
0x4a: {  	_ =	swait.ge @!p0 [sflag:s0], $0x800  }
0x4b: {  	[sflag:s0] =	ssyncset.done @!p0 $0x0  }
0x4c: {  	[sflag:s0] =	ssyncadd.s32 @!p0 $0xFFFFF800  }
0x4d: {  	s9 =	simm.s32 $0x1;
	[bflag:$0x0] =	sbarrier.arrive $0xFFFF  }
0x4e: {  	[tilespmem:s23], [sflag:$0x2] =	stream.indirect.gather [hbm4b:s4+s21], $0x80, s24, s21, $0xb8;
	[tilespmem:$0x1E080] =	vst v63  }
0x4f: {  	s0 =	sand.u32 $0x1, s9;
	_ =	swait.ge [sflag:s9], $0x3E80  }
0x50: {  	p1 =	seq.s32 s0, $0x1;
	[sflag:s9] =	ssyncset.done $0x0  }
0x51: {  	s0 =	simm.s32 @p1 $0x3;
	[sflag:s9] =	ssyncadd.s32 $0xFFFFC180  }
0x52: {  	[spmem:s2] =	stream.indirect.scatter.add.f32 [tilespmem:s22], [sflag:$0x3], $0x80, s20, s21, $0xb8;
	[tilespmem:$0x1E080] =	vst v63  }
0x53: {  	_ =	swait.ge @p1 [sflag:s0], $0x3E80  }
0x54: {  	s1 =	simm.s32 @p1 $0x2800;
	s6 =	simm.s32 @p1 $0x2;
	[sflag:s0] =	ssyncset.done @p1 $0x0  }
0x55: {  	s7 =	simm.s32 @p1 $0x7D;
	[sflag:s0] =	ssyncadd.s32 @p1 $0xFFFFC180;
	s0 =	simm.s32 @p1 $0x100  }
0x56: {  	[tilespmem:s1], [sflag:$0x1] =	stream.indirect.gather @p1 [hbm4b:s4+s7], $0x80, s0, s7, $0xb8;
	[tilespmem:$0x1E080] =	vst v63  }
0x57: {  	_ =	swait.ge @p1 [sflag:s6], $0x3E80;
	p1 =	por p1, p1  }
0x58: {  	s31 =	simm.s32 $0x2;
	s0 =	simm.s32 $0x1480;
	[sflag:s6] =	ssyncset.done @p1 $0x0  }
0x59: {  	s1 =	simm.s32 @p1 $0x6680;
	s8 =	simm.s32 @!p1 $0x4;
	[sflag:s6] =	ssyncadd.s32 @p1 $0xFFFFC180  }
0x5a: {  	[spmem:s2] =	stream.indirect.scatter.add.f32 @p1 [tilespmem:s1], [sflag:$0x4], $0x80, s0, s7, $0xb8;
	[tilespmem:$0x1E080] =	vst v63  }
0x5b: {  	s10 =	sand.u32 $0x1, s31;
	_ =	swait.ge @!p1 [sflag:s8], $0x3E80  }
0x5c: {  	s9 =	simm.s32 @!p1 $0x6680;
	s6 =	simm.s32 @!p1 $0x1;
	[sflag:s8] =	ssyncset.done @!p1 $0x0  }
0x5d: {  	s7 =	simm.s32 @!p1 $0x7D;
	[sflag:s8] =	ssyncadd.s32 @!p1 $0xFFFFC180;
	s8 =	simm.s32 @!p1 $0x100  }
0x5e: {  	[tilespmem:s9], [sflag:$0x2] =	stream.indirect.gather @!p1 [hbm4b:s4+s7], $0x80, s8, s7, $0xb8;
	[tilespmem:$0x1E080] =	vst v63  }
0x5f: {  	s31 =	simm.s32 $0x1500;
	p2 =	seq.s32 s10, $0x1;
	_ =	swait.ge @!p1 [sflag:s6], $0x3E80  }
0x60: {  	s1 =	simm.s32 $0x3;
	s8 =	simm.s32 @!p1 $0x2800;
	[sflag:s6] =	ssyncset.done @!p1 $0x0  }
.LBB2_4:
0x61: {  	s9 =	simm.s32 @p2 $0x3  }
0x62: {  	[sflag:s6] =	ssyncadd.s32 @!p1 $0xFFFFC180;
	s10 =	smov.u32 s1;
	s1 =	sadd.s32 $0x1, s1  }
0x63: {  	[spmem:s2] =	stream.indirect.scatter.add.f32 @!p1 [tilespmem:s8], [sflag:$0x3], $0x80, s0, s7, $0xb8;
	[tilespmem:$0x1E080] =	vst v63  }
0x64: {  	p3 =	sne.s32 s1, $0x27;
	s0 =	smov.u32 s31;
	_ =	swait.ge @p2 [sflag:s9], $0x3E80  }
0x65: {  	s6 =	simm.s32 @p2 $0x2800;
	s7 =	simm.s32 @p2 $0x2;
	[sflag:s9] =	ssyncset.done @p2 $0x0  }
0x66: {  	s8 =	sadd.s32 @p2 $0xFFFFEC80, s31;
	[sflag:s9] =	ssyncadd.s32 @p2 $0xFFFFC180;
	s9 =	simm.s32 @p2 $0x7D  }
0x67: {  	[tilespmem:s6], [sflag:$0x1] =	stream.indirect.gather @p2 [hbm4b:s4+s9], $0x80, s8, s9, $0xb8;
	[tilespmem:$0x1E080] =	vst v63  }
0x68: {  	p1 =	por p2, p2;
	_ =	swait.ge @p2 [sflag:s7], $0x3E80  }
0x69: {  	[sflag:s7] =	ssyncset.done @p1 $0x0  }
0x6a: {  	s6 =	simm.s32 @p1 $0x6680;
	[sflag:s7] =	ssyncadd.s32 @p1 $0xFFFFC180;
	s7 =	simm.s32 @!p1 $0x4  }
0x6b: {  	[spmem:s2] =	stream.indirect.scatter.add.f32 @p1 [tilespmem:s6], [sflag:$0x4], $0x80, s31, s9, $0xb8;
	[tilespmem:$0x1E080] =	vst v63  }
0x6c: {  	s6 =	simm.s32 @!p1 $0x1;
	_ =	swait.ge @!p1 [sflag:s7], $0x3E80  }
.Ltmp1:
0x6d: {  	s8 =	simm.s32 @!p1 $0x6680;
	[sflag:s7] =	ssyncset.done @!p1 $0x0;
	(pc) =	sbr.rel @p3 .LBB2_4-.Ltmp1, $4  }
0x6e: {  	s9 =	sadd.s32 @!p1 $0xFFFFEC80, s31;
	[sflag:s7] =	ssyncadd.s32 @!p1 $0xFFFFC180;
	s7 =	simm.s32 @!p1 $0x7D  }
0x6f: {  	[tilespmem:s8], [sflag:$0x2] =	stream.indirect.gather @!p1 [hbm4b:s4+s7], $0x80, s9, s7, $0xb8;
	[tilespmem:$0x1E080] =	vst v63  }
0x70: {  	s31 =	sadd.s32 $0x80, s31;
	s8 =	sand.u32 $0x1, s10;
	_ =	swait.ge @!p1 [sflag:s6], $0x3E80  }
0x71: {  	p2 =	seq.s32 s8, $0x1;
	s8 =	simm.s32 @!p1 $0x2800;
	[sflag:s6] =	ssyncset.done @!p1 $0x0  }
0x72: {  	s1 =	simm.s32 @p2 $0x3;
	[sflag:s6] =	ssyncadd.s32 @!p1 $0xFFFFC180  }
0x73: {  	[spmem:s2] =	stream.indirect.scatter.add.f32 @!p1 [tilespmem:s8], [sflag:$0x3], $0x80, s0, s7, $0xb8;
	[tilespmem:$0x1E080] =	vst v63  }
0x74: {  	_ =	swait.ge @p2 [sflag:s1], $0x3E80  }
0x75: {  	s6 =	simm.s32 @p2 $0x2;
	s0 =	simm.s32 @p2 $0x2800;
	[sflag:s1] =	ssyncset.done @p2 $0x0  }
0x76: {  	s7 =	simm.s32 @p2 $0x7D;
	[sflag:s1] =	ssyncadd.s32 @p2 $0xFFFFC180;
	s1 =	sadd.s32 @p2 $0xFFFFEC80, s31  }
0x77: {  	[tilespmem:s0], [sflag:$0x1] =	stream.indirect.gather @p2 [hbm4b:s4+s7], $0x80, s1, s7, $0xb8;
	[tilespmem:$0x1E080] =	vst v63  }
0x78: {  	p1 =	por p2, p2;
	_ =	swait.ge @p2 [sflag:s6], $0x3E80  }
0x79: {  	[sflag:s6] =	ssyncset.done @p1 $0x0  }
0x7a: {  	s0 =	simm.s32 @p1 $0x6680;
	s1 =	simm.s32 @!p1 $0x4;
	[sflag:s6] =	ssyncadd.s32 @p1 $0xFFFFC180  }
0x7b: {  	[spmem:s2] =	stream.indirect.scatter.add.f32 @p1 [tilespmem:s0], [sflag:$0x4], $0x80, s31, s7, $0xb8;
	[tilespmem:$0x1E080] =	vst v63  }
0x7c: {  	_ =	swait.ge @!p1 [sflag:s1], $0x3E80  }
0x7d: {  	s6 =	simm.s32 @!p1 $0x6680;
	s0 =	simm.s32 @!p1 $0x1;
	[sflag:s1] =	ssyncset.done @!p1 $0x0  }
0x7e: {  	s7 =	simm.s32 @!p1 $0x7D;
	[sflag:s1] =	ssyncadd.s32 @!p1 $0xFFFFC180;
	s1 =	sadd.s32 @!p1 $0xFFFFEC80, s31  }
0x7f: {  	[tilespmem:s6], [sflag:$0x2] =	stream.indirect.gather @!p1 [hbm4b:s4+s7], $0x80, s1, s7, $0xb8;
	[tilespmem:$0x1E080] =	vst v63  }
0x80: {  	_ =	swait.ge @!p1 [sflag:s0], $0x3E80  }
0x81: {  	[sflag:s0] =	ssyncset.done @!p1 $0x0  }
0x82: {  	s1 =	simm.s32 @!p1 $0x2800;
	[sflag:s0] =	ssyncadd.s32 @!p1 $0xFFFFC180  }
0x83: {  	[spmem:s2] =	stream.indirect.scatter.add.f32 @!p1 [tilespmem:s1], [sflag:$0x3], $0x80, s31, s7, $0xb8;
	[tilespmem:$0x1E080] =	vst v63  }
0x84: {  	_ =	swait.ge [sflag:s25], $0x3E80  }
0x85: {  	[sflag:s25] =	ssyncset.done $0x0  }
0x86: {  	[sflag:s25] =	ssyncadd.s32 $0xFFFFC180  }
0x87: {  	_ =	swait.ge [sflag:s26], $0x3E80  }
0x88: {  	[sflag:s26] =	ssyncset.done $0x0  }
0x89: {  	[sflag:s26] =	ssyncadd.s32 $0xFFFFC180  }
0x8a: {  	[spmem:s2] =	stream.indirect.scatter.add.f32 [tilespmem:s23], [sflag:$0x4], $0x80, s28, s21, $0xb8;
	[tilespmem:$0x1E080] =	vst v63  }
0x8b: {  	_ =	swait.ge [sflag:s29], $0x3E80  }
0x8c: {  	[sflag:s29] =	ssyncset.done $0x0  }
0x8d: {  	[sflag:s29] =	ssyncadd.s32 $0xFFFFC180  }
0x8e: {  	[tilespmem:s3], [sflag:$0x5] =	stream.linear.gather [hbm4b:s14+s3], $0x1400, $0x38;
	[tilespmem:$0x1E080] =	vst v63  }
0x8f: {  	_ =	swait.ge [sflag:s19], $0x1400  }
0x90: {  	[sflag:s19] =	ssyncset.done $0x0  }
0x91: {  	[sflag:s19] =	ssyncadd.s32 $0xFFFFEC00  }
0x92: {  	[tilespmem:s20], [sflag:$0x5] =	stream.linear.gather [hbm4b:s15+s3], $0x1400, $0x38;
	[tilespmem:$0x1E080] =	vst v63  }
0x93: {  	_ =	swait.ge [sflag:s19], $0x1400  }
0x94: {  	[sflag:s19] =	ssyncset.done $0x0  }
0x95: {  	[sflag:s19] =	ssyncadd.s32 $0xFFFFEC00  }
0x96: {  	[tilespmem:s22], [sflag:$0x1] =	stream.indirect.gather [hbm4b:s4+s21], $0x80, s3, s21, $0xb8;
	[tilespmem:$0x1E080] =	vst v63  }
0x97: {  	s9 =	simm.s32 $0x1  }
0x98: {  	[tilespmem:s23], [sflag:$0x2] =	stream.indirect.gather [hbm4b:s4+s21], $0x80, s24, s21, $0xb8;
	[tilespmem:$0x1E080] =	vst v63  }
0x99: {  	s0 =	sand.u32 $0x1, s9;
	_ =	swait.ge [sflag:s9], $0x3E80  }
0x9a: {  	p1 =	seq.s32 s0, $0x1;
	[sflag:s9] =	ssyncset.done $0x0  }
0x9b: {  	s0 =	simm.s32 @p1 $0x3;
	[sflag:s9] =	ssyncadd.s32 $0xFFFFC180  }
0x9c: {  	[spmem:s2] =	stream.indirect.scatter.add.f32 [tilespmem:s22], [sflag:$0x3], $0x80, s20, s21, $0xb8;
	[tilespmem:$0x1E080] =	vst v63  }
0x9d: {  	_ =	swait.ge @p1 [sflag:s0], $0x3E80  }
0x9e: {  	s1 =	simm.s32 @p1 $0x2800;
	s6 =	simm.s32 @p1 $0x2;
	[sflag:s0] =	ssyncset.done @p1 $0x0  }
0x9f: {  	s7 =	simm.s32 @p1 $0x7D;
	[sflag:s0] =	ssyncadd.s32 @p1 $0xFFFFC180;
	s0 =	simm.s32 @p1 $0x100  }
0xa0: {  	[tilespmem:s1], [sflag:$0x1] =	stream.indirect.gather @p1 [hbm4b:s4+s7], $0x80, s0, s7, $0xb8;
	[tilespmem:$0x1E080] =	vst v63  }
0xa1: {  	_ =	swait.ge @p1 [sflag:s6], $0x3E80;
	p1 =	por p1, p1  }
0xa2: {  	s0 =	simm.s32 $0x1480;
	[sflag:s6] =	ssyncset.done @p1 $0x0  }
0xa3: {  	s1 =	simm.s32 @p1 $0x6680;
	s8 =	simm.s32 @!p1 $0x4;
	[sflag:s6] =	ssyncadd.s32 @p1 $0xFFFFC180  }
0xa4: {  	[spmem:s2] =	stream.indirect.scatter.add.f32 @p1 [tilespmem:s1], [sflag:$0x4], $0x80, s0, s7, $0xb8;
	[tilespmem:$0x1E080] =	vst v63  }
0xa5: {  	s31 =	simm.s32 $0x1500;
	s9 =	simm.s32 $0x2;
	_ =	swait.ge @!p1 [sflag:s8], $0x3E80  }
0xa6: {  	s10 =	simm.s32 @!p1 $0x6680;
	s6 =	simm.s32 @!p1 $0x1;
	[sflag:s8] =	ssyncset.done @!p1 $0x0  }
0xa7: {  	s7 =	simm.s32 @!p1 $0x7D;
	[sflag:s8] =	ssyncadd.s32 @!p1 $0xFFFFC180;
	s8 =	simm.s32 @!p1 $0x100  }
0xa8: {  	[tilespmem:s10], [sflag:$0x2] =	stream.indirect.gather @!p1 [hbm4b:s4+s7], $0x80, s8, s7, $0xb8;
	[tilespmem:$0x1E080] =	vst v63  }
0xa9: {  	s1 =	simm.s32 $0x3;
	s10 =	sand.u32 $0x1, s9;
	_ =	swait.ge @!p1 [sflag:s6], $0x3E80  }
0xaa: {  	s8 =	simm.s32 @!p1 $0x2800;
	p2 =	seq.s32 s10, $0x1;
	[sflag:s6] =	ssyncset.done @!p1 $0x0  }
.LBB2_6:
0xab: {  	s9 =	simm.s32 @p2 $0x3  }
0xac: {  	[sflag:s6] =	ssyncadd.s32 @!p1 $0xFFFFC180;
	s10 =	smov.u32 s1;
	s1 =	sadd.s32 $0x1, s1  }
0xad: {  	[spmem:s2] =	stream.indirect.scatter.add.f32 @!p1 [tilespmem:s8], [sflag:$0x3], $0x80, s0, s7, $0xb8;
	[tilespmem:$0x1E080] =	vst v63  }
0xae: {  	p3 =	sne.s32 s1, $0x27;
	s0 =	smov.u32 s31;
	_ =	swait.ge @p2 [sflag:s9], $0x3E80  }
0xaf: {  	s6 =	simm.s32 @p2 $0x2800;
	s7 =	simm.s32 @p2 $0x2;
	[sflag:s9] =	ssyncset.done @p2 $0x0  }
0xb0: {  	s8 =	sadd.s32 @p2 $0xFFFFEC80, s31;
	[sflag:s9] =	ssyncadd.s32 @p2 $0xFFFFC180;
	s9 =	simm.s32 @p2 $0x7D  }
0xb1: {  	[tilespmem:s6], [sflag:$0x1] =	stream.indirect.gather @p2 [hbm4b:s4+s9], $0x80, s8, s9, $0xb8;
	[tilespmem:$0x1E080] =	vst v63  }
0xb2: {  	p1 =	por p2, p2;
	_ =	swait.ge @p2 [sflag:s7], $0x3E80  }
0xb3: {  	[sflag:s7] =	ssyncset.done @p1 $0x0  }
0xb4: {  	s6 =	simm.s32 @p1 $0x6680;
	[sflag:s7] =	ssyncadd.s32 @p1 $0xFFFFC180;
	s7 =	simm.s32 @!p1 $0x4  }
0xb5: {  	[spmem:s2] =	stream.indirect.scatter.add.f32 @p1 [tilespmem:s6], [sflag:$0x4], $0x80, s31, s9, $0xb8;
	[tilespmem:$0x1E080] =	vst v63  }
0xb6: {  	s6 =	simm.s32 @!p1 $0x1;
	_ =	swait.ge @!p1 [sflag:s7], $0x3E80  }
.Ltmp2:
0xb7: {  	s8 =	simm.s32 @!p1 $0x6680;
	[sflag:s7] =	ssyncset.done @!p1 $0x0;
	(pc) =	sbr.rel @p3 .LBB2_6-.Ltmp2, $4  }
0xb8: {  	s9 =	sadd.s32 @!p1 $0xFFFFEC80, s31;
	[sflag:s7] =	ssyncadd.s32 @!p1 $0xFFFFC180;
	s7 =	simm.s32 @!p1 $0x7D  }
0xb9: {  	[tilespmem:s8], [sflag:$0x2] =	stream.indirect.gather @!p1 [hbm4b:s4+s7], $0x80, s9, s7, $0xb8;
	[tilespmem:$0x1E080] =	vst v63  }
0xba: {  	s31 =	sadd.s32 $0x80, s31;
	s8 =	sand.u32 $0x1, s10;
	_ =	swait.ge @!p1 [sflag:s6], $0x3E80  }
0xbb: {  	p2 =	seq.s32 s8, $0x1;
	s8 =	simm.s32 @!p1 $0x2800;
	[sflag:s6] =	ssyncset.done @!p1 $0x0  }
0xbc: {  	s1 =	simm.s32 @p2 $0x3;
	[sflag:s6] =	ssyncadd.s32 @!p1 $0xFFFFC180  }
0xbd: {  	[spmem:s2] =	stream.indirect.scatter.add.f32 @!p1 [tilespmem:s8], [sflag:$0x3], $0x80, s0, s7, $0xb8;
	[tilespmem:$0x1E080] =	vst v63  }
0xbe: {  	_ =	swait.ge @p2 [sflag:s1], $0x3E80  }
0xbf: {  	s6 =	simm.s32 @p2 $0x2;
	s0 =	simm.s32 @p2 $0x2800;
	[sflag:s1] =	ssyncset.done @p2 $0x0  }
0xc0: {  	s7 =	simm.s32 @p2 $0x7D;
	[sflag:s1] =	ssyncadd.s32 @p2 $0xFFFFC180;
	s1 =	sadd.s32 @p2 $0xFFFFEC80, s31  }
0xc1: {  	[tilespmem:s0], [sflag:$0x1] =	stream.indirect.gather @p2 [hbm4b:s4+s7], $0x80, s1, s7, $0xb8;
	[tilespmem:$0x1E080] =	vst v63  }
0xc2: {  	p1 =	por p2, p2;
	_ =	swait.ge @p2 [sflag:s6], $0x3E80  }
0xc3: {  	[sflag:s6] =	ssyncset.done @p1 $0x0  }
0xc4: {  	s0 =	simm.s32 @p1 $0x6680;
	s1 =	simm.s32 @!p1 $0x4;
	[sflag:s6] =	ssyncadd.s32 @p1 $0xFFFFC180  }
0xc5: {  	[spmem:s2] =	stream.indirect.scatter.add.f32 @p1 [tilespmem:s0], [sflag:$0x4], $0x80, s31, s7, $0xb8;
	[tilespmem:$0x1E080] =	vst v63  }
0xc6: {  	_ =	swait.ge @!p1 [sflag:s1], $0x3E80  }
0xc7: {  	s6 =	simm.s32 @!p1 $0x6680;
	s0 =	simm.s32 @!p1 $0x1;
	[sflag:s1] =	ssyncset.done @!p1 $0x0  }
0xc8: {  	s7 =	simm.s32 @!p1 $0x7D;
	[sflag:s1] =	ssyncadd.s32 @!p1 $0xFFFFC180;
	s1 =	sadd.s32 @!p1 $0xFFFFEC80, s31  }
0xc9: {  	[tilespmem:s6], [sflag:$0x2] =	stream.indirect.gather @!p1 [hbm4b:s4+s7], $0x80, s1, s7, $0xb8;
	[tilespmem:$0x1E080] =	vst v63  }
0xca: {  	_ =	swait.ge @!p1 [sflag:s0], $0x3E80  }
0xcb: {  	[sflag:s0] =	ssyncset.done @!p1 $0x0  }
0xcc: {  	s1 =	simm.s32 @!p1 $0x2800;
	[sflag:s0] =	ssyncadd.s32 @!p1 $0xFFFFC180  }
0xcd: {  	[spmem:s2] =	stream.indirect.scatter.add.f32 @!p1 [tilespmem:s1], [sflag:$0x3], $0x80, s31, s7, $0xb8;
	[tilespmem:$0x1E080] =	vst v63  }
0xce: {  	_ =	swait.ge [sflag:s25], $0x3E80  }
0xcf: {  	[sflag:s25] =	ssyncset.done $0x0  }
0xd0: {  	[sflag:s25] =	ssyncadd.s32 $0xFFFFC180  }
0xd1: {  	_ =	swait.ge [sflag:s26], $0x3E80  }
0xd2: {  	[sflag:s26] =	ssyncset.done $0x0  }
0xd3: {  	[sflag:s26] =	ssyncadd.s32 $0xFFFFC180  }
0xd4: {  	[spmem:s2] =	stream.indirect.scatter.add.f32 [tilespmem:s23], [sflag:$0x4], $0x80, s28, s21, $0xb8;
	[tilespmem:$0x1E080] =	vst v63  }
0xd5: {  	_ =	swait.ge [sflag:s29], $0x3E80  }
0xd6: {  	s10 =	stileid.u32;
	[sflag:s29] =	ssyncset.done $0x0  }
0xd7: {  	s0 =	sshll.u32 s10, $0x6;
	[sflag:s29] =	ssyncadd.s32 $0xFFFFC180  }
0xd8: {  	s0 =	sor.u32 $0x1C05, s0;
	s31 =	sshrl.u32 s5, $0x3;
	[bflag:$0x0] =	sbarrier.arrive $0xFFFF  }
0xd9: {  	[hbm:s16], [sflag:s0] =	dma.local [spmem:s31], $0x2700  }
0xda: {  	_ =	swait.ge [sflag:s19], $0x2700  }
0xdb: {  	s30 =	sadd.s32 $0x1, s30;
	[sflag:s19] =	ssyncset.done $0x0  }
0xdc: {  	s1 =	sshrl.u32 @!p0 s13, $0x3;
	p1 =	sne.s32 s30, s18;
	[sflag:s19] =	ssyncadd.s32 $0xFFFFD900  }
0xdd: {  	[hbm:s17], [sflag:s0] =	dma.local @!p0 [spmem:s1], $0x100  }
.Ltmp3:
0xde: {  	_ = 	snop;
	(pc) =	sbr.rel @p1 .LBB2_1-.Ltmp3, $4  }
0xdf: {  	s0 =	simm.s32 @!p0 $0x5  }
0xe0: {  	_ =	swait.ge @!p0 [sflag:s0], $0x100  }
0xe1: {  	[sflag:s0] =	ssyncset.done @!p0 $0x0  }
0xe2: {  	[sflag:s0] =	ssyncadd.s32 @!p0 $0xFFFFFF00  }
0xe3: {  	_ =	sfence.sel $0x180000  }
0xe4: {  	[bflag:$0x0] =	sbarrier.arrive $0xFFFF  }
0xe5: {  	_ =	strace $0x90000047  }
0xe6: {  	s0 =	stileid.u32;
	[bflag:$0x2] =	sbarrier.arrive $0xFFFF  }
0xe7: {  	p0 =	sne.s32 s0, $0x0;
	s0 =	rddreg [dreg:$0x2]  }
0xe8: {  	s0 =	sadd.s32 @!p0 $0x100000, s0  }
0xe9: {  	[sflag:s0] =	ssyncadd.tile.s32 @!p0 $0x1;
	_ =	shalt  }
.Lfunc_end2:
_tile_overlayer_lowered:
.L_overlay_start_2:
0xea: {  	(tag) =	ssettag $0x2  }
0xeb: {  	s0 =	rddreg [dreg:$0x0];
	s2 =	stileid.u32  }
0xec: {  	s1 =	rddreg [dreg:$0x1];
	p0 =	sne.s32 s2, $0x0  }
0xed: {  	s3 =	rddreg [dreg:$0x2];
	[bflag:$0x3] =	sbarrier.arrive $0xFFFF;
	s2 =	simm.s32 @!p0 $0x1C05  }
0xee: {  	[timem:s3], [sflag:s2] =	dma.local @!p0 [hbm:s0], s1  }
0xef: {  	s0 =	simm.s32 @!p0 $0x5  }
0xf0: {  	_ =	swait.ge @!p0 [sflag:s0], s1  }
0xf1: {  	s1 =	ssub.s32 @!p0 $0x0, s1;
	[sflag:s0] =	ssyncset.done @!p0 $0x0  }
0xf2: {  	[sflag:s0] =	ssyncadd.s32 @!p0 s1  }
0xf3: {  	[bflag:$0x3] =	sbarrier.arrive $0xFFFF  }
0xf4: {  	_ =	shalt  }

</sc_bundles>
